<compile_context>
chip_gen: v7x
topology: tpu7x:2x2x1
jax: 0.10.2.dev20260603
libtpu: 0.0.44.dev20260713+nightly
codegen_flags: <defaults>
</compile_context>

<pallas_src>
import functools

import jax
import jax.numpy as jnp
from jax import lax
from jax.experimental import pallas as pl
from jax.experimental.pallas import tpu as pltpu
from jax.experimental.pallas import tpu_sc as plsc

N = 100000
XS = 128
HS = 128

NC = 2
NS = 16
NW = NC * NS
CHUNK = 64
GRP = 5
NPAD = 102400
TOTCH = NPAD // CHUNK
ACH = 90
BCH = 10
MAXCH = max(ACH, BCH)
GROW = GRP * CHUNK

BLK = 1000


def _gather_body(hc_hbm, idx0_hbm, idx1_hbm, hc0_hbm, hc1_hbm,
                 idx0_v, idx1_v, ring, sem_a, sem_b):
    cid = lax.axis_index("c")
    sid = lax.axis_index("s")
    wid = cid * NS + sid
    on_a = cid == 0
    chunkbase = jnp.where(on_a, sid * ACH, 16 * ACH + sid * BCH)
    ngrp2 = jnp.where(on_a, ACH // (2 * GRP), BCH // (2 * GRP))
    pltpu.sync_copy(idx0_hbm.at[wid], idx0_v)
    pltpu.sync_copy(idx1_hbm.at[wid], idx1_v)
    outbase = chunkbase * CHUNK

    def fire(idxv, g, half, hsem):
        return [pltpu.async_copy(hc_hbm.at[idxv.at[g * GRP + k]],
                                 ring.at[half].at[pl.ds(k * CHUNK, CHUNK)],
                                 hsem)
                for k in range(GRP)]

    for idxv, out in ((idx0_v, hc0_hbm), (idx1_v, hc1_hbm)):
        def grp_body(g2, carry, idxv=idxv, out=out):
            geven = 2 * g2
            cps_a = fire(idxv, geven, 0, sem_a)
            cps_b = fire(idxv, geven + 1, 1, sem_b)
            for cp in cps_a:
                cp.wait()
            pltpu.sync_copy(ring.at[0],
                            out.at[pl.ds(outbase + geven * GROW, GROW)])
            for cp in cps_b:
                cp.wait()
            pltpu.sync_copy(ring.at[1],
                            out.at[pl.ds(outbase + (geven + 1) * GROW, GROW)])
            return carry
        lax.fori_loop(0, ngrp2, grp_body, 0)


_gather_call = functools.partial(
    pl.kernel,
    mesh=plsc.VectorSubcoreMesh(core_axis_name="c", subcore_axis_name="s"),
    out_type=[jax.ShapeDtypeStruct((NPAD, HS), jnp.float32)] * 2,
    scratch_types=[
        pltpu.VMEM((MAXCH, CHUNK), jnp.int32),
        pltpu.VMEM((MAXCH, CHUNK), jnp.int32),
        pltpu.VMEM((2, GROW, HS), jnp.float32),
        pltpu.SemaphoreType.DMA,
        pltpu.SemaphoreType.DMA,
    ],
)(_gather_body)


PBLK = 2000


def _pack_body(h_ref, c_ref, out_ref):
    hb = h_ref[...].astype(jnp.bfloat16)
    cb = c_ref[...].astype(jnp.bfloat16)
    uh = lax.convert_element_type(
        lax.bitcast_convert_type(hb, jnp.uint16), jnp.uint32)
    uc = lax.convert_element_type(
        lax.bitcast_convert_type(cb, jnp.uint16), jnp.uint32)
    out_ref[...] = lax.bitcast_convert_type(uh | (uc << 16), jnp.float32)


def _pack_call(h, c):
    spec = pl.BlockSpec((PBLK, HS), lambda i: (i, 0))
    return pl.pallas_call(
        _pack_body,
        grid=(N // PBLK,),
        in_specs=[spec, spec],
        out_specs=spec,
        out_shape=jax.ShapeDtypeStruct((N, HS), jnp.float32),
        compiler_params=pltpu.CompilerParams(
            dimension_semantics=("arbitrary",)),
    )(h, c)


def _tc_body(x_ref, hc0_ref, hc1_ref,
             w_ref, u0_ref, u1_ref, biou_ref, bf_ref,
             hout_ref, cout_ref):
    dot = lambda a, b: lax.dot_general(a, b, (((1,), (0,)), ((), ())),
                                       preferred_element_type=jnp.float32)
    bft = jnp.bfloat16
    u0 = lax.bitcast_convert_type(hc0_ref[...], jnp.uint32)
    u1 = lax.bitcast_convert_type(hc1_ref[...], jnp.uint32)
    mask = jnp.uint32(0xFFFF0000)
    h0 = lax.bitcast_convert_type(u0 << 16, jnp.float32).astype(bft)
    c0 = lax.bitcast_convert_type(u0 & mask, jnp.float32)
    h1 = lax.bitcast_convert_type(u1 << 16, jnp.float32).astype(bft)
    c1 = lax.bitcast_convert_type(u1 & mask, jnp.float32)
    sg = lambda z: 0.5 + 0.5 * jnp.tanh(0.5 * z)
    r = dot(h0, u0_ref[...]) + dot(h1, u1_ref[...])
    iou = dot(x_ref[...], w_ref[...]) + r[:, :3 * HS] + biou_ref[...]
    f = sg(r[:, 3 * HS:] + bf_ref[...])
    c_red = f[:, :HS] * c0 + f[:, HS:] * c1
    i = sg(iou[:, :HS])
    o = sg(iou[:, HS:2 * HS])
    u = jnp.tanh(iou[:, 2 * HS:])
    c_new = i * u + c_red
    cout_ref[...] = c_new
    hout_ref[...] = o * jnp.tanh(c_new)


def _tc_call(x, hc0, hc1, w, u0, u1, biou, bf):
    grid = (N // BLK,)
    row_spec = pl.BlockSpec((BLK, HS), lambda i: (i, 0))
    full = lambda a: pl.BlockSpec(a.shape, lambda i: (0,) * a.ndim)
    return pl.pallas_call(
        _tc_body,
        grid=grid,
        in_specs=[row_spec, row_spec, row_spec,
                  full(w), full(u0), full(u1), full(biou), full(bf)],
        out_specs=[row_spec, row_spec],
        out_shape=[jax.ShapeDtypeStruct((N, HS), jnp.float32)] * 2,
        compiler_params=pltpu.CompilerParams(
            dimension_semantics=("arbitrary",)),
    )(x, hc0, hc1, w, u0, u1, biou, bf)


def _split_idx(col):
    flat = jnp.pad(col, (0, NPAD - N)).reshape(TOTCH, CHUNK)
    pa = jnp.pad(flat[:16 * ACH].reshape(16, ACH, CHUNK),
                 ((0, 0), (0, MAXCH - ACH), (0, 0)))
    if BCH:
        pb = jnp.pad(flat[16 * ACH:].reshape(16, BCH, CHUNK),
                     ((0, 0), (0, MAXCH - BCH), (0, 0)))
    else:
        pb = jnp.zeros((16, MAXCH, CHUNK), jnp.int32)
    return jnp.concatenate([pa, pb], axis=0)


def kernel(x, h, c, child_idx, W_iou, U_iou, b_iou, Uf_w, Uf_b):
    idx0 = _split_idx(child_idx[:, 0])
    idx1 = _split_idx(child_idx[:, 1])
    bft = jnp.bfloat16
    hc = _pack_call(h, c)
    hc0, hc1 = _gather_call(hc, idx0, idx1)
    u0 = jnp.concatenate([U_iou[:HS], Uf_w[:HS]], axis=1).astype(bft)
    u1 = jnp.concatenate([U_iou[HS:], Uf_w[HS:]], axis=1).astype(bft)
    h_new, c_new = _tc_call(
        x.astype(bft), hc0, hc1,
        W_iou.astype(bft), u0, u1,
        b_iou, Uf_b.reshape(1, 2 * HS))
    return (h_new, c_new)

# --- scband reference (transcript-rebuilt; emitter-appended) ---
"""Pipeline reference for scband-neighbor-tree-lstmcell-39170101739916 (READ-ONLY COPY).

The authoritative reference and input builder live on the scoring server;
editing this copy changes nothing except your own understanding.
"""

import jax, jax.numpy as jnp
import numpy as np

N = 100000
XS = 128
HS = 128


def setup_inputs(seed: int = 0) -> dict:
    key = jax.random.key(seed)
    ks = jax.random.split(key, 9)
    x = jax.random.normal(ks[0], (N, XS), dtype=jnp.float32)
    h = jax.random.normal(ks[1], (N, HS), dtype=jnp.float32)
    c = jax.random.normal(ks[2], (N, HS), dtype=jnp.float32)
    child_idx = jax.random.randint(ks[3], (N, 2), 0, N, dtype=jnp.int32)
    # learned parameters (torch Linear weight [out,in] stored transposed for x @ W)
    W_iou = jax.random.normal(ks[4], (XS, 3 * HS), dtype=jnp.float32) * 0.05
    U_iou = jax.random.normal(ks[5], (2 * HS, 3 * HS), dtype=jnp.float32) * 0.05
    b_iou = jnp.zeros((1, 3 * HS), dtype=jnp.float32)
    Uf_w = jax.random.normal(ks[6], (2 * HS, 2 * HS), dtype=jnp.float32) * 0.05
    Uf_b = jax.random.normal(ks[7], (2 * HS,), dtype=jnp.float32) * 0.05
    return {"x": x, "h": h, "c": c, "child_idx": child_idx,
            "W_iou": W_iou, "U_iou": U_iou, "b_iou": b_iou,
            "Uf_w": Uf_w, "Uf_b": Uf_b}


def reference(x, h, c, child_idx, W_iou, U_iou, b_iou, Uf_w, Uf_b):
    # One round of DGL-style message passing on a binary tree: every node has
    # exactly 2 children, so the mailbox is [N, 2, HS] and reduce_func takes the
    # `2 - mailbox.size(1) == 0` branch of NeighborTreeLSTMCell.
    n = x.shape[0]
    # node data 'iou' initialized from input features: W_iou(x)
    iou0 = x @ W_iou
    # message_func: gather src 'h' and 'c' along edges -> mailbox [N, 2, HS]
    h_child = jnp.take(h, child_idx, axis=0)  # [N, 2, HS]
    c_child = jnp.take(c, child_idx, axis=0)  # [N, 2, HS]
    # reduce_func (2-child branch)
    h_cat = h_child.reshape(n, 2 * HS)
    f = jax.nn.sigmoid(h_cat @ Uf_w + Uf_b).reshape(n, 2, HS)
    c_red = jnp.sum(f * c_child, axis=1)
    iou = iou0 + h_cat @ U_iou
    # apply_node_func
    iou = iou + b_iou
    i, o, u = jnp.split(iou, 3, axis=1)
    i = jax.nn.sigmoid(i)
    o = jax.nn.sigmoid(o)
    u = jnp.tanh(u)
    c_new = i * u + c_red
    h_new = o * jnp.tanh(c_new)
    return (h_new, c_new)

if __name__ == "__main__":
    import jax
    _d = setup_inputs()
    print(jax.jit(kernel)(*tuple(_d.values())))

</pallas_src>

<mosaic_0001>
#map = affine_map<(d0, d1) -> (0, 0)>
#map1 = affine_map<(d0, d1) -> (0, 0, 0)>
module attributes {stable_mosaic.version = 14 : i64} {
  func.func @_gather_body(%arg0: i32, %arg1: i32, %arg2: memref<100000x128xf32, #tpu.memory_space<hbm>>, %arg3: memref<32x90x64xi32, #tpu.memory_space<hbm>>, %arg4: memref<32x90x64xi32, #tpu.memory_space<hbm>>, %arg5: memref<102400x128xf32, #tpu.memory_space<hbm>>, %arg6: memref<102400x128xf32, #tpu.memory_space<hbm>>, %arg7: memref<90x64xi32, #tpu.memory_space<vmem>>, %arg8: memref<90x64xi32, #tpu.memory_space<vmem>>, %arg9: memref<2x320x128xf32, #tpu.memory_space<vmem>>, %arg10: memref<!tpu.dma_semaphore, #tpu.memory_space<semaphore_mem>>, %arg11: memref<!tpu.dma_semaphore, #tpu.memory_space<semaphore_mem>>) attributes {dimension_semantics = [#tpu.dimension_semantics<core_parallel>, #tpu.dimension_semantics<subcore_parallel>], iteration_bounds = array<i64: 2, 16>, scalar_prefetch = 0 : i64, scratch_operands = 5 : i64, tpu.core_type = #tpu.core_type<sc_vector_subcore>, window_params = [{transform_indices = #map}, {transform_indices = #map1}, {transform_indices = #map1}, {transform_indices = #map}, {transform_indices = #map}]} {
    %mul3A = arith.constant 16 : i32
    %mul3A_0 = arith.muli %arg0, %mul3A : i32
    %add3A = arith.addi %mul3A_0, %arg1 : i32
    %eq3A = arith.constant 0 : i32
    %eq3A_1 = arith.cmpi eq, %arg0, %eq3A : i32
    %mul3A_2 = arith.constant 90 : i32
    %mul3A_3 = arith.muli %arg1, %mul3A_2 : i32
    %mul3A_4 = arith.constant 10 : i32
    %mul3A_5 = arith.muli %arg1, %mul3A_4 : i32
    %add3A_6 = arith.constant 1440 : i32
    %add3A_7 = arith.addi %add3A_6, %mul3A_5 : i32
    %select_n3A = arith.select %eq3A_1, %mul3A_3, %add3A_7 : i32
    %jit3A = arith.constant 9 : i32
    %jit3A_8 = arith.constant 1 : i32
    %select_n3A_9 = arith.select %eq3A_1, %jit3A, %jit3A_8 : i32
    "tpu.region"() ({
      %run_scoped3A = tpu.sem_alloc : memref<!tpu.dma_semaphore, #tpu.memory_space<semaphore_mem>>
      %dma_start3A = arith.constant 0 : i32
      %dma_start3A_31 = arith.constant 0 : i32
      %dma_start3A_32 = tpu.memref_slice %arg3[%add3A, %dma_start3A, %dma_start3A_31] : memref<32x90x64xi32, #tpu.memory_space<hbm>> -> memref<1x90x64xi32, #tpu.memory_space<hbm>>
      %dma_start3A_33 = tpu.memref_squeeze %dma_start3A_32 : memref<1x90x64xi32, #tpu.memory_space<hbm>> -> memref<90x64xi32, #tpu.memory_space<hbm>>
      %dma_start3A_34 = arith.constant 0 : i32
      %dma_start3A_35 = arith.constant 0 : i32
      %dma_start3A_36 = tpu.memref_slice %arg3[%add3A, %dma_start3A_34, %dma_start3A_35] : memref<32x90x64xi32, #tpu.memory_space<hbm>> -> memref<1x90x64xi32, #tpu.memory_space<hbm>>
      %dma_start3A_37 = tpu.memref_squeeze %dma_start3A_36 : memref<1x90x64xi32, #tpu.memory_space<hbm>> -> memref<90x64xi32, #tpu.memory_space<hbm>>
      tpu.enqueue_dma source(%dma_start3A_37 : memref<90x64xi32, #tpu.memory_space<hbm>>) target(%arg7 : memref<90x64xi32, #tpu.memory_space<vmem>>) target_semaphore(%run_scoped3A : memref<!tpu.dma_semaphore, #tpu.memory_space<semaphore_mem>>)
      %dma_wait3A = arith.constant 0 : i32
      %dma_wait3A_38 = arith.constant 0 : i32
      %dma_wait3A_39 = tpu.memref_slice %arg3[%add3A, %dma_wait3A, %dma_wait3A_38] : memref<32x90x64xi32, #tpu.memory_space<hbm>> -> memref<1x90x64xi32, #tpu.memory_space<hbm>>
      %dma_wait3A_40 = tpu.memref_squeeze %dma_wait3A_39 : memref<1x90x64xi32, #tpu.memory_space<hbm>> -> memref<90x64xi32, #tpu.memory_space<hbm>>
      %dma_wait3A_41 = arith.constant 0 : i32
      %dma_wait3A_42 = arith.constant 0 : i32
      %dma_wait3A_43 = tpu.memref_slice %arg3[%add3A, %dma_wait3A_41, %dma_wait3A_42] : memref<32x90x64xi32, #tpu.memory_space<hbm>> -> memref<1x90x64xi32, #tpu.memory_space<hbm>>
      %dma_wait3A_44 = tpu.memref_squeeze %dma_wait3A_43 : memref<1x90x64xi32, #tpu.memory_space<hbm>> -> memref<90x64xi32, #tpu.memory_space<hbm>>
      tpu.wait_dma2 semaphore(%run_scoped3A : memref<!tpu.dma_semaphore, #tpu.memory_space<semaphore_mem>>) src(%dma_wait3A_44 : memref<90x64xi32, #tpu.memory_space<hbm>>) dst(%arg7 : memref<90x64xi32, #tpu.memory_space<vmem>>)
      tpu.yield
    }) : () -> ()
    "tpu.region"() ({
      %run_scoped3A = tpu.sem_alloc : memref<!tpu.dma_semaphore, #tpu.memory_space<semaphore_mem>>
      %dma_start3A = arith.constant 0 : i32
      %dma_start3A_31 = arith.constant 0 : i32
      %dma_start3A_32 = tpu.memref_slice %arg4[%add3A, %dma_start3A, %dma_start3A_31] : memref<32x90x64xi32, #tpu.memory_space<hbm>> -> memref<1x90x64xi32, #tpu.memory_space<hbm>>
      %dma_start3A_33 = tpu.memref_squeeze %dma_start3A_32 : memref<1x90x64xi32, #tpu.memory_space<hbm>> -> memref<90x64xi32, #tpu.memory_space<hbm>>
      %dma_start3A_34 = arith.constant 0 : i32
      %dma_start3A_35 = arith.constant 0 : i32
      %dma_start3A_36 = tpu.memref_slice %arg4[%add3A, %dma_start3A_34, %dma_start3A_35] : memref<32x90x64xi32, #tpu.memory_space<hbm>> -> memref<1x90x64xi32, #tpu.memory_space<hbm>>
      %dma_start3A_37 = tpu.memref_squeeze %dma_start3A_36 : memref<1x90x64xi32, #tpu.memory_space<hbm>> -> memref<90x64xi32, #tpu.memory_space<hbm>>
      tpu.enqueue_dma source(%dma_start3A_37 : memref<90x64xi32, #tpu.memory_space<hbm>>) target(%arg8 : memref<90x64xi32, #tpu.memory_space<vmem>>) target_semaphore(%run_scoped3A : memref<!tpu.dma_semaphore, #tpu.memory_space<semaphore_mem>>)
      %dma_wait3A = arith.constant 0 : i32
      %dma_wait3A_38 = arith.constant 0 : i32
      %dma_wait3A_39 = tpu.memref_slice %arg4[%add3A, %dma_wait3A, %dma_wait3A_38] : memref<32x90x64xi32, #tpu.memory_space<hbm>> -> memref<1x90x64xi32, #tpu.memory_space<hbm>>
      %dma_wait3A_40 = tpu.memref_squeeze %dma_wait3A_39 : memref<1x90x64xi32, #tpu.memory_space<hbm>> -> memref<90x64xi32, #tpu.memory_space<hbm>>
      %dma_wait3A_41 = arith.constant 0 : i32
      %dma_wait3A_42 = arith.constant 0 : i32
      %dma_wait3A_43 = tpu.memref_slice %arg4[%add3A, %dma_wait3A_41, %dma_wait3A_42] : memref<32x90x64xi32, #tpu.memory_space<hbm>> -> memref<1x90x64xi32, #tpu.memory_space<hbm>>
      %dma_wait3A_44 = tpu.memref_squeeze %dma_wait3A_43 : memref<1x90x64xi32, #tpu.memory_space<hbm>> -> memref<90x64xi32, #tpu.memory_space<hbm>>
      tpu.wait_dma2 semaphore(%run_scoped3A : memref<!tpu.dma_semaphore, #tpu.memory_space<semaphore_mem>>) src(%dma_wait3A_44 : memref<90x64xi32, #tpu.memory_space<hbm>>) dst(%arg8 : memref<90x64xi32, #tpu.memory_space<vmem>>)
      tpu.yield
    }) : () -> ()
    %mul3A_10 = arith.constant 64 : i32
    %mul3A_11 = arith.muli %select_n3A, %mul3A_10 : i32
    %while3A = arith.constant 0 : i32
    %while3A_12 = arith.constant 0 : i32
    %while3A_13 = arith.subi %select_n3A_9, %while3A_12 : i32
    %while3A_14 = arith.addi %while3A_12, %while3A_13 : i32
    %while3A_15 = arith.constant 1 : i32
    %while3A_16 = arith.divsi %while3A_13, %while3A_15 : i32
    %while3A_17 = arith.muli %while3A_16, %while3A_15 : i32
    %while3A_18 = arith.addi %while3A_12, %while3A_17 : i32
    %while3A_19 = arith.constant 1 : i32
    scf.for %while3A_31 = %while3A_12 to %while3A_18 step %while3A_19  : i32 {
      %mul3A_32 = arith.constant 2 : i32
      %mul3A_33 = arith.muli %mul3A_32, %while3A_31 : i32
      %mul3A_34 = arith.constant 5 : i32
      %mul3A_35 = arith.muli %mul3A_33, %mul3A_34 : i32
      %add3A_36 = arith.constant 0 : i32
      %add3A_37 = arith.addi %mul3A_35, %add3A_36 : i32
      %dma_start3A = arith.constant 0 : i32
      %dma_start3A_38 = arith.constant 0 : i32
      %dma_start3A_39 = arith.constant 0 : i32
      %dma_start3A_40 = tpu.memref_slice %arg9[%dma_start3A, %dma_start3A_38, %dma_start3A_39] : memref<2x320x128xf32, #tpu.memory_space<vmem>> -> memref<1x320x128xf32, #tpu.memory_space<vmem>>
      %dma_start3A_41 = tpu.memref_squeeze %dma_start3A_40 : memref<1x320x128xf32, #tpu.memory_space<vmem>> -> memref<320x128xf32, #tpu.memory_space<vmem>>
      %dma_start3A_42 = arith.constant 0 : i32
      %dma_start3A_43 = arith.constant 0 : i32
      %dma_start3A_44 = tpu.memref_slice %dma_start3A_41[%dma_start3A_42, %dma_start3A_43] : memref<320x128xf32, #tpu.memory_space<vmem>> -> memref<64x128xf32, #tpu.memory_space<vmem>>
      %dma_start3A_45 = arith.constant 0 : i32
      %dma_start3A_46 = tpu.memref_slice %arg7[%add3A_37, %dma_start3A_45] : memref<90x64xi32, #tpu.memory_space<vmem>> -> memref<1x64xi32, #tpu.memory_space<vmem>>
      %dma_start3A_47 = tpu.memref_squeeze %dma_start3A_46 : memref<1x64xi32, #tpu.memory_space<vmem>> -> memref<64xi32, #tpu.memory_space<vmem>>
      %dma_start3A_48 = arith.constant 0 : i32
      %dma_start3A_49 = arith.constant 0 : i32
      %dma_start3A_50 = tpu.memref_slice %arg2[%dma_start3A_48, %dma_start3A_49] : memref<100000x128xf32, #tpu.memory_space<hbm>> -> memref<100000x128xf32, #tpu.memory_space<hbm>>
      tpu.enqueue_indirect_dma source(%dma_start3A_50 : memref<100000x128xf32, #tpu.memory_space<hbm>>) target(%dma_start3A_44 : memref<64x128xf32, #tpu.memory_space<vmem>>) offsets(%dma_start3A_47 : memref<64xi32, #tpu.memory_space<vmem>>) semaphore(%arg10 : memref<!tpu.dma_semaphore, #tpu.memory_space<semaphore_mem>>)
      %mul3A_51 = arith.constant 5 : i32
      %mul3A_52 = arith.muli %mul3A_33, %mul3A_51 : i32
      %add3A_53 = arith.constant 1 : i32
      %add3A_54 = arith.addi %mul3A_52, %add3A_53 : i32
      %dma_start3A_55 = arith.constant 0 : i32
      %dma_start3A_56 = arith.constant 0 : i32
      %dma_start3A_57 = arith.constant 0 : i32
      %dma_start3A_58 = tpu.memref_slice %arg9[%dma_start3A_55, %dma_start3A_56, %dma_start3A_57] : memref<2x320x128xf32, #tpu.memory_space<vmem>> -> memref<1x320x128xf32, #tpu.memory_space<vmem>>
      %dma_start3A_59 = tpu.memref_squeeze %dma_start3A_58 : memref<1x320x128xf32, #tpu.memory_space<vmem>> -> memref<320x128xf32, #tpu.memory_space<vmem>>
      %dma_start3A_60 = arith.constant 64 : i32
      %dma_start3A_61 = arith.constant 0 : i32
      %dma_start3A_62 = tpu.memref_slice %dma_start3A_59[%dma_start3A_60, %dma_start3A_61] : memref<320x128xf32, #tpu.memory_space<vmem>> -> memref<64x128xf32, #tpu.memory_space<vmem>>
      %dma_start3A_63 = arith.constant 0 : i32
      %dma_start3A_64 = tpu.memref_slice %arg7[%add3A_54, %dma_start3A_63] : memref<90x64xi32, #tpu.memory_space<vmem>> -> memref<1x64xi32, #tpu.memory_space<vmem>>
      %dma_start3A_65 = tpu.memref_squeeze %dma_start3A_64 : memref<1x64xi32, #tpu.memory_space<vmem>> -> memref<64xi32, #tpu.memory_space<vmem>>
      %dma_start3A_66 = arith.constant 0 : i32
      %dma_start3A_67 = arith.constant 0 : i32
      %dma_start3A_68 = tpu.memref_slice %arg2[%dma_start3A_66, %dma_start3A_67] : memref<100000x128xf32, #tpu.memory_space<hbm>> -> memref<100000x128xf32, #tpu.memory_space<hbm>>
      tpu.enqueue_indirect_dma source(%dma_start3A_68 : memref<100000x128xf32, #tpu.memory_space<hbm>>) target(%dma_start3A_62 : memref<64x128xf32, #tpu.memory_space<vmem>>) offsets(%dma_start3A_65 : memref<64xi32, #tpu.memory_space<vmem>>) semaphore(%arg10 : memref<!tpu.dma_semaphore, #tpu.memory_space<semaphore_mem>>)
      %mul3A_69 = arith.constant 5 : i32
      %mul3A_70 = arith.muli %mul3A_33, %mul3A_69 : i32
      %add3A_71 = arith.constant 2 : i32
      %add3A_72 = arith.addi %mul3A_70, %add3A_71 : i32
      %dma_start3A_73 = arith.constant 0 : i32
      %dma_start3A_74 = arith.constant 0 : i32
      %dma_start3A_75 = arith.constant 0 : i32
      %dma_start3A_76 = tpu.memref_slice %arg9[%dma_start3A_73, %dma_start3A_74, %dma_start3A_75] : memref<2x320x128xf32, #tpu.memory_space<vmem>> -> memref<1x320x128xf32, #tpu.memory_space<vmem>>
      %dma_start3A_77 = tpu.memref_squeeze %dma_start3A_76 : memref<1x320x128xf32, #tpu.memory_space<vmem>> -> memref<320x128xf32, #tpu.memory_space<vmem>>
      %dma_start3A_78 = arith.constant 128 : i32
      %dma_start3A_79 = arith.constant 0 : i32
      %dma_start3A_80 = tpu.memref_slice %dma_start3A_77[%dma_start3A_78, %dma_start3A_79] : memref<320x128xf32, #tpu.memory_space<vmem>> -> memref<64x128xf32, #tpu.memory_space<vmem>>
      %dma_start3A_81 = arith.constant 0 : i32
      %dma_start3A_82 = tpu.memref_slice %arg7[%add3A_72, %dma_start3A_81] : memref<90x64xi32, #tpu.memory_space<vmem>> -> memref<1x64xi32, #tpu.memory_space<vmem>>
      %dma_start3A_83 = tpu.memref_squeeze %dma_start3A_82 : memref<1x64xi32, #tpu.memory_space<vmem>> -> memref<64xi32, #tpu.memory_space<vmem>>
      %dma_start3A_84 = arith.constant 0 : i32
      %dma_start3A_85 = arith.constant 0 : i32
      %dma_start3A_86 = tpu.memref_slice %arg2[%dma_start3A_84, %dma_start3A_85] : memref<100000x128xf32, #tpu.memory_space<hbm>> -> memref<100000x128xf32, #tpu.memory_space<hbm>>
      tpu.enqueue_indirect_dma source(%dma_start3A_86 : memref<100000x128xf32, #tpu.memory_space<hbm>>) target(%dma_start3A_80 : memref<64x128xf32, #tpu.memory_space<vmem>>) offsets(%dma_start3A_83 : memref<64xi32, #tpu.memory_space<vmem>>) semaphore(%arg10 : memref<!tpu.dma_semaphore, #tpu.memory_space<semaphore_mem>>)
      %mul3A_87 = arith.constant 5 : i32
      %mul3A_88 = arith.muli %mul3A_33, %mul3A_87 : i32
      %add3A_89 = arith.constant 3 : i32
      %add3A_90 = arith.addi %mul3A_88, %add3A_89 : i32
      %dma_start3A_91 = arith.constant 0 : i32
      %dma_start3A_92 = arith.constant 0 : i32
      %dma_start3A_93 = arith.constant 0 : i32
      %dma_start3A_94 = tpu.memref_slice %arg9[%dma_start3A_91, %dma_start3A_92, %dma_start3A_93] : memref<2x320x128xf32, #tpu.memory_space<vmem>> -> memref<1x320x128xf32, #tpu.memory_space<vmem>>
      %dma_start3A_95 = tpu.memref_squeeze %dma_start3A_94 : memref<1x320x128xf32, #tpu.memory_space<vmem>> -> memref<320x128xf32, #tpu.memory_space<vmem>>
      %dma_start3A_96 = arith.constant 192 : i32
      %dma_start3A_97 = arith.constant 0 : i32
      %dma_start3A_98 = tpu.memref_slice %dma_start3A_95[%dma_start3A_96, %dma_start3A_97] : memref<320x128xf32, #tpu.memory_space<vmem>> -> memref<64x128xf32, #tpu.memory_space<vmem>>
      %dma_start3A_99 = arith.constant 0 : i32
      %dma_start3A_100 = tpu.memref_slice %arg7[%add3A_90, %dma_start3A_99] : memref<90x64xi32, #tpu.memory_space<vmem>> -> memref<1x64xi32, #tpu.memory_space<vmem>>
      %dma_start3A_101 = tpu.memref_squeeze %dma_start3A_100 : memref<1x64xi32, #tpu.memory_space<vmem>> -> memref<64xi32, #tpu.memory_space<vmem>>
      %dma_start3A_102 = arith.constant 0 : i32
      %dma_start3A_103 = arith.constant 0 : i32
      %dma_start3A_104 = tpu.memref_slice %arg2[%dma_start3A_102, %dma_start3A_103] : memref<100000x128xf32, #tpu.memory_space<hbm>> -> memref<100000x128xf32, #tpu.memory_space<hbm>>
      tpu.enqueue_indirect_dma source(%dma_start3A_104 : memref<100000x128xf32, #tpu.memory_space<hbm>>) target(%dma_start3A_98 : memref<64x128xf32, #tpu.memory_space<vmem>>) offsets(%dma_start3A_101 : memref<64xi32, #tpu.memory_space<vmem>>) semaphore(%arg10 : memref<!tpu.dma_semaphore, #tpu.memory_space<semaphore_mem>>)
      %mul3A_105 = arith.constant 5 : i32
      %mul3A_106 = arith.muli %mul3A_33, %mul3A_105 : i32
      %add3A_107 = arith.constant 4 : i32
      %add3A_108 = arith.addi %mul3A_106, %add3A_107 : i32
      %dma_start3A_109 = arith.constant 0 : i32
      %dma_start3A_110 = arith.constant 0 : i32
      %dma_start3A_111 = arith.constant 0 : i32
      %dma_start3A_112 = tpu.memref_slice %arg9[%dma_start3A_109, %dma_start3A_110, %dma_start3A_111] : memref<2x320x128xf32, #tpu.memory_space<vmem>> -> memref<1x320x128xf32, #tpu.memory_space<vmem>>
      %dma_start3A_113 = tpu.memref_squeeze %dma_start3A_112 : memref<1x320x128xf32, #tpu.memory_space<vmem>> -> memref<320x128xf32, #tpu.memory_space<vmem>>
      %dma_start3A_114 = arith.constant 256 : i32
      %dma_start3A_115 = arith.constant 0 : i32
      %dma_start3A_116 = tpu.memref_slice %dma_start3A_113[%dma_start3A_114, %dma_start3A_115] : memref<320x128xf32, #tpu.memory_space<vmem>> -> memref<64x128xf32, #tpu.memory_space<vmem>>
      %dma_start3A_117 = arith.constant 0 : i32
      %dma_start3A_118 = tpu.memref_slice %arg7[%add3A_108, %dma_start3A_117] : memref<90x64xi32, #tpu.memory_space<vmem>> -> memref<1x64xi32, #tpu.memory_space<vmem>>
      %dma_start3A_119 = tpu.memref_squeeze %dma_start3A_118 : memref<1x64xi32, #tpu.memory_space<vmem>> -> memref<64xi32, #tpu.memory_space<vmem>>
      %dma_start3A_120 = arith.constant 0 : i32
      %dma_start3A_121 = arith.constant 0 : i32
      %dma_start3A_122 = tpu.memref_slice %arg2[%dma_start3A_120, %dma_start3A_121] : memref<100000x128xf32, #tpu.memory_space<hbm>> -> memref<100000x128xf32, #tpu.memory_space<hbm>>
      tpu.enqueue_indirect_dma source(%dma_start3A_122 : memref<100000x128xf32, #tpu.memory_space<hbm>>) target(%dma_start3A_116 : memref<64x128xf32, #tpu.memory_space<vmem>>) offsets(%dma_start3A_119 : memref<64xi32, #tpu.memory_space<vmem>>) semaphore(%arg10 : memref<!tpu.dma_semaphore, #tpu.memory_space<semaphore_mem>>)
      %add3A_123 = arith.constant 1 : i32
      %add3A_124 = arith.addi %mul3A_33, %add3A_123 : i32
      %mul3A_125 = arith.constant 5 : i32
      %mul3A_126 = arith.muli %add3A_124, %mul3A_125 : i32
      %add3A_127 = arith.constant 0 : i32
      %add3A_128 = arith.addi %mul3A_126, %add3A_127 : i32
      %dma_start3A_129 = arith.constant 1 : i32
      %dma_start3A_130 = arith.constant 0 : i32
      %dma_start3A_131 = arith.constant 0 : i32
      %dma_start3A_132 = tpu.memref_slice %arg9[%dma_start3A_129, %dma_start3A_130, %dma_start3A_131] : memref<2x320x128xf32, #tpu.memory_space<vmem>> -> memref<1x320x128xf32, #tpu.memory_space<vmem>>
      %dma_start3A_133 = tpu.memref_squeeze %dma_start3A_132 : memref<1x320x128xf32, #tpu.memory_space<vmem>> -> memref<320x128xf32, #tpu.memory_space<vmem>>
      %dma_start3A_134 = arith.constant 0 : i32
      %dma_start3A_135 = arith.constant 0 : i32
      %dma_start3A_136 = tpu.memref_slice %dma_start3A_133[%dma_start3A_134, %dma_start3A_135] : memref<320x128xf32, #tpu.memory_space<vmem>> -> memref<64x128xf32, #tpu.memory_space<vmem>>
      %dma_start3A_137 = arith.constant 0 : i32
      %dma_start3A_138 = tpu.memref_slice %arg7[%add3A_128, %dma_start3A_137] : memref<90x64xi32, #tpu.memory_space<vmem>> -> memref<1x64xi32, #tpu.memory_space<vmem>>
      %dma_start3A_139 = tpu.memref_squeeze %dma_start3A_138 : memref<1x64xi32, #tpu.memory_space<vmem>> -> memref<64xi32, #tpu.memory_space<vmem>>
      %dma_start3A_140 = arith.constant 0 : i32
      %dma_start3A_141 = arith.constant 0 : i32
      %dma_start3A_142 = tpu.memref_slice %arg2[%dma_start3A_140, %dma_start3A_141] : memref<100000x128xf32, #tpu.memory_space<hbm>> -> memref<100000x128xf32, #tpu.memory_space<hbm>>
      tpu.enqueue_indirect_dma source(%dma_start3A_142 : memref<100000x128xf32, #tpu.memory_space<hbm>>) target(%dma_start3A_136 : memref<64x128xf32, #tpu.memory_space<vmem>>) offsets(%dma_start3A_139 : memref<64xi32, #tpu.memory_space<vmem>>) semaphore(%arg11 : memref<!tpu.dma_semaphore, #tpu.memory_space<semaphore_mem>>)
      %mul3A_143 = arith.constant 5 : i32
      %mul3A_144 = arith.muli %add3A_124, %mul3A_143 : i32
      %add3A_145 = arith.constant 1 : i32
      %add3A_146 = arith.addi %mul3A_144, %add3A_145 : i32
      %dma_start3A_147 = arith.constant 1 : i32
      %dma_start3A_148 = arith.constant 0 : i32
      %dma_start3A_149 = arith.constant 0 : i32
      %dma_start3A_150 = tpu.memref_slice %arg9[%dma_start3A_147, %dma_start3A_148, %dma_start3A_149] : memref<2x320x128xf32, #tpu.memory_space<vmem>> -> memref<1x320x128xf32, #tpu.memory_space<vmem>>
      %dma_start3A_151 = tpu.memref_squeeze %dma_start3A_150 : memref<1x320x128xf32, #tpu.memory_space<vmem>> -> memref<320x128xf32, #tpu.memory_space<vmem>>
      %dma_start3A_152 = arith.constant 64 : i32
      %dma_start3A_153 = arith.constant 0 : i32
      %dma_start3A_154 = tpu.memref_slice %dma_start3A_151[%dma_start3A_152, %dma_start3A_153] : memref<320x128xf32, #tpu.memory_space<vmem>> -> memref<64x128xf32, #tpu.memory_space<vmem>>
      %dma_start3A_155 = arith.constant 0 : i32
      %dma_start3A_156 = tpu.memref_slice %arg7[%add3A_146, %dma_start3A_155] : memref<90x64xi32, #tpu.memory_space<vmem>> -> memref<1x64xi32, #tpu.memory_space<vmem>>
      %dma_start3A_157 = tpu.memref_squeeze %dma_start3A_156 : memref<1x64xi32, #tpu.memory_space<vmem>> -> memref<64xi32, #tpu.memory_space<vmem>>
      %dma_start3A_158 = arith.constant 0 : i32
      %dma_start3A_159 = arith.constant 0 : i32
      %dma_start3A_160 = tpu.memref_slice %arg2[%dma_start3A_158, %dma_start3A_159] : memref<100000x128xf32, #tpu.memory_space<hbm>> -> memref<100000x128xf32, #tpu.memory_space<hbm>>
      tpu.enqueue_indirect_dma source(%dma_start3A_160 : memref<100000x128xf32, #tpu.memory_space<hbm>>) target(%dma_start3A_154 : memref<64x128xf32, #tpu.memory_space<vmem>>) offsets(%dma_start3A_157 : memref<64xi32, #tpu.memory_space<vmem>>) semaphore(%arg11 : memref<!tpu.dma_semaphore, #tpu.memory_space<semaphore_mem>>)
      %mul3A_161 = arith.constant 5 : i32
      %mul3A_162 = arith.muli %add3A_124, %mul3A_161 : i32
      %add3A_163 = arith.constant 2 : i32
      %add3A_164 = arith.addi %mul3A_162, %add3A_163 : i32
      %dma_start3A_165 = arith.constant 1 : i32
      %dma_start3A_166 = arith.constant 0 : i32
      %dma_start3A_167 = arith.constant 0 : i32
      %dma_start3A_168 = tpu.memref_slice %arg9[%dma_start3A_165, %dma_start3A_166, %dma_start3A_167] : memref<2x320x128xf32, #tpu.memory_space<vmem>> -> memref<1x320x128xf32, #tpu.memory_space<vmem>>
      %dma_start3A_169 = tpu.memref_squeeze %dma_start3A_168 : memref<1x320x128xf32, #tpu.memory_space<vmem>> -> memref<320x128xf32, #tpu.memory_space<vmem>>
      %dma_start3A_170 = arith.constant 128 : i32
      %dma_start3A_171 = arith.constant 0 : i32
      %dma_start3A_172 = tpu.memref_slice %dma_start3A_169[%dma_start3A_170, %dma_start3A_171] : memref<320x128xf32, #tpu.memory_space<vmem>> -> memref<64x128xf32, #tpu.memory_space<vmem>>
      %dma_start3A_173 = arith.constant 0 : i32
      %dma_start3A_174 = tpu.memref_slice %arg7[%add3A_164, %dma_start3A_173] : memref<90x64xi32, #tpu.memory_space<vmem>> -> memref<1x64xi32, #tpu.memory_space<vmem>>
      %dma_start3A_175 = tpu.memref_squeeze %dma_start3A_174 : memref<1x64xi32, #tpu.memory_space<vmem>> -> memref<64xi32, #tpu.memory_space<vmem>>
      %dma_start3A_176 = arith.constant 0 : i32
      %dma_start3A_177 = arith.constant 0 : i32
      %dma_start3A_178 = tpu.memref_slice %arg2[%dma_start3A_176, %dma_start3A_177] : memref<100000x128xf32, #tpu.memory_space<hbm>> -> memref<100000x128xf32, #tpu.memory_space<hbm>>
      tpu.enqueue_indirect_dma source(%dma_start3A_178 : memref<100000x128xf32, #tpu.memory_space<hbm>>) target(%dma_start3A_172 : memref<64x128xf32, #tpu.memory_space<vmem>>) offsets(%dma_start3A_175 : memref<64xi32, #tpu.memory_space<vmem>>) semaphore(%arg11 : memref<!tpu.dma_semaphore, #tpu.memory_space<semaphore_mem>>)
      %mul3A_179 = arith.constant 5 : i32
      %mul3A_180 = arith.muli %add3A_124, %mul3A_179 : i32
      %add3A_181 = arith.constant 3 : i32
      %add3A_182 = arith.addi %mul3A_180, %add3A_181 : i32
      %dma_start3A_183 = arith.constant 1 : i32
      %dma_start3A_184 = arith.constant 0 : i32
      %dma_start3A_185 = arith.constant 0 : i32
      %dma_start3A_186 = tpu.memref_slice %arg9[%dma_start3A_183, %dma_start3A_184, %dma_start3A_185] : memref<2x320x128xf32, #tpu.memory_space<vmem>> -> memref<1x320x128xf32, #tpu.memory_space<vmem>>
      %dma_start3A_187 = tpu.memref_squeeze %dma_start3A_186 : memref<1x320x128xf32, #tpu.memory_space<vmem>> -> memref<320x128xf32, #tpu.memory_space<vmem>>
      %dma_start3A_188 = arith.constant 192 : i32
      %dma_start3A_189 = arith.constant 0 : i32
      %dma_start3A_190 = tpu.memref_slice %dma_start3A_187[%dma_start3A_188, %dma_start3A_189] : memref<320x128xf32, #tpu.memory_space<vmem>> -> memref<64x128xf32, #tpu.memory_space<vmem>>
      %dma_start3A_191 = arith.constant 0 : i32
      %dma_start3A_192 = tpu.memref_slice %arg7[%add3A_182, %dma_start3A_191] : memref<90x64xi32, #tpu.memory_space<vmem>> -> memref<1x64xi32, #tpu.memory_space<vmem>>
      %dma_start3A_193 = tpu.memref_squeeze %dma_start3A_192 : memref<1x64xi32, #tpu.memory_space<vmem>> -> memref<64xi32, #tpu.memory_space<vmem>>
      %dma_start3A_194 = arith.constant 0 : i32
      %dma_start3A_195 = arith.constant 0 : i32
      %dma_start3A_196 = tpu.memref_slice %arg2[%dma_start3A_194, %dma_start3A_195] : memref<100000x128xf32, #tpu.memory_space<hbm>> -> memref<100000x128xf32, #tpu.memory_space<hbm>>
      tpu.enqueue_indirect_dma source(%dma_start3A_196 : memref<100000x128xf32, #tpu.memory_space<hbm>>) target(%dma_start3A_190 : memref<64x128xf32, #tpu.memory_space<vmem>>) offsets(%dma_start3A_193 : memref<64xi32, #tpu.memory_space<vmem>>) semaphore(%arg11 : memref<!tpu.dma_semaphore, #tpu.memory_space<semaphore_mem>>)
      %mul3A_197 = arith.constant 5 : i32
      %mul3A_198 = arith.muli %add3A_124, %mul3A_197 : i32
      %add3A_199 = arith.constant 4 : i32
      %add3A_200 = arith.addi %mul3A_198, %add3A_199 : i32
      %dma_start3A_201 = arith.constant 1 : i32
      %dma_start3A_202 = arith.constant 0 : i32
      %dma_start3A_203 = arith.constant 0 : i32
      %dma_start3A_204 = tpu.memref_slice %arg9[%dma_start3A_201, %dma_start3A_202, %dma_start3A_203] : memref<2x320x128xf32, #tpu.memory_space<vmem>> -> memref<1x320x128xf32, #tpu.memory_space<vmem>>
      %dma_start3A_205 = tpu.memref_squeeze %dma_start3A_204 : memref<1x320x128xf32, #tpu.memory_space<vmem>> -> memref<320x128xf32, #tpu.memory_space<vmem>>
      %dma_start3A_206 = arith.constant 256 : i32
      %dma_start3A_207 = arith.constant 0 : i32
      %dma_start3A_208 = tpu.memref_slice %dma_start3A_205[%dma_start3A_206, %dma_start3A_207] : memref<320x128xf32, #tpu.memory_space<vmem>> -> memref<64x128xf32, #tpu.memory_space<vmem>>
      %dma_start3A_209 = arith.constant 0 : i32
      %dma_start3A_210 = tpu.memref_slice %arg7[%add3A_200, %dma_start3A_209] : memref<90x64xi32, #tpu.memory_space<vmem>> -> memref<1x64xi32, #tpu.memory_space<vmem>>
      %dma_start3A_211 = tpu.memref_squeeze %dma_start3A_210 : memref<1x64xi32, #tpu.memory_space<vmem>> -> memref<64xi32, #tpu.memory_space<vmem>>
      %dma_start3A_212 = arith.constant 0 : i32
      %dma_start3A_213 = arith.constant 0 : i32
      %dma_start3A_214 = tpu.memref_slice %arg2[%dma_start3A_212, %dma_start3A_213] : memref<100000x128xf32, #tpu.memory_space<hbm>> -> memref<100000x128xf32, #tpu.memory_space<hbm>>
      tpu.enqueue_indirect_dma source(%dma_start3A_214 : memref<100000x128xf32, #tpu.memory_space<hbm>>) target(%dma_start3A_208 : memref<64x128xf32, #tpu.memory_space<vmem>>) offsets(%dma_start3A_211 : memref<64xi32, #tpu.memory_space<vmem>>) semaphore(%arg11 : memref<!tpu.dma_semaphore, #tpu.memory_space<semaphore_mem>>)
      %dma_wait3A = arith.constant 0 : i32
      %dma_wait3A_215 = arith.constant 0 : i32
      %dma_wait3A_216 = arith.constant 0 : i32
      %dma_wait3A_217 = tpu.memref_slice %arg9[%dma_wait3A, %dma_wait3A_215, %dma_wait3A_216] : memref<2x320x128xf32, #tpu.memory_space<vmem>> -> memref<1x320x128xf32, #tpu.memory_space<vmem>>
      %dma_wait3A_218 = tpu.memref_squeeze %dma_wait3A_217 : memref<1x320x128xf32, #tpu.memory_space<vmem>> -> memref<320x128xf32, #tpu.memory_space<vmem>>
      %dma_wait3A_219 = arith.constant 0 : i32
      %dma_wait3A_220 = arith.constant 0 : i32
      %dma_wait3A_221 = tpu.memref_slice %dma_wait3A_218[%dma_wait3A_219, %dma_wait3A_220] : memref<320x128xf32, #tpu.memory_space<vmem>> -> memref<64x128xf32, #tpu.memory_space<vmem>>
      %dma_wait3A_222 = arith.constant 0 : i32
      %dma_wait3A_223 = tpu.memref_slice %arg7[%add3A_37, %dma_wait3A_222] : memref<90x64xi32, #tpu.memory_space<vmem>> -> memref<1x64xi32, #tpu.memory_space<vmem>>
      %dma_wait3A_224 = tpu.memref_squeeze %dma_wait3A_223 : memref<1x64xi32, #tpu.memory_space<vmem>> -> memref<64xi32, #tpu.memory_space<vmem>>
      %dma_wait3A_225 = arith.constant 0 : i32
      %dma_wait3A_226 = arith.constant 0 : i32
      %dma_wait3A_227 = tpu.memref_slice %arg2[%dma_wait3A_225, %dma_wait3A_226] : memref<100000x128xf32, #tpu.memory_space<hbm>> -> memref<100000x128xf32, #tpu.memory_space<hbm>>
      tpu.wait_indirect_dma semaphore(%arg10 : memref<!tpu.dma_semaphore, #tpu.memory_space<semaphore_mem>>) src(%dma_wait3A_227 : memref<100000x128xf32, #tpu.memory_space<hbm>>) dst(%dma_wait3A_221 : memref<64x128xf32, #tpu.memory_space<vmem>>)
      %dma_wait3A_228 = arith.constant 0 : i32
      %dma_wait3A_229 = arith.constant 0 : i32
      %dma_wait3A_230 = arith.constant 0 : i32
      %dma_wait3A_231 = tpu.memref_slice %arg9[%dma_wait3A_228, %dma_wait3A_229, %dma_wait3A_230] : memref<2x320x128xf32, #tpu.memory_space<vmem>> -> memref<1x320x128xf32, #tpu.memory_space<vmem>>
      %dma_wait3A_232 = tpu.memref_squeeze %dma_wait3A_231 : memref<1x320x128xf32, #tpu.memory_space<vmem>> -> memref<320x128xf32, #tpu.memory_space<vmem>>
      %dma_wait3A_233 = arith.constant 64 : i32
      %dma_wait3A_234 = arith.constant 0 : i32
      %dma_wait3A_235 = tpu.memref_slice %dma_wait3A_232[%dma_wait3A_233, %dma_wait3A_234] : memref<320x128xf32, #tpu.memory_space<vmem>> -> memref<64x128xf32, #tpu.memory_space<vmem>>
      %dma_wait3A_236 = arith.constant 0 : i32
      %dma_wait3A_237 = tpu.memref_slice %arg7[%add3A_54, %dma_wait3A_236] : memref<90x64xi32, #tpu.memory_space<vmem>> -> memref<1x64xi32, #tpu.memory_space<vmem>>
      %dma_wait3A_238 = tpu.memref_squeeze %dma_wait3A_237 : memref<1x64xi32, #tpu.memory_space<vmem>> -> memref<64xi32, #tpu.memory_space<vmem>>
      %dma_wait3A_239 = arith.constant 0 : i32
      %dma_wait3A_240 = arith.constant 0 : i32
      %dma_wait3A_241 = tpu.memref_slice %arg2[%dma_wait3A_239, %dma_wait3A_240] : memref<100000x128xf32, #tpu.memory_space<hbm>> -> memref<100000x128xf32, #tpu.memory_space<hbm>>
      tpu.wait_indirect_dma semaphore(%arg10 : memref<!tpu.dma_semaphore, #tpu.memory_space<semaphore_mem>>) src(%dma_wait3A_241 : memref<100000x128xf32, #tpu.memory_space<hbm>>) dst(%dma_wait3A_235 : memref<64x128xf32, #tpu.memory_space<vmem>>)
      %dma_wait3A_242 = arith.constant 0 : i32
      %dma_wait3A_243 = arith.constant 0 : i32
      %dma_wait3A_244 = arith.constant 0 : i32
      %dma_wait3A_245 = tpu.memref_slice %arg9[%dma_wait3A_242, %dma_wait3A_243, %dma_wait3A_244] : memref<2x320x128xf32, #tpu.memory_space<vmem>> -> memref<1x320x128xf32, #tpu.memory_space<vmem>>
      %dma_wait3A_246 = tpu.memref_squeeze %dma_wait3A_245 : memref<1x320x128xf32, #tpu.memory_space<vmem>> -> memref<320x128xf32, #tpu.memory_space<vmem>>
      %dma_wait3A_247 = arith.constant 128 : i32
      %dma_wait3A_248 = arith.constant 0 : i32
      %dma_wait3A_249 = tpu.memref_slice %dma_wait3A_246[%dma_wait3A_247, %dma_wait3A_248] : memref<320x128xf32, #tpu.memory_space<vmem>> -> memref<64x128xf32, #tpu.memory_space<vmem>>
      %dma_wait3A_250 = arith.constant 0 : i32
      %dma_wait3A_251 = tpu.memref_slice %arg7[%add3A_72, %dma_wait3A_250] : memref<90x64xi32, #tpu.memory_space<vmem>> -> memref<1x64xi32, #tpu.memory_space<vmem>>
      %dma_wait3A_252 = tpu.memref_squeeze %dma_wait3A_251 : memref<1x64xi32, #tpu.memory_space<vmem>> -> memref<64xi32, #tpu.memory_space<vmem>>
      %dma_wait3A_253 = arith.constant 0 : i32
      %dma_wait3A_254 = arith.constant 0 : i32
      %dma_wait3A_255 = tpu.memref_slice %arg2[%dma_wait3A_253, %dma_wait3A_254] : memref<100000x128xf32, #tpu.memory_space<hbm>> -> memref<100000x128xf32, #tpu.memory_space<hbm>>
      tpu.wait_indirect_dma semaphore(%arg10 : memref<!tpu.dma_semaphore, #tpu.memory_space<semaphore_mem>>) src(%dma_wait3A_255 : memref<100000x128xf32, #tpu.memory_space<hbm>>) dst(%dma_wait3A_249 : memref<64x128xf32, #tpu.memory_space<vmem>>)
      %dma_wait3A_256 = arith.constant 0 : i32
      %dma_wait3A_257 = arith.constant 0 : i32
      %dma_wait3A_258 = arith.constant 0 : i32
      %dma_wait3A_259 = tpu.memref_slice %arg9[%dma_wait3A_256, %dma_wait3A_257, %dma_wait3A_258] : memref<2x320x128xf32, #tpu.memory_space<vmem>> -> memref<1x320x128xf32, #tpu.memory_space<vmem>>
      %dma_wait3A_260 = tpu.memref_squeeze %dma_wait3A_259 : memref<1x320x128xf32, #tpu.memory_space<vmem>> -> memref<320x128xf32, #tpu.memory_space<vmem>>
      %dma_wait3A_261 = arith.constant 192 : i32
      %dma_wait3A_262 = arith.constant 0 : i32
      %dma_wait3A_263 = tpu.memref_slice %dma_wait3A_260[%dma_wait3A_261, %dma_wait3A_262] : memref<320x128xf32, #tpu.memory_space<vmem>> -> memref<64x128xf32, #tpu.memory_space<vmem>>
      %dma_wait3A_264 = arith.constant 0 : i32
      %dma_wait3A_265 = tpu.memref_slice %arg7[%add3A_90, %dma_wait3A_264] : memref<90x64xi32, #tpu.memory_space<vmem>> -> memref<1x64xi32, #tpu.memory_space<vmem>>
      %dma_wait3A_266 = tpu.memref_squeeze %dma_wait3A_265 : memref<1x64xi32, #tpu.memory_space<vmem>> -> memref<64xi32, #tpu.memory_space<vmem>>
      %dma_wait3A_267 = arith.constant 0 : i32
      %dma_wait3A_268 = arith.constant 0 : i32
      %dma_wait3A_269 = tpu.memref_slice %arg2[%dma_wait3A_267, %dma_wait3A_268] : memref<100000x128xf32, #tpu.memory_space<hbm>> -> memref<100000x128xf32, #tpu.memory_space<hbm>>
      tpu.wait_indirect_dma semaphore(%arg10 : memref<!tpu.dma_semaphore, #tpu.memory_space<semaphore_mem>>) src(%dma_wait3A_269 : memref<100000x128xf32, #tpu.memory_space<hbm>>) dst(%dma_wait3A_263 : memref<64x128xf32, #tpu.memory_space<vmem>>)
      %dma_wait3A_270 = arith.constant 0 : i32
      %dma_wait3A_271 = arith.constant 0 : i32
      %dma_wait3A_272 = arith.constant 0 : i32
      %dma_wait3A_273 = tpu.memref_slice %arg9[%dma_wait3A_270, %dma_wait3A_271, %dma_wait3A_272] : memref<2x320x128xf32, #tpu.memory_space<vmem>> -> memref<1x320x128xf32, #tpu.memory_space<vmem>>
      %dma_wait3A_274 = tpu.memref_squeeze %dma_wait3A_273 : memref<1x320x128xf32, #tpu.memory_space<vmem>> -> memref<320x128xf32, #tpu.memory_space<vmem>>
      %dma_wait3A_275 = arith.constant 256 : i32
      %dma_wait3A_276 = arith.constant 0 : i32
      %dma_wait3A_277 = tpu.memref_slice %dma_wait3A_274[%dma_wait3A_275, %dma_wait3A_276] : memref<320x128xf32, #tpu.memory_space<vmem>> -> memref<64x128xf32, #tpu.memory_space<vmem>>
      %dma_wait3A_278 = arith.constant 0 : i32
      %dma_wait3A_279 = tpu.memref_slice %arg7[%add3A_108, %dma_wait3A_278] : memref<90x64xi32, #tpu.memory_space<vmem>> -> memref<1x64xi32, #tpu.memory_space<vmem>>
      %dma_wait3A_280 = tpu.memref_squeeze %dma_wait3A_279 : memref<1x64xi32, #tpu.memory_space<vmem>> -> memref<64xi32, #tpu.memory_space<vmem>>
      %dma_wait3A_281 = arith.constant 0 : i32
      %dma_wait3A_282 = arith.constant 0 : i32
      %dma_wait3A_283 = tpu.memref_slice %arg2[%dma_wait3A_281, %dma_wait3A_282] : memref<100000x128xf32, #tpu.memory_space<hbm>> -> memref<100000x128xf32, #tpu.memory_space<hbm>>
      tpu.wait_indirect_dma semaphore(%arg10 : memref<!tpu.dma_semaphore, #tpu.memory_space<semaphore_mem>>) src(%dma_wait3A_283 : memref<100000x128xf32, #tpu.memory_space<hbm>>) dst(%dma_wait3A_277 : memref<64x128xf32, #tpu.memory_space<vmem>>)
      %mul3A_284 = arith.constant 320 : i32
      %mul3A_285 = arith.muli %mul3A_33, %mul3A_284 : i32
      %add3A_286 = arith.addi %mul3A_11, %mul3A_285 : i32
      %run_scoped3A = arith.constant 0 : i32
      "tpu.region"() ({
        %run_scoped3A_363 = tpu.sem_alloc : memref<!tpu.dma_semaphore, #tpu.memory_space<semaphore_mem>>
        %dma_start3A_364 = arith.constant 0 : i32
        %dma_start3A_365 = arith.constant 0 : i32
        %dma_start3A_366 = tpu.memref_slice %arg9[%run_scoped3A, %dma_start3A_364, %dma_start3A_365] : memref<2x320x128xf32, #tpu.memory_space<vmem>> -> memref<1x320x128xf32, #tpu.memory_space<vmem>>
        %dma_start3A_367 = tpu.memref_squeeze %dma_start3A_366 : memref<1x320x128xf32, #tpu.memory_space<vmem>> -> memref<320x128xf32, #tpu.memory_space<vmem>>
        %dma_start3A_368 = arith.constant 0 : i32
        %dma_start3A_369 = tpu.memref_slice %arg5[%add3A_286, %dma_start3A_368] : memref<102400x128xf32, #tpu.memory_space<hbm>> -> memref<320x128xf32, #tpu.memory_space<hbm>>
        %dma_start3A_370 = arith.constant 0 : i32
        %dma_start3A_371 = tpu.memref_slice %arg5[%add3A_286, %dma_start3A_370] : memref<102400x128xf32, #tpu.memory_space<hbm>> -> memref<320x128xf32, #tpu.memory_space<hbm>>
        %dma_start3A_372 = arith.constant 0 : i32
        %dma_start3A_373 = arith.constant 0 : i32
        %dma_start3A_374 = tpu.memref_slice %arg9[%run_scoped3A, %dma_start3A_372, %dma_start3A_373] : memref<2x320x128xf32, #tpu.memory_space<vmem>> -> memref<1x320x128xf32, #tpu.memory_space<vmem>>
        %dma_start3A_375 = tpu.memref_squeeze %dma_start3A_374 : memref<1x320x128xf32, #tpu.memory_space<vmem>> -> memref<320x128xf32, #tpu.memory_space<vmem>>
        tpu.enqueue_dma source(%dma_start3A_375 : memref<320x128xf32, #tpu.memory_space<vmem>>) target(%dma_start3A_371 : memref<320x128xf32, #tpu.memory_space<hbm>>) target_semaphore(%run_scoped3A_363 : memref<!tpu.dma_semaphore, #tpu.memory_space<semaphore_mem>>)
        %dma_wait3A_376 = arith.constant 0 : i32
        %dma_wait3A_377 = arith.constant 0 : i32
        %dma_wait3A_378 = tpu.memref_slice %arg9[%run_scoped3A, %dma_wait3A_376, %dma_wait3A_377] : memref<2x320x128xf32, #tpu.memory_space<vmem>> -> memref<1x320x128xf32, #tpu.memory_space<vmem>>
        %dma_wait3A_379 = tpu.memref_squeeze %dma_wait3A_378 : memref<1x320x128xf32, #tpu.memory_space<vmem>> -> memref<320x128xf32, #tpu.memory_space<vmem>>
        %dma_wait3A_380 = arith.constant 0 : i32
        %dma_wait3A_381 = tpu.memref_slice %arg5[%add3A_286, %dma_wait3A_380] : memref<102400x128xf32, #tpu.memory_space<hbm>> -> memref<320x128xf32, #tpu.memory_space<hbm>>
        %dma_wait3A_382 = arith.constant 0 : i32
        %dma_wait3A_383 = tpu.memref_slice %arg5[%add3A_286, %dma_wait3A_382] : memref<102400x128xf32, #tpu.memory_space<hbm>> -> memref<320x128xf32, #tpu.memory_space<hbm>>
        %dma_wait3A_384 = arith.constant 0 : i32
        %dma_wait3A_385 = arith.constant 0 : i32
        %dma_wait3A_386 = tpu.memref_slice %arg9[%run_scoped3A, %dma_wait3A_384, %dma_wait3A_385] : memref<2x320x128xf32, #tpu.memory_space<vmem>> -> memref<1x320x128xf32, #tpu.memory_space<vmem>>
        %dma_wait3A_387 = tpu.memref_squeeze %dma_wait3A_386 : memref<1x320x128xf32, #tpu.memory_space<vmem>> -> memref<320x128xf32, #tpu.memory_space<vmem>>
        tpu.wait_dma2 semaphore(%run_scoped3A_363 : memref<!tpu.dma_semaphore, #tpu.memory_space<semaphore_mem>>) src(%dma_wait3A_387 : memref<320x128xf32, #tpu.memory_space<vmem>>) dst(%dma_wait3A_383 : memref<320x128xf32, #tpu.memory_space<hbm>>)
        tpu.yield
      }) : () -> ()
      %dma_wait3A_287 = arith.constant 1 : i32
      %dma_wait3A_288 = arith.constant 0 : i32
      %dma_wait3A_289 = arith.constant 0 : i32
      %dma_wait3A_290 = tpu.memref_slice %arg9[%dma_wait3A_287, %dma_wait3A_288, %dma_wait3A_289] : memref<2x320x128xf32, #tpu.memory_space<vmem>> -> memref<1x320x128xf32, #tpu.memory_space<vmem>>
      %dma_wait3A_291 = tpu.memref_squeeze %dma_wait3A_290 : memref<1x320x128xf32, #tpu.memory_space<vmem>> -> memref<320x128xf32, #tpu.memory_space<vmem>>
      %dma_wait3A_292 = arith.constant 0 : i32
      %dma_wait3A_293 = arith.constant 0 : i32
      %dma_wait3A_294 = tpu.memref_slice %dma_wait3A_291[%dma_wait3A_292, %dma_wait3A_293] : memref<320x128xf32, #tpu.memory_space<vmem>> -> memref<64x128xf32, #tpu.memory_space<vmem>>
      %dma_wait3A_295 = arith.constant 0 : i32
      %dma_wait3A_296 = tpu.memref_slice %arg7[%add3A_128, %dma_wait3A_295] : memref<90x64xi32, #tpu.memory_space<vmem>> -> memref<1x64xi32, #tpu.memory_space<vmem>>
      %dma_wait3A_297 = tpu.memref_squeeze %dma_wait3A_296 : memref<1x64xi32, #tpu.memory_space<vmem>> -> memref<64xi32, #tpu.memory_space<vmem>>
      %dma_wait3A_298 = arith.constant 0 : i32
      %dma_wait3A_299 = arith.constant 0 : i32
      %dma_wait3A_300 = tpu.memref_slice %arg2[%dma_wait3A_298, %dma_wait3A_299] : memref<100000x128xf32, #tpu.memory_space<hbm>> -> memref<100000x128xf32, #tpu.memory_space<hbm>>
      tpu.wait_indirect_dma semaphore(%arg11 : memref<!tpu.dma_semaphore, #tpu.memory_space<semaphore_mem>>) src(%dma_wait3A_300 : memref<100000x128xf32, #tpu.memory_space<hbm>>) dst(%dma_wait3A_294 : memref<64x128xf32, #tpu.memory_space<vmem>>)
      %dma_wait3A_301 = arith.constant 1 : i32
      %dma_wait3A_302 = arith.constant 0 : i32
      %dma_wait3A_303 = arith.constant 0 : i32
      %dma_wait3A_304 = tpu.memref_slice %arg9[%dma_wait3A_301, %dma_wait3A_302, %dma_wait3A_303] : memref<2x320x128xf32, #tpu.memory_space<vmem>> -> memref<1x320x128xf32, #tpu.memory_space<vmem>>
      %dma_wait3A_305 = tpu.memref_squeeze %dma_wait3A_304 : memref<1x320x128xf32, #tpu.memory_space<vmem>> -> memref<320x128xf32, #tpu.memory_space<vmem>>
      %dma_wait3A_306 = arith.constant 64 : i32
      %dma_wait3A_307 = arith.constant 0 : i32
      %dma_wait3A_308 = tpu.memref_slice %dma_wait3A_305[%dma_wait3A_306, %dma_wait3A_307] : memref<320x128xf32, #tpu.memory_space<vmem>> -> memref<64x128xf32, #tpu.memory_space<vmem>>
      %dma_wait3A_309 = arith.constant 0 : i32
      %dma_wait3A_310 = tpu.memref_slice %arg7[%add3A_146, %dma_wait3A_309] : memref<90x64xi32, #tpu.memory_space<vmem>> -> memref<1x64xi32, #tpu.memory_space<vmem>>
      %dma_wait3A_311 = tpu.memref_squeeze %dma_wait3A_310 : memref<1x64xi32, #tpu.memory_space<vmem>> -> memref<64xi32, #tpu.memory_space<vmem>>
      %dma_wait3A_312 = arith.constant 0 : i32
      %dma_wait3A_313 = arith.constant 0 : i32
      %dma_wait3A_314 = tpu.memref_slice %arg2[%dma_wait3A_312, %dma_wait3A_313] : memref<100000x128xf32, #tpu.memory_space<hbm>> -> memref<100000x128xf32, #tpu.memory_space<hbm>>
      tpu.wait_indirect_dma semaphore(%arg11 : memref<!tpu.dma_semaphore, #tpu.memory_space<semaphore_mem>>) src(%dma_wait3A_314 : memref<100000x128xf32, #tpu.memory_space<hbm>>) dst(%dma_wait3A_308 : memref<64x128xf32, #tpu.memory_space<vmem>>)
      %dma_wait3A_315 = arith.constant 1 : i32
      %dma_wait3A_316 = arith.constant 0 : i32
      %dma_wait3A_317 = arith.constant 0 : i32
      %dma_wait3A_318 = tpu.memref_slice %arg9[%dma_wait3A_315, %dma_wait3A_316, %dma_wait3A_317] : memref<2x320x128xf32, #tpu.memory_space<vmem>> -> memref<1x320x128xf32, #tpu.memory_space<vmem>>
      %dma_wait3A_319 = tpu.memref_squeeze %dma_wait3A_318 : memref<1x320x128xf32, #tpu.memory_space<vmem>> -> memref<320x128xf32, #tpu.memory_space<vmem>>
      %dma_wait3A_320 = arith.constant 128 : i32
      %dma_wait3A_321 = arith.constant 0 : i32
      %dma_wait3A_322 = tpu.memref_slice %dma_wait3A_319[%dma_wait3A_320, %dma_wait3A_321] : memref<320x128xf32, #tpu.memory_space<vmem>> -> memref<64x128xf32, #tpu.memory_space<vmem>>
      %dma_wait3A_323 = arith.constant 0 : i32
      %dma_wait3A_324 = tpu.memref_slice %arg7[%add3A_164, %dma_wait3A_323] : memref<90x64xi32, #tpu.memory_space<vmem>> -> memref<1x64xi32, #tpu.memory_space<vmem>>
      %dma_wait3A_325 = tpu.memref_squeeze %dma_wait3A_324 : memref<1x64xi32, #tpu.memory_space<vmem>> -> memref<64xi32, #tpu.memory_space<vmem>>
      %dma_wait3A_326 = arith.constant 0 : i32
      %dma_wait3A_327 = arith.constant 0 : i32
      %dma_wait3A_328 = tpu.memref_slice %arg2[%dma_wait3A_326, %dma_wait3A_327] : memref<100000x128xf32, #tpu.memory_space<hbm>> -> memref<100000x128xf32, #tpu.memory_space<hbm>>
      tpu.wait_indirect_dma semaphore(%arg11 : memref<!tpu.dma_semaphore, #tpu.memory_space<semaphore_mem>>) src(%dma_wait3A_328 : memref<100000x128xf32, #tpu.memory_space<hbm>>) dst(%dma_wait3A_322 : memref<64x128xf32, #tpu.memory_space<vmem>>)
      %dma_wait3A_329 = arith.constant 1 : i32
      %dma_wait3A_330 = arith.constant 0 : i32
      %dma_wait3A_331 = arith.constant 0 : i32
      %dma_wait3A_332 = tpu.memref_slice %arg9[%dma_wait3A_329, %dma_wait3A_330, %dma_wait3A_331] : memref<2x320x128xf32, #tpu.memory_space<vmem>> -> memref<1x320x128xf32, #tpu.memory_space<vmem>>
      %dma_wait3A_333 = tpu.memref_squeeze %dma_wait3A_332 : memref<1x320x128xf32, #tpu.memory_space<vmem>> -> memref<320x128xf32, #tpu.memory_space<vmem>>
      %dma_wait3A_334 = arith.constant 192 : i32
      %dma_wait3A_335 = arith.constant 0 : i32
      %dma_wait3A_336 = tpu.memref_slice %dma_wait3A_333[%dma_wait3A_334, %dma_wait3A_335] : memref<320x128xf32, #tpu.memory_space<vmem>> -> memref<64x128xf32, #tpu.memory_space<vmem>>
      %dma_wait3A_337 = arith.constant 0 : i32
      %dma_wait3A_338 = tpu.memref_slice %arg7[%add3A_182, %dma_wait3A_337] : memref<90x64xi32, #tpu.memory_space<vmem>> -> memref<1x64xi32, #tpu.memory_space<vmem>>
      %dma_wait3A_339 = tpu.memref_squeeze %dma_wait3A_338 : memref<1x64xi32, #tpu.memory_space<vmem>> -> memref<64xi32, #tpu.memory_space<vmem>>
      %dma_wait3A_340 = arith.constant 0 : i32
      %dma_wait3A_341 = arith.constant 0 : i32
      %dma_wait3A_342 = tpu.memref_slice %arg2[%dma_wait3A_340, %dma_wait3A_341] : memref<100000x128xf32, #tpu.memory_space<hbm>> -> memref<100000x128xf32, #tpu.memory_space<hbm>>
      tpu.wait_indirect_dma semaphore(%arg11 : memref<!tpu.dma_semaphore, #tpu.memory_space<semaphore_mem>>) src(%dma_wait3A_342 : memref<100000x128xf32, #tpu.memory_space<hbm>>) dst(%dma_wait3A_336 : memref<64x128xf32, #tpu.memory_space<vmem>>)
      %dma_wait3A_343 = arith.constant 1 : i32
      %dma_wait3A_344 = arith.constant 0 : i32
      %dma_wait3A_345 = arith.constant 0 : i32
      %dma_wait3A_346 = tpu.memref_slice %arg9[%dma_wait3A_343, %dma_wait3A_344, %dma_wait3A_345] : memref<2x320x128xf32, #tpu.memory_space<vmem>> -> memref<1x320x128xf32, #tpu.memory_space<vmem>>
      %dma_wait3A_347 = tpu.memref_squeeze %dma_wait3A_346 : memref<1x320x128xf32, #tpu.memory_space<vmem>> -> memref<320x128xf32, #tpu.memory_space<vmem>>
      %dma_wait3A_348 = arith.constant 256 : i32
      %dma_wait3A_349 = arith.constant 0 : i32
      %dma_wait3A_350 = tpu.memref_slice %dma_wait3A_347[%dma_wait3A_348, %dma_wait3A_349] : memref<320x128xf32, #tpu.memory_space<vmem>> -> memref<64x128xf32, #tpu.memory_space<vmem>>
      %dma_wait3A_351 = arith.constant 0 : i32
      %dma_wait3A_352 = tpu.memref_slice %arg7[%add3A_200, %dma_wait3A_351] : memref<90x64xi32, #tpu.memory_space<vmem>> -> memref<1x64xi32, #tpu.memory_space<vmem>>
      %dma_wait3A_353 = tpu.memref_squeeze %dma_wait3A_352 : memref<1x64xi32, #tpu.memory_space<vmem>> -> memref<64xi32, #tpu.memory_space<vmem>>
      %dma_wait3A_354 = arith.constant 0 : i32
      %dma_wait3A_355 = arith.constant 0 : i32
      %dma_wait3A_356 = tpu.memref_slice %arg2[%dma_wait3A_354, %dma_wait3A_355] : memref<100000x128xf32, #tpu.memory_space<hbm>> -> memref<100000x128xf32, #tpu.memory_space<hbm>>
      tpu.wait_indirect_dma semaphore(%arg11 : memref<!tpu.dma_semaphore, #tpu.memory_space<semaphore_mem>>) src(%dma_wait3A_356 : memref<100000x128xf32, #tpu.memory_space<hbm>>) dst(%dma_wait3A_350 : memref<64x128xf32, #tpu.memory_space<vmem>>)
      %add3A_357 = arith.constant 1 : i32
      %add3A_358 = arith.addi %mul3A_33, %add3A_357 : i32
      %mul3A_359 = arith.constant 320 : i32
      %mul3A_360 = arith.muli %add3A_358, %mul3A_359 : i32
      %add3A_361 = arith.addi %mul3A_11, %mul3A_360 : i32
      %run_scoped3A_362 = arith.constant 1 : i32
      "tpu.region"() ({
        %run_scoped3A_363 = tpu.sem_alloc : memref<!tpu.dma_semaphore, #tpu.memory_space<semaphore_mem>>
        %dma_start3A_364 = arith.constant 0 : i32
        %dma_start3A_365 = arith.constant 0 : i32
        %dma_start3A_366 = tpu.memref_slice %arg9[%run_scoped3A_362, %dma_start3A_364, %dma_start3A_365] : memref<2x320x128xf32, #tpu.memory_space<vmem>> -> memref<1x320x128xf32, #tpu.memory_space<vmem>>
        %dma_start3A_367 = tpu.memref_squeeze %dma_start3A_366 : memref<1x320x128xf32, #tpu.memory_space<vmem>> -> memref<320x128xf32, #tpu.memory_space<vmem>>
        %dma_start3A_368 = arith.constant 0 : i32
        %dma_start3A_369 = tpu.memref_slice %arg5[%add3A_361, %dma_start3A_368] : memref<102400x128xf32, #tpu.memory_space<hbm>> -> memref<320x128xf32, #tpu.memory_space<hbm>>
        %dma_start3A_370 = arith.constant 0 : i32
        %dma_start3A_371 = tpu.memref_slice %arg5[%add3A_361, %dma_start3A_370] : memref<102400x128xf32, #tpu.memory_space<hbm>> -> memref<320x128xf32, #tpu.memory_space<hbm>>
        %dma_start3A_372 = arith.constant 0 : i32
        %dma_start3A_373 = arith.constant 0 : i32
        %dma_start3A_374 = tpu.memref_slice %arg9[%run_scoped3A_362, %dma_start3A_372, %dma_start3A_373] : memref<2x320x128xf32, #tpu.memory_space<vmem>> -> memref<1x320x128xf32, #tpu.memory_space<vmem>>
        %dma_start3A_375 = tpu.memref_squeeze %dma_start3A_374 : memref<1x320x128xf32, #tpu.memory_space<vmem>> -> memref<320x128xf32, #tpu.memory_space<vmem>>
        tpu.enqueue_dma source(%dma_start3A_375 : memref<320x128xf32, #tpu.memory_space<vmem>>) target(%dma_start3A_371 : memref<320x128xf32, #tpu.memory_space<hbm>>) target_semaphore(%run_scoped3A_363 : memref<!tpu.dma_semaphore, #tpu.memory_space<semaphore_mem>>)
        %dma_wait3A_376 = arith.constant 0 : i32
        %dma_wait3A_377 = arith.constant 0 : i32
        %dma_wait3A_378 = tpu.memref_slice %arg9[%run_scoped3A_362, %dma_wait3A_376, %dma_wait3A_377] : memref<2x320x128xf32, #tpu.memory_space<vmem>> -> memref<1x320x128xf32, #tpu.memory_space<vmem>>
        %dma_wait3A_379 = tpu.memref_squeeze %dma_wait3A_378 : memref<1x320x128xf32, #tpu.memory_space<vmem>> -> memref<320x128xf32, #tpu.memory_space<vmem>>
        %dma_wait3A_380 = arith.constant 0 : i32
        %dma_wait3A_381 = tpu.memref_slice %arg5[%add3A_361, %dma_wait3A_380] : memref<102400x128xf32, #tpu.memory_space<hbm>> -> memref<320x128xf32, #tpu.memory_space<hbm>>
        %dma_wait3A_382 = arith.constant 0 : i32
        %dma_wait3A_383 = tpu.memref_slice %arg5[%add3A_361, %dma_wait3A_382] : memref<102400x128xf32, #tpu.memory_space<hbm>> -> memref<320x128xf32, #tpu.memory_space<hbm>>
        %dma_wait3A_384 = arith.constant 0 : i32
        %dma_wait3A_385 = arith.constant 0 : i32
        %dma_wait3A_386 = tpu.memref_slice %arg9[%run_scoped3A_362, %dma_wait3A_384, %dma_wait3A_385] : memref<2x320x128xf32, #tpu.memory_space<vmem>> -> memref<1x320x128xf32, #tpu.memory_space<vmem>>
        %dma_wait3A_387 = tpu.memref_squeeze %dma_wait3A_386 : memref<1x320x128xf32, #tpu.memory_space<vmem>> -> memref<320x128xf32, #tpu.memory_space<vmem>>
        tpu.wait_dma2 semaphore(%run_scoped3A_363 : memref<!tpu.dma_semaphore, #tpu.memory_space<semaphore_mem>>) src(%dma_wait3A_387 : memref<320x128xf32, #tpu.memory_space<vmem>>) dst(%dma_wait3A_383 : memref<320x128xf32, #tpu.memory_space<hbm>>)
        tpu.yield
      }) : () -> ()
    }
    %while3A_20 = arith.constant 1 : i32
    scf.for %while3A_31 = %while3A_18 to %while3A_14 step %while3A_20  : i32 {
      %mul3A_32 = arith.constant 2 : i32
      %mul3A_33 = arith.muli %mul3A_32, %while3A_31 : i32
      %mul3A_34 = arith.constant 5 : i32
      %mul3A_35 = arith.muli %mul3A_33, %mul3A_34 : i32
      %add3A_36 = arith.constant 0 : i32
      %add3A_37 = arith.addi %mul3A_35, %add3A_36 : i32
      %dma_start3A = arith.constant 0 : i32
      %dma_start3A_38 = arith.constant 0 : i32
      %dma_start3A_39 = arith.constant 0 : i32
      %dma_start3A_40 = tpu.memref_slice %arg9[%dma_start3A, %dma_start3A_38, %dma_start3A_39] : memref<2x320x128xf32, #tpu.memory_space<vmem>> -> memref<1x320x128xf32, #tpu.memory_space<vmem>>
      %dma_start3A_41 = tpu.memref_squeeze %dma_start3A_40 : memref<1x320x128xf32, #tpu.memory_space<vmem>> -> memref<320x128xf32, #tpu.memory_space<vmem>>
      %dma_start3A_42 = arith.constant 0 : i32
      %dma_start3A_43 = arith.constant 0 : i32
      %dma_start3A_44 = tpu.memref_slice %dma_start3A_41[%dma_start3A_42, %dma_start3A_43] : memref<320x128xf32, #tpu.memory_space<vmem>> -> memref<64x128xf32, #tpu.memory_space<vmem>>
      %dma_start3A_45 = arith.constant 0 : i32
      %dma_start3A_46 = tpu.memref_slice %arg7[%add3A_37, %dma_start3A_45] : memref<90x64xi32, #tpu.memory_space<vmem>> -> memref<1x64xi32, #tpu.memory_space<vmem>>
      %dma_start3A_47 = tpu.memref_squeeze %dma_start3A_46 : memref<1x64xi32, #tpu.memory_space<vmem>> -> memref<64xi32, #tpu.memory_space<vmem>>
      %dma_start3A_48 = arith.constant 0 : i32
      %dma_start3A_49 = arith.constant 0 : i32
      %dma_start3A_50 = tpu.memref_slice %arg2[%dma_start3A_48, %dma_start3A_49] : memref<100000x128xf32, #tpu.memory_space<hbm>> -> memref<100000x128xf32, #tpu.memory_space<hbm>>
      tpu.enqueue_indirect_dma source(%dma_start3A_50 : memref<100000x128xf32, #tpu.memory_space<hbm>>) target(%dma_start3A_44 : memref<64x128xf32, #tpu.memory_space<vmem>>) offsets(%dma_start3A_47 : memref<64xi32, #tpu.memory_space<vmem>>) semaphore(%arg10 : memref<!tpu.dma_semaphore, #tpu.memory_space<semaphore_mem>>)
      %mul3A_51 = arith.constant 5 : i32
      %mul3A_52 = arith.muli %mul3A_33, %mul3A_51 : i32
      %add3A_53 = arith.constant 1 : i32
      %add3A_54 = arith.addi %mul3A_52, %add3A_53 : i32
      %dma_start3A_55 = arith.constant 0 : i32
      %dma_start3A_56 = arith.constant 0 : i32
      %dma_start3A_57 = arith.constant 0 : i32
      %dma_start3A_58 = tpu.memref_slice %arg9[%dma_start3A_55, %dma_start3A_56, %dma_start3A_57] : memref<2x320x128xf32, #tpu.memory_space<vmem>> -> memref<1x320x128xf32, #tpu.memory_space<vmem>>
      %dma_start3A_59 = tpu.memref_squeeze %dma_start3A_58 : memref<1x320x128xf32, #tpu.memory_space<vmem>> -> memref<320x128xf32, #tpu.memory_space<vmem>>
      %dma_start3A_60 = arith.constant 64 : i32
      %dma_start3A_61 = arith.constant 0 : i32
      %dma_start3A_62 = tpu.memref_slice %dma_start3A_59[%dma_start3A_60, %dma_start3A_61] : memref<320x128xf32, #tpu.memory_space<vmem>> -> memref<64x128xf32, #tpu.memory_space<vmem>>
      %dma_start3A_63 = arith.constant 0 : i32
      %dma_start3A_64 = tpu.memref_slice %arg7[%add3A_54, %dma_start3A_63] : memref<90x64xi32, #tpu.memory_space<vmem>> -> memref<1x64xi32, #tpu.memory_space<vmem>>
      %dma_start3A_65 = tpu.memref_squeeze %dma_start3A_64 : memref<1x64xi32, #tpu.memory_space<vmem>> -> memref<64xi32, #tpu.memory_space<vmem>>
      %dma_start3A_66 = arith.constant 0 : i32
      %dma_start3A_67 = arith.constant 0 : i32
      %dma_start3A_68 = tpu.memref_slice %arg2[%dma_start3A_66, %dma_start3A_67] : memref<100000x128xf32, #tpu.memory_space<hbm>> -> memref<100000x128xf32, #tpu.memory_space<hbm>>
      tpu.enqueue_indirect_dma source(%dma_start3A_68 : memref<100000x128xf32, #tpu.memory_space<hbm>>) target(%dma_start3A_62 : memref<64x128xf32, #tpu.memory_space<vmem>>) offsets(%dma_start3A_65 : memref<64xi32, #tpu.memory_space<vmem>>) semaphore(%arg10 : memref<!tpu.dma_semaphore, #tpu.memory_space<semaphore_mem>>)
      %mul3A_69 = arith.constant 5 : i32
      %mul3A_70 = arith.muli %mul3A_33, %mul3A_69 : i32
      %add3A_71 = arith.constant 2 : i32
      %add3A_72 = arith.addi %mul3A_70, %add3A_71 : i32
      %dma_start3A_73 = arith.constant 0 : i32
      %dma_start3A_74 = arith.constant 0 : i32
      %dma_start3A_75 = arith.constant 0 : i32
      %dma_start3A_76 = tpu.memref_slice %arg9[%dma_start3A_73, %dma_start3A_74, %dma_start3A_75] : memref<2x320x128xf32, #tpu.memory_space<vmem>> -> memref<1x320x128xf32, #tpu.memory_space<vmem>>
      %dma_start3A_77 = tpu.memref_squeeze %dma_start3A_76 : memref<1x320x128xf32, #tpu.memory_space<vmem>> -> memref<320x128xf32, #tpu.memory_space<vmem>>
      %dma_start3A_78 = arith.constant 128 : i32
      %dma_start3A_79 = arith.constant 0 : i32
      %dma_start3A_80 = tpu.memref_slice %dma_start3A_77[%dma_start3A_78, %dma_start3A_79] : memref<320x128xf32, #tpu.memory_space<vmem>> -> memref<64x128xf32, #tpu.memory_space<vmem>>
      %dma_start3A_81 = arith.constant 0 : i32
      %dma_start3A_82 = tpu.memref_slice %arg7[%add3A_72, %dma_start3A_81] : memref<90x64xi32, #tpu.memory_space<vmem>> -> memref<1x64xi32, #tpu.memory_space<vmem>>
      %dma_start3A_83 = tpu.memref_squeeze %dma_start3A_82 : memref<1x64xi32, #tpu.memory_space<vmem>> -> memref<64xi32, #tpu.memory_space<vmem>>
      %dma_start3A_84 = arith.constant 0 : i32
      %dma_start3A_85 = arith.constant 0 : i32
      %dma_start3A_86 = tpu.memref_slice %arg2[%dma_start3A_84, %dma_start3A_85] : memref<100000x128xf32, #tpu.memory_space<hbm>> -> memref<100000x128xf32, #tpu.memory_space<hbm>>
      tpu.enqueue_indirect_dma source(%dma_start3A_86 : memref<100000x128xf32, #tpu.memory_space<hbm>>) target(%dma_start3A_80 : memref<64x128xf32, #tpu.memory_space<vmem>>) offsets(%dma_start3A_83 : memref<64xi32, #tpu.memory_space<vmem>>) semaphore(%arg10 : memref<!tpu.dma_semaphore, #tpu.memory_space<semaphore_mem>>)
      %mul3A_87 = arith.constant 5 : i32
      %mul3A_88 = arith.muli %mul3A_33, %mul3A_87 : i32
      %add3A_89 = arith.constant 3 : i32
      %add3A_90 = arith.addi %mul3A_88, %add3A_89 : i32
      %dma_start3A_91 = arith.constant 0 : i32
      %dma_start3A_92 = arith.constant 0 : i32
      %dma_start3A_93 = arith.constant 0 : i32
      %dma_start3A_94 = tpu.memref_slice %arg9[%dma_start3A_91, %dma_start3A_92, %dma_start3A_93] : memref<2x320x128xf32, #tpu.memory_space<vmem>> -> memref<1x320x128xf32, #tpu.memory_space<vmem>>
      %dma_start3A_95 = tpu.memref_squeeze %dma_start3A_94 : memref<1x320x128xf32, #tpu.memory_space<vmem>> -> memref<320x128xf32, #tpu.memory_space<vmem>>
      %dma_start3A_96 = arith.constant 192 : i32
      %dma_start3A_97 = arith.constant 0 : i32
      %dma_start3A_98 = tpu.memref_slice %dma_start3A_95[%dma_start3A_96, %dma_start3A_97] : memref<320x128xf32, #tpu.memory_space<vmem>> -> memref<64x128xf32, #tpu.memory_space<vmem>>
      %dma_start3A_99 = arith.constant 0 : i32
      %dma_start3A_100 = tpu.memref_slice %arg7[%add3A_90, %dma_start3A_99] : memref<90x64xi32, #tpu.memory_space<vmem>> -> memref<1x64xi32, #tpu.memory_space<vmem>>
      %dma_start3A_101 = tpu.memref_squeeze %dma_start3A_100 : memref<1x64xi32, #tpu.memory_space<vmem>> -> memref<64xi32, #tpu.memory_space<vmem>>
      %dma_start3A_102 = arith.constant 0 : i32
      %dma_start3A_103 = arith.constant 0 : i32
      %dma_start3A_104 = tpu.memref_slice %arg2[%dma_start3A_102, %dma_start3A_103] : memref<100000x128xf32, #tpu.memory_space<hbm>> -> memref<100000x128xf32, #tpu.memory_space<hbm>>
      tpu.enqueue_indirect_dma source(%dma_start3A_104 : memref<100000x128xf32, #tpu.memory_space<hbm>>) target(%dma_start3A_98 : memref<64x128xf32, #tpu.memory_space<vmem>>) offsets(%dma_start3A_101 : memref<64xi32, #tpu.memory_space<vmem>>) semaphore(%arg10 : memref<!tpu.dma_semaphore, #tpu.memory_space<semaphore_mem>>)
      %mul3A_105 = arith.constant 5 : i32
      %mul3A_106 = arith.muli %mul3A_33, %mul3A_105 : i32
      %add3A_107 = arith.constant 4 : i32
      %add3A_108 = arith.addi %mul3A_106, %add3A_107 : i32
      %dma_start3A_109 = arith.constant 0 : i32
      %dma_start3A_110 = arith.constant 0 : i32
      %dma_start3A_111 = arith.constant 0 : i32
      %dma_start3A_112 = tpu.memref_slice %arg9[%dma_start3A_109, %dma_start3A_110, %dma_start3A_111] : memref<2x320x128xf32, #tpu.memory_space<vmem>> -> memref<1x320x128xf32, #tpu.memory_space<vmem>>
      %dma_start3A_113 = tpu.memref_squeeze %dma_start3A_112 : memref<1x320x128xf32, #tpu.memory_space<vmem>> -> memref<320x128xf32, #tpu.memory_space<vmem>>
      %dma_start3A_114 = arith.constant 256 : i32
      %dma_start3A_115 = arith.constant 0 : i32
      %dma_start3A_116 = tpu.memref_slice %dma_start3A_113[%dma_start3A_114, %dma_start3A_115] : memref<320x128xf32, #tpu.memory_space<vmem>> -> memref<64x128xf32, #tpu.memory_space<vmem>>
      %dma_start3A_117 = arith.constant 0 : i32
      %dma_start3A_118 = tpu.memref_slice %arg7[%add3A_108, %dma_start3A_117] : memref<90x64xi32, #tpu.memory_space<vmem>> -> memref<1x64xi32, #tpu.memory_space<vmem>>
      %dma_start3A_119 = tpu.memref_squeeze %dma_start3A_118 : memref<1x64xi32, #tpu.memory_space<vmem>> -> memref<64xi32, #tpu.memory_space<vmem>>
      %dma_start3A_120 = arith.constant 0 : i32
      %dma_start3A_121 = arith.constant 0 : i32
      %dma_start3A_122 = tpu.memref_slice %arg2[%dma_start3A_120, %dma_start3A_121] : memref<100000x128xf32, #tpu.memory_space<hbm>> -> memref<100000x128xf32, #tpu.memory_space<hbm>>
      tpu.enqueue_indirect_dma source(%dma_start3A_122 : memref<100000x128xf32, #tpu.memory_space<hbm>>) target(%dma_start3A_116 : memref<64x128xf32, #tpu.memory_space<vmem>>) offsets(%dma_start3A_119 : memref<64xi32, #tpu.memory_space<vmem>>) semaphore(%arg10 : memref<!tpu.dma_semaphore, #tpu.memory_space<semaphore_mem>>)
      %add3A_123 = arith.constant 1 : i32
      %add3A_124 = arith.addi %mul3A_33, %add3A_123 : i32
      %mul3A_125 = arith.constant 5 : i32
      %mul3A_126 = arith.muli %add3A_124, %mul3A_125 : i32
      %add3A_127 = arith.constant 0 : i32
      %add3A_128 = arith.addi %mul3A_126, %add3A_127 : i32
      %dma_start3A_129 = arith.constant 1 : i32
      %dma_start3A_130 = arith.constant 0 : i32
      %dma_start3A_131 = arith.constant 0 : i32
      %dma_start3A_132 = tpu.memref_slice %arg9[%dma_start3A_129, %dma_start3A_130, %dma_start3A_131] : memref<2x320x128xf32, #tpu.memory_space<vmem>> -> memref<1x320x128xf32, #tpu.memory_space<vmem>>
      %dma_start3A_133 = tpu.memref_squeeze %dma_start3A_132 : memref<1x320x128xf32, #tpu.memory_space<vmem>> -> memref<320x128xf32, #tpu.memory_space<vmem>>
      %dma_start3A_134 = arith.constant 0 : i32
      %dma_start3A_135 = arith.constant 0 : i32
      %dma_start3A_136 = tpu.memref_slice %dma_start3A_133[%dma_start3A_134, %dma_start3A_135] : memref<320x128xf32, #tpu.memory_space<vmem>> -> memref<64x128xf32, #tpu.memory_space<vmem>>
      %dma_start3A_137 = arith.constant 0 : i32
      %dma_start3A_138 = tpu.memref_slice %arg7[%add3A_128, %dma_start3A_137] : memref<90x64xi32, #tpu.memory_space<vmem>> -> memref<1x64xi32, #tpu.memory_space<vmem>>
      %dma_start3A_139 = tpu.memref_squeeze %dma_start3A_138 : memref<1x64xi32, #tpu.memory_space<vmem>> -> memref<64xi32, #tpu.memory_space<vmem>>
      %dma_start3A_140 = arith.constant 0 : i32
      %dma_start3A_141 = arith.constant 0 : i32
      %dma_start3A_142 = tpu.memref_slice %arg2[%dma_start3A_140, %dma_start3A_141] : memref<100000x128xf32, #tpu.memory_space<hbm>> -> memref<100000x128xf32, #tpu.memory_space<hbm>>
      tpu.enqueue_indirect_dma source(%dma_start3A_142 : memref<100000x128xf32, #tpu.memory_space<hbm>>) target(%dma_start3A_136 : memref<64x128xf32, #tpu.memory_space<vmem>>) offsets(%dma_start3A_139 : memref<64xi32, #tpu.memory_space<vmem>>) semaphore(%arg11 : memref<!tpu.dma_semaphore, #tpu.memory_space<semaphore_mem>>)
      %mul3A_143 = arith.constant 5 : i32
      %mul3A_144 = arith.muli %add3A_124, %mul3A_143 : i32
      %add3A_145 = arith.constant 1 : i32
      %add3A_146 = arith.addi %mul3A_144, %add3A_145 : i32
      %dma_start3A_147 = arith.constant 1 : i32
      %dma_start3A_148 = arith.constant 0 : i32
      %dma_start3A_149 = arith.constant 0 : i32
      %dma_start3A_150 = tpu.memref_slice %arg9[%dma_start3A_147, %dma_start3A_148, %dma_start3A_149] : memref<2x320x128xf32, #tpu.memory_space<vmem>> -> memref<1x320x128xf32, #tpu.memory_space<vmem>>
      %dma_start3A_151 = tpu.memref_squeeze %dma_start3A_150 : memref<1x320x128xf32, #tpu.memory_space<vmem>> -> memref<320x128xf32, #tpu.memory_space<vmem>>
      %dma_start3A_152 = arith.constant 64 : i32
      %dma_start3A_153 = arith.constant 0 : i32
      %dma_start3A_154 = tpu.memref_slice %dma_start3A_151[%dma_start3A_152, %dma_start3A_153] : memref<320x128xf32, #tpu.memory_space<vmem>> -> memref<64x128xf32, #tpu.memory_space<vmem>>
      %dma_start3A_155 = arith.constant 0 : i32
      %dma_start3A_156 = tpu.memref_slice %arg7[%add3A_146, %dma_start3A_155] : memref<90x64xi32, #tpu.memory_space<vmem>> -> memref<1x64xi32, #tpu.memory_space<vmem>>
      %dma_start3A_157 = tpu.memref_squeeze %dma_start3A_156 : memref<1x64xi32, #tpu.memory_space<vmem>> -> memref<64xi32, #tpu.memory_space<vmem>>
      %dma_start3A_158 = arith.constant 0 : i32
      %dma_start3A_159 = arith.constant 0 : i32
      %dma_start3A_160 = tpu.memref_slice %arg2[%dma_start3A_158, %dma_start3A_159] : memref<100000x128xf32, #tpu.memory_space<hbm>> -> memref<100000x128xf32, #tpu.memory_space<hbm>>
      tpu.enqueue_indirect_dma source(%dma_start3A_160 : memref<100000x128xf32, #tpu.memory_space<hbm>>) target(%dma_start3A_154 : memref<64x128xf32, #tpu.memory_space<vmem>>) offsets(%dma_start3A_157 : memref<64xi32, #tpu.memory_space<vmem>>) semaphore(%arg11 : memref<!tpu.dma_semaphore, #tpu.memory_space<semaphore_mem>>)
      %mul3A_161 = arith.constant 5 : i32
      %mul3A_162 = arith.muli %add3A_124, %mul3A_161 : i32
      %add3A_163 = arith.constant 2 : i32
      %add3A_164 = arith.addi %mul3A_162, %add3A_163 : i32
      %dma_start3A_165 = arith.constant 1 : i32
      %dma_start3A_166 = arith.constant 0 : i32
      %dma_start3A_167 = arith.constant 0 : i32
      %dma_start3A_168 = tpu.memref_slice %arg9[%dma_start3A_165, %dma_start3A_166, %dma_start3A_167] : memref<2x320x128xf32, #tpu.memory_space<vmem>> -> memref<1x320x128xf32, #tpu.memory_space<vmem>>
      %dma_start3A_169 = tpu.memref_squeeze %dma_start3A_168 : memref<1x320x128xf32, #tpu.memory_space<vmem>> -> memref<320x128xf32, #tpu.memory_space<vmem>>
      %dma_start3A_170 = arith.constant 128 : i32
      %dma_start3A_171 = arith.constant 0 : i32
      %dma_start3A_172 = tpu.memref_slice %dma_start3A_169[%dma_start3A_170, %dma_start3A_171] : memref<320x128xf32, #tpu.memory_space<vmem>> -> memref<64x128xf32, #tpu.memory_space<vmem>>
      %dma_start3A_173 = arith.constant 0 : i32
      %dma_start3A_174 = tpu.memref_slice %arg7[%add3A_164, %dma_start3A_173] : memref<90x64xi32, #tpu.memory_space<vmem>> -> memref<1x64xi32, #tpu.memory_space<vmem>>
      %dma_start3A_175 = tpu.memref_squeeze %dma_start3A_174 : memref<1x64xi32, #tpu.memory_space<vmem>> -> memref<64xi32, #tpu.memory_space<vmem>>
      %dma_start3A_176 = arith.constant 0 : i32
      %dma_start3A_177 = arith.constant 0 : i32
      %dma_start3A_178 = tpu.memref_slice %arg2[%dma_start3A_176, %dma_start3A_177] : memref<100000x128xf32, #tpu.memory_space<hbm>> -> memref<100000x128xf32, #tpu.memory_space<hbm>>
      tpu.enqueue_indirect_dma source(%dma_start3A_178 : memref<100000x128xf32, #tpu.memory_space<hbm>>) target(%dma_start3A_172 : memref<64x128xf32, #tpu.memory_space<vmem>>) offsets(%dma_start3A_175 : memref<64xi32, #tpu.memory_space<vmem>>) semaphore(%arg11 : memref<!tpu.dma_semaphore, #tpu.memory_space<semaphore_mem>>)
      %mul3A_179 = arith.constant 5 : i32
      %mul3A_180 = arith.muli %add3A_124, %mul3A_179 : i32
      %add3A_181 = arith.constant 3 : i32
      %add3A_182 = arith.addi %mul3A_180, %add3A_181 : i32
      %dma_start3A_183 = arith.constant 1 : i32
      %dma_start3A_184 = arith.constant 0 : i32
      %dma_start3A_185 = arith.constant 0 : i32
      %dma_start3A_186 = tpu.memref_slice %arg9[%dma_start3A_183, %dma_start3A_184, %dma_start3A_185] : memref<2x320x128xf32, #tpu.memory_space<vmem>> -> memref<1x320x128xf32, #tpu.memory_space<vmem>>
      %dma_start3A_187 = tpu.memref_squeeze %dma_start3A_186 : memref<1x320x128xf32, #tpu.memory_space<vmem>> -> memref<320x128xf32, #tpu.memory_space<vmem>>
      %dma_start3A_188 = arith.constant 192 : i32
      %dma_start3A_189 = arith.constant 0 : i32
      %dma_start3A_190 = tpu.memref_slice %dma_start3A_187[%dma_start3A_188, %dma_start3A_189] : memref<320x128xf32, #tpu.memory_space<vmem>> -> memref<64x128xf32, #tpu.memory_space<vmem>>
      %dma_start3A_191 = arith.constant 0 : i32
      %dma_start3A_192 = tpu.memref_slice %arg7[%add3A_182, %dma_start3A_191] : memref<90x64xi32, #tpu.memory_space<vmem>> -> memref<1x64xi32, #tpu.memory_space<vmem>>
      %dma_start3A_193 = tpu.memref_squeeze %dma_start3A_192 : memref<1x64xi32, #tpu.memory_space<vmem>> -> memref<64xi32, #tpu.memory_space<vmem>>
      %dma_start3A_194 = arith.constant 0 : i32
      %dma_start3A_195 = arith.constant 0 : i32
      %dma_start3A_196 = tpu.memref_slice %arg2[%dma_start3A_194, %dma_start3A_195] : memref<100000x128xf32, #tpu.memory_space<hbm>> -> memref<100000x128xf32, #tpu.memory_space<hbm>>
      tpu.enqueue_indirect_dma source(%dma_start3A_196 : memref<100000x128xf32, #tpu.memory_space<hbm>>) target(%dma_start3A_190 : memref<64x128xf32, #tpu.memory_space<vmem>>) offsets(%dma_start3A_193 : memref<64xi32, #tpu.memory_space<vmem>>) semaphore(%arg11 : memref<!tpu.dma_semaphore, #tpu.memory_space<semaphore_mem>>)
      %mul3A_197 = arith.constant 5 : i32
      %mul3A_198 = arith.muli %add3A_124, %mul3A_197 : i32
      %add3A_199 = arith.constant 4 : i32
      %add3A_200 = arith.addi %mul3A_198, %add3A_199 : i32
      %dma_start3A_201 = arith.constant 1 : i32
      %dma_start3A_202 = arith.constant 0 : i32
      %dma_start3A_203 = arith.constant 0 : i32
      %dma_start3A_204 = tpu.memref_slice %arg9[%dma_start3A_201, %dma_start3A_202, %dma_start3A_203] : memref<2x320x128xf32, #tpu.memory_space<vmem>> -> memref<1x320x128xf32, #tpu.memory_space<vmem>>
      %dma_start3A_205 = tpu.memref_squeeze %dma_start3A_204 : memref<1x320x128xf32, #tpu.memory_space<vmem>> -> memref<320x128xf32, #tpu.memory_space<vmem>>
      %dma_start3A_206 = arith.constant 256 : i32
      %dma_start3A_207 = arith.constant 0 : i32
      %dma_start3A_208 = tpu.memref_slice %dma_start3A_205[%dma_start3A_206, %dma_start3A_207] : memref<320x128xf32, #tpu.memory_space<vmem>> -> memref<64x128xf32, #tpu.memory_space<vmem>>
      %dma_start3A_209 = arith.constant 0 : i32
      %dma_start3A_210 = tpu.memref_slice %arg7[%add3A_200, %dma_start3A_209] : memref<90x64xi32, #tpu.memory_space<vmem>> -> memref<1x64xi32, #tpu.memory_space<vmem>>
      %dma_start3A_211 = tpu.memref_squeeze %dma_start3A_210 : memref<1x64xi32, #tpu.memory_space<vmem>> -> memref<64xi32, #tpu.memory_space<vmem>>
      %dma_start3A_212 = arith.constant 0 : i32
      %dma_start3A_213 = arith.constant 0 : i32
      %dma_start3A_214 = tpu.memref_slice %arg2[%dma_start3A_212, %dma_start3A_213] : memref<100000x128xf32, #tpu.memory_space<hbm>> -> memref<100000x128xf32, #tpu.memory_space<hbm>>
      tpu.enqueue_indirect_dma source(%dma_start3A_214 : memref<100000x128xf32, #tpu.memory_space<hbm>>) target(%dma_start3A_208 : memref<64x128xf32, #tpu.memory_space<vmem>>) offsets(%dma_start3A_211 : memref<64xi32, #tpu.memory_space<vmem>>) semaphore(%arg11 : memref<!tpu.dma_semaphore, #tpu.memory_space<semaphore_mem>>)
      %dma_wait3A = arith.constant 0 : i32
      %dma_wait3A_215 = arith.constant 0 : i32
      %dma_wait3A_216 = arith.constant 0 : i32
      %dma_wait3A_217 = tpu.memref_slice %arg9[%dma_wait3A, %dma_wait3A_215, %dma_wait3A_216] : memref<2x320x128xf32, #tpu.memory_space<vmem>> -> memref<1x320x128xf32, #tpu.memory_space<vmem>>
      %dma_wait3A_218 = tpu.memref_squeeze %dma_wait3A_217 : memref<1x320x128xf32, #tpu.memory_space<vmem>> -> memref<320x128xf32, #tpu.memory_space<vmem>>
      %dma_wait3A_219 = arith.constant 0 : i32
      %dma_wait3A_220 = arith.constant 0 : i32
      %dma_wait3A_221 = tpu.memref_slice %dma_wait3A_218[%dma_wait3A_219, %dma_wait3A_220] : memref<320x128xf32, #tpu.memory_space<vmem>> -> memref<64x128xf32, #tpu.memory_space<vmem>>
      %dma_wait3A_222 = arith.constant 0 : i32
      %dma_wait3A_223 = tpu.memref_slice %arg7[%add3A_37, %dma_wait3A_222] : memref<90x64xi32, #tpu.memory_space<vmem>> -> memref<1x64xi32, #tpu.memory_space<vmem>>
      %dma_wait3A_224 = tpu.memref_squeeze %dma_wait3A_223 : memref<1x64xi32, #tpu.memory_space<vmem>> -> memref<64xi32, #tpu.memory_space<vmem>>
      %dma_wait3A_225 = arith.constant 0 : i32
      %dma_wait3A_226 = arith.constant 0 : i32
      %dma_wait3A_227 = tpu.memref_slice %arg2[%dma_wait3A_225, %dma_wait3A_226] : memref<100000x128xf32, #tpu.memory_space<hbm>> -> memref<100000x128xf32, #tpu.memory_space<hbm>>
      tpu.wait_indirect_dma semaphore(%arg10 : memref<!tpu.dma_semaphore, #tpu.memory_space<semaphore_mem>>) src(%dma_wait3A_227 : memref<100000x128xf32, #tpu.memory_space<hbm>>) dst(%dma_wait3A_221 : memref<64x128xf32, #tpu.memory_space<vmem>>)
      %dma_wait3A_228 = arith.constant 0 : i32
      %dma_wait3A_229 = arith.constant 0 : i32
      %dma_wait3A_230 = arith.constant 0 : i32
      %dma_wait3A_231 = tpu.memref_slice %arg9[%dma_wait3A_228, %dma_wait3A_229, %dma_wait3A_230] : memref<2x320x128xf32, #tpu.memory_space<vmem>> -> memref<1x320x128xf32, #tpu.memory_space<vmem>>
      %dma_wait3A_232 = tpu.memref_squeeze %dma_wait3A_231 : memref<1x320x128xf32, #tpu.memory_space<vmem>> -> memref<320x128xf32, #tpu.memory_space<vmem>>
      %dma_wait3A_233 = arith.constant 64 : i32
      %dma_wait3A_234 = arith.constant 0 : i32
      %dma_wait3A_235 = tpu.memref_slice %dma_wait3A_232[%dma_wait3A_233, %dma_wait3A_234] : memref<320x128xf32, #tpu.memory_space<vmem>> -> memref<64x128xf32, #tpu.memory_space<vmem>>
      %dma_wait3A_236 = arith.constant 0 : i32
      %dma_wait3A_237 = tpu.memref_slice %arg7[%add3A_54, %dma_wait3A_236] : memref<90x64xi32, #tpu.memory_space<vmem>> -> memref<1x64xi32, #tpu.memory_space<vmem>>
      %dma_wait3A_238 = tpu.memref_squeeze %dma_wait3A_237 : memref<1x64xi32, #tpu.memory_space<vmem>> -> memref<64xi32, #tpu.memory_space<vmem>>
      %dma_wait3A_239 = arith.constant 0 : i32
      %dma_wait3A_240 = arith.constant 0 : i32
      %dma_wait3A_241 = tpu.memref_slice %arg2[%dma_wait3A_239, %dma_wait3A_240] : memref<100000x128xf32, #tpu.memory_space<hbm>> -> memref<100000x128xf32, #tpu.memory_space<hbm>>
      tpu.wait_indirect_dma semaphore(%arg10 : memref<!tpu.dma_semaphore, #tpu.memory_space<semaphore_mem>>) src(%dma_wait3A_241 : memref<100000x128xf32, #tpu.memory_space<hbm>>) dst(%dma_wait3A_235 : memref<64x128xf32, #tpu.memory_space<vmem>>)
      %dma_wait3A_242 = arith.constant 0 : i32
      %dma_wait3A_243 = arith.constant 0 : i32
      %dma_wait3A_244 = arith.constant 0 : i32
      %dma_wait3A_245 = tpu.memref_slice %arg9[%dma_wait3A_242, %dma_wait3A_243, %dma_wait3A_244] : memref<2x320x128xf32, #tpu.memory_space<vmem>> -> memref<1x320x128xf32, #tpu.memory_space<vmem>>
      %dma_wait3A_246 = tpu.memref_squeeze %dma_wait3A_245 : memref<1x320x128xf32, #tpu.memory_space<vmem>> -> memref<320x128xf32, #tpu.memory_space<vmem>>
      %dma_wait3A_247 = arith.constant 128 : i32
      %dma_wait3A_248 = arith.constant 0 : i32
      %dma_wait3A_249 = tpu.memref_slice %dma_wait3A_246[%dma_wait3A_247, %dma_wait3A_248] : memref<320x128xf32, #tpu.memory_space<vmem>> -> memref<64x128xf32, #tpu.memory_space<vmem>>
      %dma_wait3A_250 = arith.constant 0 : i32
      %dma_wait3A_251 = tpu.memref_slice %arg7[%add3A_72, %dma_wait3A_250] : memref<90x64xi32, #tpu.memory_space<vmem>> -> memref<1x64xi32, #tpu.memory_space<vmem>>
      %dma_wait3A_252 = tpu.memref_squeeze %dma_wait3A_251 : memref<1x64xi32, #tpu.memory_space<vmem>> -> memref<64xi32, #tpu.memory_space<vmem>>
      %dma_wait3A_253 = arith.constant 0 : i32
      %dma_wait3A_254 = arith.constant 0 : i32
      %dma_wait3A_255 = tpu.memref_slice %arg2[%dma_wait3A_253, %dma_wait3A_254] : memref<100000x128xf32, #tpu.memory_space<hbm>> -> memref<100000x128xf32, #tpu.memory_space<hbm>>
      tpu.wait_indirect_dma semaphore(%arg10 : memref<!tpu.dma_semaphore, #tpu.memory_space<semaphore_mem>>) src(%dma_wait3A_255 : memref<100000x128xf32, #tpu.memory_space<hbm>>) dst(%dma_wait3A_249 : memref<64x128xf32, #tpu.memory_space<vmem>>)
      %dma_wait3A_256 = arith.constant 0 : i32
      %dma_wait3A_257 = arith.constant 0 : i32
      %dma_wait3A_258 = arith.constant 0 : i32
      %dma_wait3A_259 = tpu.memref_slice %arg9[%dma_wait3A_256, %dma_wait3A_257, %dma_wait3A_258] : memref<2x320x128xf32, #tpu.memory_space<vmem>> -> memref<1x320x128xf32, #tpu.memory_space<vmem>>
      %dma_wait3A_260 = tpu.memref_squeeze %dma_wait3A_259 : memref<1x320x128xf32, #tpu.memory_space<vmem>> -> memref<320x128xf32, #tpu.memory_space<vmem>>
      %dma_wait3A_261 = arith.constant 192 : i32
      %dma_wait3A_262 = arith.constant 0 : i32
      %dma_wait3A_263 = tpu.memref_slice %dma_wait3A_260[%dma_wait3A_261, %dma_wait3A_262] : memref<320x128xf32, #tpu.memory_space<vmem>> -> memref<64x128xf32, #tpu.memory_space<vmem>>
      %dma_wait3A_264 = arith.constant 0 : i32
      %dma_wait3A_265 = tpu.memref_slice %arg7[%add3A_90, %dma_wait3A_264] : memref<90x64xi32, #tpu.memory_space<vmem>> -> memref<1x64xi32, #tpu.memory_space<vmem>>
      %dma_wait3A_266 = tpu.memref_squeeze %dma_wait3A_265 : memref<1x64xi32, #tpu.memory_space<vmem>> -> memref<64xi32, #tpu.memory_space<vmem>>
      %dma_wait3A_267 = arith.constant 0 : i32
      %dma_wait3A_268 = arith.constant 0 : i32
      %dma_wait3A_269 = tpu.memref_slice %arg2[%dma_wait3A_267, %dma_wait3A_268] : memref<100000x128xf32, #tpu.memory_space<hbm>> -> memref<100000x128xf32, #tpu.memory_space<hbm>>
      tpu.wait_indirect_dma semaphore(%arg10 : memref<!tpu.dma_semaphore, #tpu.memory_space<semaphore_mem>>) src(%dma_wait3A_269 : memref<100000x128xf32, #tpu.memory_space<hbm>>) dst(%dma_wait3A_263 : memref<64x128xf32, #tpu.memory_space<vmem>>)
      %dma_wait3A_270 = arith.constant 0 : i32
      %dma_wait3A_271 = arith.constant 0 : i32
      %dma_wait3A_272 = arith.constant 0 : i32
      %dma_wait3A_273 = tpu.memref_slice %arg9[%dma_wait3A_270, %dma_wait3A_271, %dma_wait3A_272] : memref<2x320x128xf32, #tpu.memory_space<vmem>> -> memref<1x320x128xf32, #tpu.memory_space<vmem>>
      %dma_wait3A_274 = tpu.memref_squeeze %dma_wait3A_273 : memref<1x320x128xf32, #tpu.memory_space<vmem>> -> memref<320x128xf32, #tpu.memory_space<vmem>>
      %dma_wait3A_275 = arith.constant 256 : i32
      %dma_wait3A_276 = arith.constant 0 : i32
      %dma_wait3A_277 = tpu.memref_slice %dma_wait3A_274[%dma_wait3A_275, %dma_wait3A_276] : memref<320x128xf32, #tpu.memory_space<vmem>> -> memref<64x128xf32, #tpu.memory_space<vmem>>
      %dma_wait3A_278 = arith.constant 0 : i32
      %dma_wait3A_279 = tpu.memref_slice %arg7[%add3A_108, %dma_wait3A_278] : memref<90x64xi32, #tpu.memory_space<vmem>> -> memref<1x64xi32, #tpu.memory_space<vmem>>
      %dma_wait3A_280 = tpu.memref_squeeze %dma_wait3A_279 : memref<1x64xi32, #tpu.memory_space<vmem>> -> memref<64xi32, #tpu.memory_space<vmem>>
      %dma_wait3A_281 = arith.constant 0 : i32
      %dma_wait3A_282 = arith.constant 0 : i32
      %dma_wait3A_283 = tpu.memref_slice %arg2[%dma_wait3A_281, %dma_wait3A_282] : memref<100000x128xf32, #tpu.memory_space<hbm>> -> memref<100000x128xf32, #tpu.memory_space<hbm>>
      tpu.wait_indirect_dma semaphore(%arg10 : memref<!tpu.dma_semaphore, #tpu.memory_space<semaphore_mem>>) src(%dma_wait3A_283 : memref<100000x128xf32, #tpu.memory_space<hbm>>) dst(%dma_wait3A_277 : memref<64x128xf32, #tpu.memory_space<vmem>>)
      %mul3A_284 = arith.constant 320 : i32
      %mul3A_285 = arith.muli %mul3A_33, %mul3A_284 : i32
      %add3A_286 = arith.addi %mul3A_11, %mul3A_285 : i32
      %run_scoped3A = arith.constant 0 : i32
      "tpu.region"() ({
        %run_scoped3A_363 = tpu.sem_alloc : memref<!tpu.dma_semaphore, #tpu.memory_space<semaphore_mem>>
        %dma_start3A_364 = arith.constant 0 : i32
        %dma_start3A_365 = arith.constant 0 : i32
        %dma_start3A_366 = tpu.memref_slice %arg9[%run_scoped3A, %dma_start3A_364, %dma_start3A_365] : memref<2x320x128xf32, #tpu.memory_space<vmem>> -> memref<1x320x128xf32, #tpu.memory_space<vmem>>
        %dma_start3A_367 = tpu.memref_squeeze %dma_start3A_366 : memref<1x320x128xf32, #tpu.memory_space<vmem>> -> memref<320x128xf32, #tpu.memory_space<vmem>>
        %dma_start3A_368 = arith.constant 0 : i32
        %dma_start3A_369 = tpu.memref_slice %arg5[%add3A_286, %dma_start3A_368] : memref<102400x128xf32, #tpu.memory_space<hbm>> -> memref<320x128xf32, #tpu.memory_space<hbm>>
        %dma_start3A_370 = arith.constant 0 : i32
        %dma_start3A_371 = tpu.memref_slice %arg5[%add3A_286, %dma_start3A_370] : memref<102400x128xf32, #tpu.memory_space<hbm>> -> memref<320x128xf32, #tpu.memory_space<hbm>>
        %dma_start3A_372 = arith.constant 0 : i32
        %dma_start3A_373 = arith.constant 0 : i32
        %dma_start3A_374 = tpu.memref_slice %arg9[%run_scoped3A, %dma_start3A_372, %dma_start3A_373] : memref<2x320x128xf32, #tpu.memory_space<vmem>> -> memref<1x320x128xf32, #tpu.memory_space<vmem>>
        %dma_start3A_375 = tpu.memref_squeeze %dma_start3A_374 : memref<1x320x128xf32, #tpu.memory_space<vmem>> -> memref<320x128xf32, #tpu.memory_space<vmem>>
        tpu.enqueue_dma source(%dma_start3A_375 : memref<320x128xf32, #tpu.memory_space<vmem>>) target(%dma_start3A_371 : memref<320x128xf32, #tpu.memory_space<hbm>>) target_semaphore(%run_scoped3A_363 : memref<!tpu.dma_semaphore, #tpu.memory_space<semaphore_mem>>)
        %dma_wait3A_376 = arith.constant 0 : i32
        %dma_wait3A_377 = arith.constant 0 : i32
        %dma_wait3A_378 = tpu.memref_slice %arg9[%run_scoped3A, %dma_wait3A_376, %dma_wait3A_377] : memref<2x320x128xf32, #tpu.memory_space<vmem>> -> memref<1x320x128xf32, #tpu.memory_space<vmem>>
        %dma_wait3A_379 = tpu.memref_squeeze %dma_wait3A_378 : memref<1x320x128xf32, #tpu.memory_space<vmem>> -> memref<320x128xf32, #tpu.memory_space<vmem>>
        %dma_wait3A_380 = arith.constant 0 : i32
        %dma_wait3A_381 = tpu.memref_slice %arg5[%add3A_286, %dma_wait3A_380] : memref<102400x128xf32, #tpu.memory_space<hbm>> -> memref<320x128xf32, #tpu.memory_space<hbm>>
        %dma_wait3A_382 = arith.constant 0 : i32
        %dma_wait3A_383 = tpu.memref_slice %arg5[%add3A_286, %dma_wait3A_382] : memref<102400x128xf32, #tpu.memory_space<hbm>> -> memref<320x128xf32, #tpu.memory_space<hbm>>
        %dma_wait3A_384 = arith.constant 0 : i32
        %dma_wait3A_385 = arith.constant 0 : i32
        %dma_wait3A_386 = tpu.memref_slice %arg9[%run_scoped3A, %dma_wait3A_384, %dma_wait3A_385] : memref<2x320x128xf32, #tpu.memory_space<vmem>> -> memref<1x320x128xf32, #tpu.memory_space<vmem>>
        %dma_wait3A_387 = tpu.memref_squeeze %dma_wait3A_386 : memref<1x320x128xf32, #tpu.memory_space<vmem>> -> memref<320x128xf32, #tpu.memory_space<vmem>>
        tpu.wait_dma2 semaphore(%run_scoped3A_363 : memref<!tpu.dma_semaphore, #tpu.memory_space<semaphore_mem>>) src(%dma_wait3A_387 : memref<320x128xf32, #tpu.memory_space<vmem>>) dst(%dma_wait3A_383 : memref<320x128xf32, #tpu.memory_space<hbm>>)
        tpu.yield
      }) : () -> ()
      %dma_wait3A_287 = arith.constant 1 : i32
      %dma_wait3A_288 = arith.constant 0 : i32
      %dma_wait3A_289 = arith.constant 0 : i32
      %dma_wait3A_290 = tpu.memref_slice %arg9[%dma_wait3A_287, %dma_wait3A_288, %dma_wait3A_289] : memref<2x320x128xf32, #tpu.memory_space<vmem>> -> memref<1x320x128xf32, #tpu.memory_space<vmem>>
      %dma_wait3A_291 = tpu.memref_squeeze %dma_wait3A_290 : memref<1x320x128xf32, #tpu.memory_space<vmem>> -> memref<320x128xf32, #tpu.memory_space<vmem>>
      %dma_wait3A_292 = arith.constant 0 : i32
      %dma_wait3A_293 = arith.constant 0 : i32
      %dma_wait3A_294 = tpu.memref_slice %dma_wait3A_291[%dma_wait3A_292, %dma_wait3A_293] : memref<320x128xf32, #tpu.memory_space<vmem>> -> memref<64x128xf32, #tpu.memory_space<vmem>>
      %dma_wait3A_295 = arith.constant 0 : i32
      %dma_wait3A_296 = tpu.memref_slice %arg7[%add3A_128, %dma_wait3A_295] : memref<90x64xi32, #tpu.memory_space<vmem>> -> memref<1x64xi32, #tpu.memory_space<vmem>>
      %dma_wait3A_297 = tpu.memref_squeeze %dma_wait3A_296 : memref<1x64xi32, #tpu.memory_space<vmem>> -> memref<64xi32, #tpu.memory_space<vmem>>
      %dma_wait3A_298 = arith.constant 0 : i32
      %dma_wait3A_299 = arith.constant 0 : i32
      %dma_wait3A_300 = tpu.memref_slice %arg2[%dma_wait3A_298, %dma_wait3A_299] : memref<100000x128xf32, #tpu.memory_space<hbm>> -> memref<100000x128xf32, #tpu.memory_space<hbm>>
      tpu.wait_indirect_dma semaphore(%arg11 : memref<!tpu.dma_semaphore, #tpu.memory_space<semaphore_mem>>) src(%dma_wait3A_300 : memref<100000x128xf32, #tpu.memory_space<hbm>>) dst(%dma_wait3A_294 : memref<64x128xf32, #tpu.memory_space<vmem>>)
      %dma_wait3A_301 = arith.constant 1 : i32
      %dma_wait3A_302 = arith.constant 0 : i32
      %dma_wait3A_303 = arith.constant 0 : i32
      %dma_wait3A_304 = tpu.memref_slice %arg9[%dma_wait3A_301, %dma_wait3A_302, %dma_wait3A_303] : memref<2x320x128xf32, #tpu.memory_space<vmem>> -> memref<1x320x128xf32, #tpu.memory_space<vmem>>
      %dma_wait3A_305 = tpu.memref_squeeze %dma_wait3A_304 : memref<1x320x128xf32, #tpu.memory_space<vmem>> -> memref<320x128xf32, #tpu.memory_space<vmem>>
      %dma_wait3A_306 = arith.constant 64 : i32
      %dma_wait3A_307 = arith.constant 0 : i32
      %dma_wait3A_308 = tpu.memref_slice %dma_wait3A_305[%dma_wait3A_306, %dma_wait3A_307] : memref<320x128xf32, #tpu.memory_space<vmem>> -> memref<64x128xf32, #tpu.memory_space<vmem>>
      %dma_wait3A_309 = arith.constant 0 : i32
      %dma_wait3A_310 = tpu.memref_slice %arg7[%add3A_146, %dma_wait3A_309] : memref<90x64xi32, #tpu.memory_space<vmem>> -> memref<1x64xi32, #tpu.memory_space<vmem>>
      %dma_wait3A_311 = tpu.memref_squeeze %dma_wait3A_310 : memref<1x64xi32, #tpu.memory_space<vmem>> -> memref<64xi32, #tpu.memory_space<vmem>>
      %dma_wait3A_312 = arith.constant 0 : i32
      %dma_wait3A_313 = arith.constant 0 : i32
      %dma_wait3A_314 = tpu.memref_slice %arg2[%dma_wait3A_312, %dma_wait3A_313] : memref<100000x128xf32, #tpu.memory_space<hbm>> -> memref<100000x128xf32, #tpu.memory_space<hbm>>
      tpu.wait_indirect_dma semaphore(%arg11 : memref<!tpu.dma_semaphore, #tpu.memory_space<semaphore_mem>>) src(%dma_wait3A_314 : memref<100000x128xf32, #tpu.memory_space<hbm>>) dst(%dma_wait3A_308 : memref<64x128xf32, #tpu.memory_space<vmem>>)
      %dma_wait3A_315 = arith.constant 1 : i32
      %dma_wait3A_316 = arith.constant 0 : i32
      %dma_wait3A_317 = arith.constant 0 : i32
      %dma_wait3A_318 = tpu.memref_slice %arg9[%dma_wait3A_315, %dma_wait3A_316, %dma_wait3A_317] : memref<2x320x128xf32, #tpu.memory_space<vmem>> -> memref<1x320x128xf32, #tpu.memory_space<vmem>>
      %dma_wait3A_319 = tpu.memref_squeeze %dma_wait3A_318 : memref<1x320x128xf32, #tpu.memory_space<vmem>> -> memref<320x128xf32, #tpu.memory_space<vmem>>
      %dma_wait3A_320 = arith.constant 128 : i32
      %dma_wait3A_321 = arith.constant 0 : i32
      %dma_wait3A_322 = tpu.memref_slice %dma_wait3A_319[%dma_wait3A_320, %dma_wait3A_321] : memref<320x128xf32, #tpu.memory_space<vmem>> -> memref<64x128xf32, #tpu.memory_space<vmem>>
      %dma_wait3A_323 = arith.constant 0 : i32
      %dma_wait3A_324 = tpu.memref_slice %arg7[%add3A_164, %dma_wait3A_323] : memref<90x64xi32, #tpu.memory_space<vmem>> -> memref<1x64xi32, #tpu.memory_space<vmem>>
      %dma_wait3A_325 = tpu.memref_squeeze %dma_wait3A_324 : memref<1x64xi32, #tpu.memory_space<vmem>> -> memref<64xi32, #tpu.memory_space<vmem>>
      %dma_wait3A_326 = arith.constant 0 : i32
      %dma_wait3A_327 = arith.constant 0 : i32
      %dma_wait3A_328 = tpu.memref_slice %arg2[%dma_wait3A_326, %dma_wait3A_327] : memref<100000x128xf32, #tpu.memory_space<hbm>> -> memref<100000x128xf32, #tpu.memory_space<hbm>>
      tpu.wait_indirect_dma semaphore(%arg11 : memref<!tpu.dma_semaphore, #tpu.memory_space<semaphore_mem>>) src(%dma_wait3A_328 : memref<100000x128xf32, #tpu.memory_space<hbm>>) dst(%dma_wait3A_322 : memref<64x128xf32, #tpu.memory_space<vmem>>)
      %dma_wait3A_329 = arith.constant 1 : i32
      %dma_wait3A_330 = arith.constant 0 : i32
      %dma_wait3A_331 = arith.constant 0 : i32
      %dma_wait3A_332 = tpu.memref_slice %arg9[%dma_wait3A_329, %dma_wait3A_330, %dma_wait3A_331] : memref<2x320x128xf32, #tpu.memory_space<vmem>> -> memref<1x320x128xf32, #tpu.memory_space<vmem>>
      %dma_wait3A_333 = tpu.memref_squeeze %dma_wait3A_332 : memref<1x320x128xf32, #tpu.memory_space<vmem>> -> memref<320x128xf32, #tpu.memory_space<vmem>>
      %dma_wait3A_334 = arith.constant 192 : i32
      %dma_wait3A_335 = arith.constant 0 : i32
      %dma_wait3A_336 = tpu.memref_slice %dma_wait3A_333[%dma_wait3A_334, %dma_wait3A_335] : memref<320x128xf32, #tpu.memory_space<vmem>> -> memref<64x128xf32, #tpu.memory_space<vmem>>
      %dma_wait3A_337 = arith.constant 0 : i32
      %dma_wait3A_338 = tpu.memref_slice %arg7[%add3A_182, %dma_wait3A_337] : memref<90x64xi32, #tpu.memory_space<vmem>> -> memref<1x64xi32, #tpu.memory_space<vmem>>
      %dma_wait3A_339 = tpu.memref_squeeze %dma_wait3A_338 : memref<1x64xi32, #tpu.memory_space<vmem>> -> memref<64xi32, #tpu.memory_space<vmem>>
      %dma_wait3A_340 = arith.constant 0 : i32
      %dma_wait3A_341 = arith.constant 0 : i32
      %dma_wait3A_342 = tpu.memref_slice %arg2[%dma_wait3A_340, %dma_wait3A_341] : memref<100000x128xf32, #tpu.memory_space<hbm>> -> memref<100000x128xf32, #tpu.memory_space<hbm>>
      tpu.wait_indirect_dma semaphore(%arg11 : memref<!tpu.dma_semaphore, #tpu.memory_space<semaphore_mem>>) src(%dma_wait3A_342 : memref<100000x128xf32, #tpu.memory_space<hbm>>) dst(%dma_wait3A_336 : memref<64x128xf32, #tpu.memory_space<vmem>>)
      %dma_wait3A_343 = arith.constant 1 : i32
      %dma_wait3A_344 = arith.constant 0 : i32
      %dma_wait3A_345 = arith.constant 0 : i32
      %dma_wait3A_346 = tpu.memref_slice %arg9[%dma_wait3A_343, %dma_wait3A_344, %dma_wait3A_345] : memref<2x320x128xf32, #tpu.memory_space<vmem>> -> memref<1x320x128xf32, #tpu.memory_space<vmem>>
      %dma_wait3A_347 = tpu.memref_squeeze %dma_wait3A_346 : memref<1x320x128xf32, #tpu.memory_space<vmem>> -> memref<320x128xf32, #tpu.memory_space<vmem>>
      %dma_wait3A_348 = arith.constant 256 : i32
      %dma_wait3A_349 = arith.constant 0 : i32
      %dma_wait3A_350 = tpu.memref_slice %dma_wait3A_347[%dma_wait3A_348, %dma_wait3A_349] : memref<320x128xf32, #tpu.memory_space<vmem>> -> memref<64x128xf32, #tpu.memory_space<vmem>>
      %dma_wait3A_351 = arith.constant 0 : i32
      %dma_wait3A_352 = tpu.memref_slice %arg7[%add3A_200, %dma_wait3A_351] : memref<90x64xi32, #tpu.memory_space<vmem>> -> memref<1x64xi32, #tpu.memory_space<vmem>>
      %dma_wait3A_353 = tpu.memref_squeeze %dma_wait3A_352 : memref<1x64xi32, #tpu.memory_space<vmem>> -> memref<64xi32, #tpu.memory_space<vmem>>
      %dma_wait3A_354 = arith.constant 0 : i32
      %dma_wait3A_355 = arith.constant 0 : i32
      %dma_wait3A_356 = tpu.memref_slice %arg2[%dma_wait3A_354, %dma_wait3A_355] : memref<100000x128xf32, #tpu.memory_space<hbm>> -> memref<100000x128xf32, #tpu.memory_space<hbm>>
      tpu.wait_indirect_dma semaphore(%arg11 : memref<!tpu.dma_semaphore, #tpu.memory_space<semaphore_mem>>) src(%dma_wait3A_356 : memref<100000x128xf32, #tpu.memory_space<hbm>>) dst(%dma_wait3A_350 : memref<64x128xf32, #tpu.memory_space<vmem>>)
      %add3A_357 = arith.constant 1 : i32
      %add3A_358 = arith.addi %mul3A_33, %add3A_357 : i32
      %mul3A_359 = arith.constant 320 : i32
      %mul3A_360 = arith.muli %add3A_358, %mul3A_359 : i32
      %add3A_361 = arith.addi %mul3A_11, %mul3A_360 : i32
      %run_scoped3A_362 = arith.constant 1 : i32
      "tpu.region"() ({
        %run_scoped3A_363 = tpu.sem_alloc : memref<!tpu.dma_semaphore, #tpu.memory_space<semaphore_mem>>
        %dma_start3A_364 = arith.constant 0 : i32
        %dma_start3A_365 = arith.constant 0 : i32
        %dma_start3A_366 = tpu.memref_slice %arg9[%run_scoped3A_362, %dma_start3A_364, %dma_start3A_365] : memref<2x320x128xf32, #tpu.memory_space<vmem>> -> memref<1x320x128xf32, #tpu.memory_space<vmem>>
        %dma_start3A_367 = tpu.memref_squeeze %dma_start3A_366 : memref<1x320x128xf32, #tpu.memory_space<vmem>> -> memref<320x128xf32, #tpu.memory_space<vmem>>
        %dma_start3A_368 = arith.constant 0 : i32
        %dma_start3A_369 = tpu.memref_slice %arg5[%add3A_361, %dma_start3A_368] : memref<102400x128xf32, #tpu.memory_space<hbm>> -> memref<320x128xf32, #tpu.memory_space<hbm>>
        %dma_start3A_370 = arith.constant 0 : i32
        %dma_start3A_371 = tpu.memref_slice %arg5[%add3A_361, %dma_start3A_370] : memref<102400x128xf32, #tpu.memory_space<hbm>> -> memref<320x128xf32, #tpu.memory_space<hbm>>
        %dma_start3A_372 = arith.constant 0 : i32
        %dma_start3A_373 = arith.constant 0 : i32
        %dma_start3A_374 = tpu.memref_slice %arg9[%run_scoped3A_362, %dma_start3A_372, %dma_start3A_373] : memref<2x320x128xf32, #tpu.memory_space<vmem>> -> memref<1x320x128xf32, #tpu.memory_space<vmem>>
        %dma_start3A_375 = tpu.memref_squeeze %dma_start3A_374 : memref<1x320x128xf32, #tpu.memory_space<vmem>> -> memref<320x128xf32, #tpu.memory_space<vmem>>
        tpu.enqueue_dma source(%dma_start3A_375 : memref<320x128xf32, #tpu.memory_space<vmem>>) target(%dma_start3A_371 : memref<320x128xf32, #tpu.memory_space<hbm>>) target_semaphore(%run_scoped3A_363 : memref<!tpu.dma_semaphore, #tpu.memory_space<semaphore_mem>>)
        %dma_wait3A_376 = arith.constant 0 : i32
        %dma_wait3A_377 = arith.constant 0 : i32
        %dma_wait3A_378 = tpu.memref_slice %arg9[%run_scoped3A_362, %dma_wait3A_376, %dma_wait3A_377] : memref<2x320x128xf32, #tpu.memory_space<vmem>> -> memref<1x320x128xf32, #tpu.memory_space<vmem>>
        %dma_wait3A_379 = tpu.memref_squeeze %dma_wait3A_378 : memref<1x320x128xf32, #tpu.memory_space<vmem>> -> memref<320x128xf32, #tpu.memory_space<vmem>>
        %dma_wait3A_380 = arith.constant 0 : i32
        %dma_wait3A_381 = tpu.memref_slice %arg5[%add3A_361, %dma_wait3A_380] : memref<102400x128xf32, #tpu.memory_space<hbm>> -> memref<320x128xf32, #tpu.memory_space<hbm>>
        %dma_wait3A_382 = arith.constant 0 : i32
        %dma_wait3A_383 = tpu.memref_slice %arg5[%add3A_361, %dma_wait3A_382] : memref<102400x128xf32, #tpu.memory_space<hbm>> -> memref<320x128xf32, #tpu.memory_space<hbm>>
        %dma_wait3A_384 = arith.constant 0 : i32
        %dma_wait3A_385 = arith.constant 0 : i32
        %dma_wait3A_386 = tpu.memref_slice %arg9[%run_scoped3A_362, %dma_wait3A_384, %dma_wait3A_385] : memref<2x320x128xf32, #tpu.memory_space<vmem>> -> memref<1x320x128xf32, #tpu.memory_space<vmem>>
        %dma_wait3A_387 = tpu.memref_squeeze %dma_wait3A_386 : memref<1x320x128xf32, #tpu.memory_space<vmem>> -> memref<320x128xf32, #tpu.memory_space<vmem>>
        tpu.wait_dma2 semaphore(%run_scoped3A_363 : memref<!tpu.dma_semaphore, #tpu.memory_space<semaphore_mem>>) src(%dma_wait3A_387 : memref<320x128xf32, #tpu.memory_space<vmem>>) dst(%dma_wait3A_383 : memref<320x128xf32, #tpu.memory_space<hbm>>)
        tpu.yield
      }) : () -> ()
    }
    %while3A_21 = arith.constant 0 : i32
    %while3A_22 = arith.constant 0 : i32
    %while3A_23 = arith.subi %select_n3A_9, %while3A_22 : i32
    %while3A_24 = arith.addi %while3A_22, %while3A_23 : i32
    %while3A_25 = arith.constant 1 : i32
    %while3A_26 = arith.divsi %while3A_23, %while3A_25 : i32
    %while3A_27 = arith.muli %while3A_26, %while3A_25 : i32
    %while3A_28 = arith.addi %while3A_22, %while3A_27 : i32
    %while3A_29 = arith.constant 1 : i32
    scf.for %while3A_31 = %while3A_22 to %while3A_28 step %while3A_29  : i32 {
      %mul3A_32 = arith.constant 2 : i32
      %mul3A_33 = arith.muli %mul3A_32, %while3A_31 : i32
      %mul3A_34 = arith.constant 5 : i32
      %mul3A_35 = arith.muli %mul3A_33, %mul3A_34 : i32
      %add3A_36 = arith.constant 0 : i32
      %add3A_37 = arith.addi %mul3A_35, %add3A_36 : i32
      %dma_start3A = arith.constant 0 : i32
      %dma_start3A_38 = arith.constant 0 : i32
      %dma_start3A_39 = arith.constant 0 : i32
      %dma_start3A_40 = tpu.memref_slice %arg9[%dma_start3A, %dma_start3A_38, %dma_start3A_39] : memref<2x320x128xf32, #tpu.memory_space<vmem>> -> memref<1x320x128xf32, #tpu.memory_space<vmem>>
      %dma_start3A_41 = tpu.memref_squeeze %dma_start3A_40 : memref<1x320x128xf32, #tpu.memory_space<vmem>> -> memref<320x128xf32, #tpu.memory_space<vmem>>
      %dma_start3A_42 = arith.constant 0 : i32
      %dma_start3A_43 = arith.constant 0 : i32
      %dma_start3A_44 = tpu.memref_slice %dma_start3A_41[%dma_start3A_42, %dma_start3A_43] : memref<320x128xf32, #tpu.memory_space<vmem>> -> memref<64x128xf32, #tpu.memory_space<vmem>>
      %dma_start3A_45 = arith.constant 0 : i32
      %dma_start3A_46 = tpu.memref_slice %arg8[%add3A_37, %dma_start3A_45] : memref<90x64xi32, #tpu.memory_space<vmem>> -> memref<1x64xi32, #tpu.memory_space<vmem>>
      %dma_start3A_47 = tpu.memref_squeeze %dma_start3A_46 : memref<1x64xi32, #tpu.memory_space<vmem>> -> memref<64xi32, #tpu.memory_space<vmem>>
      %dma_start3A_48 = arith.constant 0 : i32
      %dma_start3A_49 = arith.constant 0 : i32
      %dma_start3A_50 = tpu.memref_slice %arg2[%dma_start3A_48, %dma_start3A_49] : memref<100000x128xf32, #tpu.memory_space<hbm>> -> memref<100000x128xf32, #tpu.memory_space<hbm>>
      tpu.enqueue_indirect_dma source(%dma_start3A_50 : memref<100000x128xf32, #tpu.memory_space<hbm>>) target(%dma_start3A_44 : memref<64x128xf32, #tpu.memory_space<vmem>>) offsets(%dma_start3A_47 : memref<64xi32, #tpu.memory_space<vmem>>) semaphore(%arg10 : memref<!tpu.dma_semaphore, #tpu.memory_space<semaphore_mem>>)
      %mul3A_51 = arith.constant 5 : i32
      %mul3A_52 = arith.muli %mul3A_33, %mul3A_51 : i32
      %add3A_53 = arith.constant 1 : i32
      %add3A_54 = arith.addi %mul3A_52, %add3A_53 : i32
      %dma_start3A_55 = arith.constant 0 : i32
      %dma_start3A_56 = arith.constant 0 : i32
      %dma_start3A_57 = arith.constant 0 : i32
      %dma_start3A_58 = tpu.memref_slice %arg9[%dma_start3A_55, %dma_start3A_56, %dma_start3A_57] : memref<2x320x128xf32, #tpu.memory_space<vmem>> -> memref<1x320x128xf32, #tpu.memory_space<vmem>>
      %dma_start3A_59 = tpu.memref_squeeze %dma_start3A_58 : memref<1x320x128xf32, #tpu.memory_space<vmem>> -> memref<320x128xf32, #tpu.memory_space<vmem>>
      %dma_start3A_60 = arith.constant 64 : i32
      %dma_start3A_61 = arith.constant 0 : i32
      %dma_start3A_62 = tpu.memref_slice %dma_start3A_59[%dma_start3A_60, %dma_start3A_61] : memref<320x128xf32, #tpu.memory_space<vmem>> -> memref<64x128xf32, #tpu.memory_space<vmem>>
      %dma_start3A_63 = arith.constant 0 : i32
      %dma_start3A_64 = tpu.memref_slice %arg8[%add3A_54, %dma_start3A_63] : memref<90x64xi32, #tpu.memory_space<vmem>> -> memref<1x64xi32, #tpu.memory_space<vmem>>
      %dma_start3A_65 = tpu.memref_squeeze %dma_start3A_64 : memref<1x64xi32, #tpu.memory_space<vmem>> -> memref<64xi32, #tpu.memory_space<vmem>>
      %dma_start3A_66 = arith.constant 0 : i32
      %dma_start3A_67 = arith.constant 0 : i32
      %dma_start3A_68 = tpu.memref_slice %arg2[%dma_start3A_66, %dma_start3A_67] : memref<100000x128xf32, #tpu.memory_space<hbm>> -> memref<100000x128xf32, #tpu.memory_space<hbm>>
      tpu.enqueue_indirect_dma source(%dma_start3A_68 : memref<100000x128xf32, #tpu.memory_space<hbm>>) target(%dma_start3A_62 : memref<64x128xf32, #tpu.memory_space<vmem>>) offsets(%dma_start3A_65 : memref<64xi32, #tpu.memory_space<vmem>>) semaphore(%arg10 : memref<!tpu.dma_semaphore, #tpu.memory_space<semaphore_mem>>)
      %mul3A_69 = arith.constant 5 : i32
      %mul3A_70 = arith.muli %mul3A_33, %mul3A_69 : i32
      %add3A_71 = arith.constant 2 : i32
      %add3A_72 = arith.addi %mul3A_70, %add3A_71 : i32
      %dma_start3A_73 = arith.constant 0 : i32
      %dma_start3A_74 = arith.constant 0 : i32
      %dma_start3A_75 = arith.constant 0 : i32
      %dma_start3A_76 = tpu.memref_slice %arg9[%dma_start3A_73, %dma_start3A_74, %dma_start3A_75] : memref<2x320x128xf32, #tpu.memory_space<vmem>> -> memref<1x320x128xf32, #tpu.memory_space<vmem>>
      %dma_start3A_77 = tpu.memref_squeeze %dma_start3A_76 : memref<1x320x128xf32, #tpu.memory_space<vmem>> -> memref<320x128xf32, #tpu.memory_space<vmem>>
      %dma_start3A_78 = arith.constant 128 : i32
      %dma_start3A_79 = arith.constant 0 : i32
      %dma_start3A_80 = tpu.memref_slice %dma_start3A_77[%dma_start3A_78, %dma_start3A_79] : memref<320x128xf32, #tpu.memory_space<vmem>> -> memref<64x128xf32, #tpu.memory_space<vmem>>
      %dma_start3A_81 = arith.constant 0 : i32
      %dma_start3A_82 = tpu.memref_slice %arg8[%add3A_72, %dma_start3A_81] : memref<90x64xi32, #tpu.memory_space<vmem>> -> memref<1x64xi32, #tpu.memory_space<vmem>>
      %dma_start3A_83 = tpu.memref_squeeze %dma_start3A_82 : memref<1x64xi32, #tpu.memory_space<vmem>> -> memref<64xi32, #tpu.memory_space<vmem>>
      %dma_start3A_84 = arith.constant 0 : i32
      %dma_start3A_85 = arith.constant 0 : i32
      %dma_start3A_86 = tpu.memref_slice %arg2[%dma_start3A_84, %dma_start3A_85] : memref<100000x128xf32, #tpu.memory_space<hbm>> -> memref<100000x128xf32, #tpu.memory_space<hbm>>
      tpu.enqueue_indirect_dma source(%dma_start3A_86 : memref<100000x128xf32, #tpu.memory_space<hbm>>) target(%dma_start3A_80 : memref<64x128xf32, #tpu.memory_space<vmem>>) offsets(%dma_start3A_83 : memref<64xi32, #tpu.memory_space<vmem>>) semaphore(%arg10 : memref<!tpu.dma_semaphore, #tpu.memory_space<semaphore_mem>>)
      %mul3A_87 = arith.constant 5 : i32
      %mul3A_88 = arith.muli %mul3A_33, %mul3A_87 : i32
      %add3A_89 = arith.constant 3 : i32
      %add3A_90 = arith.addi %mul3A_88, %add3A_89 : i32
      %dma_start3A_91 = arith.constant 0 : i32
      %dma_start3A_92 = arith.constant 0 : i32
      %dma_start3A_93 = arith.constant 0 : i32
      %dma_start3A_94 = tpu.memref_slice %arg9[%dma_start3A_91, %dma_start3A_92, %dma_start3A_93] : memref<2x320x128xf32, #tpu.memory_space<vmem>> -> memref<1x320x128xf32, #tpu.memory_space<vmem>>
      %dma_start3A_95 = tpu.memref_squeeze %dma_start3A_94 : memref<1x320x128xf32, #tpu.memory_space<vmem>> -> memref<320x128xf32, #tpu.memory_space<vmem>>
      %dma_start3A_96 = arith.constant 192 : i32
      %dma_start3A_97 = arith.constant 0 : i32
      %dma_start3A_98 = tpu.memref_slice %dma_start3A_95[%dma_start3A_96, %dma_start3A_97] : memref<320x128xf32, #tpu.memory_space<vmem>> -> memref<64x128xf32, #tpu.memory_space<vmem>>
      %dma_start3A_99 = arith.constant 0 : i32
      %dma_start3A_100 = tpu.memref_slice %arg8[%add3A_90, %dma_start3A_99] : memref<90x64xi32, #tpu.memory_space<vmem>> -> memref<1x64xi32, #tpu.memory_space<vmem>>
      %dma_start3A_101 = tpu.memref_squeeze %dma_start3A_100 : memref<1x64xi32, #tpu.memory_space<vmem>> -> memref<64xi32, #tpu.memory_space<vmem>>
      %dma_start3A_102 = arith.constant 0 : i32
      %dma_start3A_103 = arith.constant 0 : i32
      %dma_start3A_104 = tpu.memref_slice %arg2[%dma_start3A_102, %dma_start3A_103] : memref<100000x128xf32, #tpu.memory_space<hbm>> -> memref<100000x128xf32, #tpu.memory_space<hbm>>
      tpu.enqueue_indirect_dma source(%dma_start3A_104 : memref<100000x128xf32, #tpu.memory_space<hbm>>) target(%dma_start3A_98 : memref<64x128xf32, #tpu.memory_space<vmem>>) offsets(%dma_start3A_101 : memref<64xi32, #tpu.memory_space<vmem>>) semaphore(%arg10 : memref<!tpu.dma_semaphore, #tpu.memory_space<semaphore_mem>>)
      %mul3A_105 = arith.constant 5 : i32
      %mul3A_106 = arith.muli %mul3A_33, %mul3A_105 : i32
      %add3A_107 = arith.constant 4 : i32
      %add3A_108 = arith.addi %mul3A_106, %add3A_107 : i32
      %dma_start3A_109 = arith.constant 0 : i32
      %dma_start3A_110 = arith.constant 0 : i32
      %dma_start3A_111 = arith.constant 0 : i32
      %dma_start3A_112 = tpu.memref_slice %arg9[%dma_start3A_109, %dma_start3A_110, %dma_start3A_111] : memref<2x320x128xf32, #tpu.memory_space<vmem>> -> memref<1x320x128xf32, #tpu.memory_space<vmem>>
      %dma_start3A_113 = tpu.memref_squeeze %dma_start3A_112 : memref<1x320x128xf32, #tpu.memory_space<vmem>> -> memref<320x128xf32, #tpu.memory_space<vmem>>
      %dma_start3A_114 = arith.constant 256 : i32
      %dma_start3A_115 = arith.constant 0 : i32
      %dma_start3A_116 = tpu.memref_slice %dma_start3A_113[%dma_start3A_114, %dma_start3A_115] : memref<320x128xf32, #tpu.memory_space<vmem>> -> memref<64x128xf32, #tpu.memory_space<vmem>>
      %dma_start3A_117 = arith.constant 0 : i32
      %dma_start3A_118 = tpu.memref_slice %arg8[%add3A_108, %dma_start3A_117] : memref<90x64xi32, #tpu.memory_space<vmem>> -> memref<1x64xi32, #tpu.memory_space<vmem>>
      %dma_start3A_119 = tpu.memref_squeeze %dma_start3A_118 : memref<1x64xi32, #tpu.memory_space<vmem>> -> memref<64xi32, #tpu.memory_space<vmem>>
      %dma_start3A_120 = arith.constant 0 : i32
      %dma_start3A_121 = arith.constant 0 : i32
      %dma_start3A_122 = tpu.memref_slice %arg2[%dma_start3A_120, %dma_start3A_121] : memref<100000x128xf32, #tpu.memory_space<hbm>> -> memref<100000x128xf32, #tpu.memory_space<hbm>>
      tpu.enqueue_indirect_dma source(%dma_start3A_122 : memref<100000x128xf32, #tpu.memory_space<hbm>>) target(%dma_start3A_116 : memref<64x128xf32, #tpu.memory_space<vmem>>) offsets(%dma_start3A_119 : memref<64xi32, #tpu.memory_space<vmem>>) semaphore(%arg10 : memref<!tpu.dma_semaphore, #tpu.memory_space<semaphore_mem>>)
      %add3A_123 = arith.constant 1 : i32
      %add3A_124 = arith.addi %mul3A_33, %add3A_123 : i32
      %mul3A_125 = arith.constant 5 : i32
      %mul3A_126 = arith.muli %add3A_124, %mul3A_125 : i32
      %add3A_127 = arith.constant 0 : i32
      %add3A_128 = arith.addi %mul3A_126, %add3A_127 : i32
      %dma_start3A_129 = arith.constant 1 : i32
      %dma_start3A_130 = arith.constant 0 : i32
      %dma_start3A_131 = arith.constant 0 : i32
      %dma_start3A_132 = tpu.memref_slice %arg9[%dma_start3A_129, %dma_start3A_130, %dma_start3A_131] : memref<2x320x128xf32, #tpu.memory_space<vmem>> -> memref<1x320x128xf32, #tpu.memory_space<vmem>>
      %dma_start3A_133 = tpu.memref_squeeze %dma_start3A_132 : memref<1x320x128xf32, #tpu.memory_space<vmem>> -> memref<320x128xf32, #tpu.memory_space<vmem>>
      %dma_start3A_134 = arith.constant 0 : i32
      %dma_start3A_135 = arith.constant 0 : i32
      %dma_start3A_136 = tpu.memref_slice %dma_start3A_133[%dma_start3A_134, %dma_start3A_135] : memref<320x128xf32, #tpu.memory_space<vmem>> -> memref<64x128xf32, #tpu.memory_space<vmem>>
      %dma_start3A_137 = arith.constant 0 : i32
      %dma_start3A_138 = tpu.memref_slice %arg8[%add3A_128, %dma_start3A_137] : memref<90x64xi32, #tpu.memory_space<vmem>> -> memref<1x64xi32, #tpu.memory_space<vmem>>
      %dma_start3A_139 = tpu.memref_squeeze %dma_start3A_138 : memref<1x64xi32, #tpu.memory_space<vmem>> -> memref<64xi32, #tpu.memory_space<vmem>>
      %dma_start3A_140 = arith.constant 0 : i32
      %dma_start3A_141 = arith.constant 0 : i32
      %dma_start3A_142 = tpu.memref_slice %arg2[%dma_start3A_140, %dma_start3A_141] : memref<100000x128xf32, #tpu.memory_space<hbm>> -> memref<100000x128xf32, #tpu.memory_space<hbm>>
      tpu.enqueue_indirect_dma source(%dma_start3A_142 : memref<100000x128xf32, #tpu.memory_space<hbm>>) target(%dma_start3A_136 : memref<64x128xf32, #tpu.memory_space<vmem>>) offsets(%dma_start3A_139 : memref<64xi32, #tpu.memory_space<vmem>>) semaphore(%arg11 : memref<!tpu.dma_semaphore, #tpu.memory_space<semaphore_mem>>)
      %mul3A_143 = arith.constant 5 : i32
      %mul3A_144 = arith.muli %add3A_124, %mul3A_143 : i32
      %add3A_145 = arith.constant 1 : i32
      %add3A_146 = arith.addi %mul3A_144, %add3A_145 : i32
      %dma_start3A_147 = arith.constant 1 : i32
      %dma_start3A_148 = arith.constant 0 : i32
      %dma_start3A_149 = arith.constant 0 : i32
      %dma_start3A_150 = tpu.memref_slice %arg9[%dma_start3A_147, %dma_start3A_148, %dma_start3A_149] : memref<2x320x128xf32, #tpu.memory_space<vmem>> -> memref<1x320x128xf32, #tpu.memory_space<vmem>>
      %dma_start3A_151 = tpu.memref_squeeze %dma_start3A_150 : memref<1x320x128xf32, #tpu.memory_space<vmem>> -> memref<320x128xf32, #tpu.memory_space<vmem>>
      %dma_start3A_152 = arith.constant 64 : i32
      %dma_start3A_153 = arith.constant 0 : i32
      %dma_start3A_154 = tpu.memref_slice %dma_start3A_151[%dma_start3A_152, %dma_start3A_153] : memref<320x128xf32, #tpu.memory_space<vmem>> -> memref<64x128xf32, #tpu.memory_space<vmem>>
      %dma_start3A_155 = arith.constant 0 : i32
      %dma_start3A_156 = tpu.memref_slice %arg8[%add3A_146, %dma_start3A_155] : memref<90x64xi32, #tpu.memory_space<vmem>> -> memref<1x64xi32, #tpu.memory_space<vmem>>
      %dma_start3A_157 = tpu.memref_squeeze %dma_start3A_156 : memref<1x64xi32, #tpu.memory_space<vmem>> -> memref<64xi32, #tpu.memory_space<vmem>>
      %dma_start3A_158 = arith.constant 0 : i32
      %dma_start3A_159 = arith.constant 0 : i32
      %dma_start3A_160 = tpu.memref_slice %arg2[%dma_start3A_158, %dma_start3A_159] : memref<100000x128xf32, #tpu.memory_space<hbm>> -> memref<100000x128xf32, #tpu.memory_space<hbm>>
      tpu.enqueue_indirect_dma source(%dma_start3A_160 : memref<100000x128xf32, #tpu.memory_space<hbm>>) target(%dma_start3A_154 : memref<64x128xf32, #tpu.memory_space<vmem>>) offsets(%dma_start3A_157 : memref<64xi32, #tpu.memory_space<vmem>>) semaphore(%arg11 : memref<!tpu.dma_semaphore, #tpu.memory_space<semaphore_mem>>)
      %mul3A_161 = arith.constant 5 : i32
      %mul3A_162 = arith.muli %add3A_124, %mul3A_161 : i32
      %add3A_163 = arith.constant 2 : i32
      %add3A_164 = arith.addi %mul3A_162, %add3A_163 : i32
      %dma_start3A_165 = arith.constant 1 : i32
      %dma_start3A_166 = arith.constant 0 : i32
      %dma_start3A_167 = arith.constant 0 : i32
      %dma_start3A_168 = tpu.memref_slice %arg9[%dma_start3A_165, %dma_start3A_166, %dma_start3A_167] : memref<2x320x128xf32, #tpu.memory_space<vmem>> -> memref<1x320x128xf32, #tpu.memory_space<vmem>>
      %dma_start3A_169 = tpu.memref_squeeze %dma_start3A_168 : memref<1x320x128xf32, #tpu.memory_space<vmem>> -> memref<320x128xf32, #tpu.memory_space<vmem>>
      %dma_start3A_170 = arith.constant 128 : i32
      %dma_start3A_171 = arith.constant 0 : i32
      %dma_start3A_172 = tpu.memref_slice %dma_start3A_169[%dma_start3A_170, %dma_start3A_171] : memref<320x128xf32, #tpu.memory_space<vmem>> -> memref<64x128xf32, #tpu.memory_space<vmem>>
      %dma_start3A_173 = arith.constant 0 : i32
      %dma_start3A_174 = tpu.memref_slice %arg8[%add3A_164, %dma_start3A_173] : memref<90x64xi32, #tpu.memory_space<vmem>> -> memref<1x64xi32, #tpu.memory_space<vmem>>
      %dma_start3A_175 = tpu.memref_squeeze %dma_start3A_174 : memref<1x64xi32, #tpu.memory_space<vmem>> -> memref<64xi32, #tpu.memory_space<vmem>>
      %dma_start3A_176 = arith.constant 0 : i32
      %dma_start3A_177 = arith.constant 0 : i32
      %dma_start3A_178 = tpu.memref_slice %arg2[%dma_start3A_176, %dma_start3A_177] : memref<100000x128xf32, #tpu.memory_space<hbm>> -> memref<100000x128xf32, #tpu.memory_space<hbm>>
      tpu.enqueue_indirect_dma source(%dma_start3A_178 : memref<100000x128xf32, #tpu.memory_space<hbm>>) target(%dma_start3A_172 : memref<64x128xf32, #tpu.memory_space<vmem>>) offsets(%dma_start3A_175 : memref<64xi32, #tpu.memory_space<vmem>>) semaphore(%arg11 : memref<!tpu.dma_semaphore, #tpu.memory_space<semaphore_mem>>)
      %mul3A_179 = arith.constant 5 : i32
      %mul3A_180 = arith.muli %add3A_124, %mul3A_179 : i32
      %add3A_181 = arith.constant 3 : i32
      %add3A_182 = arith.addi %mul3A_180, %add3A_181 : i32
      %dma_start3A_183 = arith.constant 1 : i32
      %dma_start3A_184 = arith.constant 0 : i32
      %dma_start3A_185 = arith.constant 0 : i32
      %dma_start3A_186 = tpu.memref_slice %arg9[%dma_start3A_183, %dma_start3A_184, %dma_start3A_185] : memref<2x320x128xf32, #tpu.memory_space<vmem>> -> memref<1x320x128xf32, #tpu.memory_space<vmem>>
      %dma_start3A_187 = tpu.memref_squeeze %dma_start3A_186 : memref<1x320x128xf32, #tpu.memory_space<vmem>> -> memref<320x128xf32, #tpu.memory_space<vmem>>
      %dma_start3A_188 = arith.constant 192 : i32
      %dma_start3A_189 = arith.constant 0 : i32
      %dma_start3A_190 = tpu.memref_slice %dma_start3A_187[%dma_start3A_188, %dma_start3A_189] : memref<320x128xf32, #tpu.memory_space<vmem>> -> memref<64x128xf32, #tpu.memory_space<vmem>>
      %dma_start3A_191 = arith.constant 0 : i32
      %dma_start3A_192 = tpu.memref_slice %arg8[%add3A_182, %dma_start3A_191] : memref<90x64xi32, #tpu.memory_space<vmem>> -> memref<1x64xi32, #tpu.memory_space<vmem>>
      %dma_start3A_193 = tpu.memref_squeeze %dma_start3A_192 : memref<1x64xi32, #tpu.memory_space<vmem>> -> memref<64xi32, #tpu.memory_space<vmem>>
      %dma_start3A_194 = arith.constant 0 : i32
      %dma_start3A_195 = arith.constant 0 : i32
      %dma_start3A_196 = tpu.memref_slice %arg2[%dma_start3A_194, %dma_start3A_195] : memref<100000x128xf32, #tpu.memory_space<hbm>> -> memref<100000x128xf32, #tpu.memory_space<hbm>>
      tpu.enqueue_indirect_dma source(%dma_start3A_196 : memref<100000x128xf32, #tpu.memory_space<hbm>>) target(%dma_start3A_190 : memref<64x128xf32, #tpu.memory_space<vmem>>) offsets(%dma_start3A_193 : memref<64xi32, #tpu.memory_space<vmem>>) semaphore(%arg11 : memref<!tpu.dma_semaphore, #tpu.memory_space<semaphore_mem>>)
      %mul3A_197 = arith.constant 5 : i32
      %mul3A_198 = arith.muli %add3A_124, %mul3A_197 : i32
      %add3A_199 = arith.constant 4 : i32
      %add3A_200 = arith.addi %mul3A_198, %add3A_199 : i32
      %dma_start3A_201 = arith.constant 1 : i32
      %dma_start3A_202 = arith.constant 0 : i32
      %dma_start3A_203 = arith.constant 0 : i32
      %dma_start3A_204 = tpu.memref_slice %arg9[%dma_start3A_201, %dma_start3A_202, %dma_start3A_203] : memref<2x320x128xf32, #tpu.memory_space<vmem>> -> memref<1x320x128xf32, #tpu.memory_space<vmem>>
      %dma_start3A_205 = tpu.memref_squeeze %dma_start3A_204 : memref<1x320x128xf32, #tpu.memory_space<vmem>> -> memref<320x128xf32, #tpu.memory_space<vmem>>
      %dma_start3A_206 = arith.constant 256 : i32
      %dma_start3A_207 = arith.constant 0 : i32
      %dma_start3A_208 = tpu.memref_slice %dma_start3A_205[%dma_start3A_206, %dma_start3A_207] : memref<320x128xf32, #tpu.memory_space<vmem>> -> memref<64x128xf32, #tpu.memory_space<vmem>>
      %dma_start3A_209 = arith.constant 0 : i32
      %dma_start3A_210 = tpu.memref_slice %arg8[%add3A_200, %dma_start3A_209] : memref<90x64xi32, #tpu.memory_space<vmem>> -> memref<1x64xi32, #tpu.memory_space<vmem>>
      %dma_start3A_211 = tpu.memref_squeeze %dma_start3A_210 : memref<1x64xi32, #tpu.memory_space<vmem>> -> memref<64xi32, #tpu.memory_space<vmem>>
      %dma_start3A_212 = arith.constant 0 : i32
      %dma_start3A_213 = arith.constant 0 : i32
      %dma_start3A_214 = tpu.memref_slice %arg2[%dma_start3A_212, %dma_start3A_213] : memref<100000x128xf32, #tpu.memory_space<hbm>> -> memref<100000x128xf32, #tpu.memory_space<hbm>>
      tpu.enqueue_indirect_dma source(%dma_start3A_214 : memref<100000x128xf32, #tpu.memory_space<hbm>>) target(%dma_start3A_208 : memref<64x128xf32, #tpu.memory_space<vmem>>) offsets(%dma_start3A_211 : memref<64xi32, #tpu.memory_space<vmem>>) semaphore(%arg11 : memref<!tpu.dma_semaphore, #tpu.memory_space<semaphore_mem>>)
      %dma_wait3A = arith.constant 0 : i32
      %dma_wait3A_215 = arith.constant 0 : i32
      %dma_wait3A_216 = arith.constant 0 : i32
      %dma_wait3A_217 = tpu.memref_slice %arg9[%dma_wait3A, %dma_wait3A_215, %dma_wait3A_216] : memref<2x320x128xf32, #tpu.memory_space<vmem>> -> memref<1x320x128xf32, #tpu.memory_space<vmem>>
      %dma_wait3A_218 = tpu.memref_squeeze %dma_wait3A_217 : memref<1x320x128xf32, #tpu.memory_space<vmem>> -> memref<320x128xf32, #tpu.memory_space<vmem>>
      %dma_wait3A_219 = arith.constant 0 : i32
      %dma_wait3A_220 = arith.constant 0 : i32
      %dma_wait3A_221 = tpu.memref_slice %dma_wait3A_218[%dma_wait3A_219, %dma_wait3A_220] : memref<320x128xf32, #tpu.memory_space<vmem>> -> memref<64x128xf32, #tpu.memory_space<vmem>>
      %dma_wait3A_222 = arith.constant 0 : i32
      %dma_wait3A_223 = tpu.memref_slice %arg8[%add3A_37, %dma_wait3A_222] : memref<90x64xi32, #tpu.memory_space<vmem>> -> memref<1x64xi32, #tpu.memory_space<vmem>>
      %dma_wait3A_224 = tpu.memref_squeeze %dma_wait3A_223 : memref<1x64xi32, #tpu.memory_space<vmem>> -> memref<64xi32, #tpu.memory_space<vmem>>
      %dma_wait3A_225 = arith.constant 0 : i32
      %dma_wait3A_226 = arith.constant 0 : i32
      %dma_wait3A_227 = tpu.memref_slice %arg2[%dma_wait3A_225, %dma_wait3A_226] : memref<100000x128xf32, #tpu.memory_space<hbm>> -> memref<100000x128xf32, #tpu.memory_space<hbm>>
      tpu.wait_indirect_dma semaphore(%arg10 : memref<!tpu.dma_semaphore, #tpu.memory_space<semaphore_mem>>) src(%dma_wait3A_227 : memref<100000x128xf32, #tpu.memory_space<hbm>>) dst(%dma_wait3A_221 : memref<64x128xf32, #tpu.memory_space<vmem>>)
      %dma_wait3A_228 = arith.constant 0 : i32
      %dma_wait3A_229 = arith.constant 0 : i32
      %dma_wait3A_230 = arith.constant 0 : i32
      %dma_wait3A_231 = tpu.memref_slice %arg9[%dma_wait3A_228, %dma_wait3A_229, %dma_wait3A_230] : memref<2x320x128xf32, #tpu.memory_space<vmem>> -> memref<1x320x128xf32, #tpu.memory_space<vmem>>
      %dma_wait3A_232 = tpu.memref_squeeze %dma_wait3A_231 : memref<1x320x128xf32, #tpu.memory_space<vmem>> -> memref<320x128xf32, #tpu.memory_space<vmem>>
      %dma_wait3A_233 = arith.constant 64 : i32
      %dma_wait3A_234 = arith.constant 0 : i32
      %dma_wait3A_235 = tpu.memref_slice %dma_wait3A_232[%dma_wait3A_233, %dma_wait3A_234] : memref<320x128xf32, #tpu.memory_space<vmem>> -> memref<64x128xf32, #tpu.memory_space<vmem>>
      %dma_wait3A_236 = arith.constant 0 : i32
      %dma_wait3A_237 = tpu.memref_slice %arg8[%add3A_54, %dma_wait3A_236] : memref<90x64xi32, #tpu.memory_space<vmem>> -> memref<1x64xi32, #tpu.memory_space<vmem>>
      %dma_wait3A_238 = tpu.memref_squeeze %dma_wait3A_237 : memref<1x64xi32, #tpu.memory_space<vmem>> -> memref<64xi32, #tpu.memory_space<vmem>>
      %dma_wait3A_239 = arith.constant 0 : i32
      %dma_wait3A_240 = arith.constant 0 : i32
      %dma_wait3A_241 = tpu.memref_slice %arg2[%dma_wait3A_239, %dma_wait3A_240] : memref<100000x128xf32, #tpu.memory_space<hbm>> -> memref<100000x128xf32, #tpu.memory_space<hbm>>
      tpu.wait_indirect_dma semaphore(%arg10 : memref<!tpu.dma_semaphore, #tpu.memory_space<semaphore_mem>>) src(%dma_wait3A_241 : memref<100000x128xf32, #tpu.memory_space<hbm>>) dst(%dma_wait3A_235 : memref<64x128xf32, #tpu.memory_space<vmem>>)
      %dma_wait3A_242 = arith.constant 0 : i32
      %dma_wait3A_243 = arith.constant 0 : i32
      %dma_wait3A_244 = arith.constant 0 : i32
      %dma_wait3A_245 = tpu.memref_slice %arg9[%dma_wait3A_242, %dma_wait3A_243, %dma_wait3A_244] : memref<2x320x128xf32, #tpu.memory_space<vmem>> -> memref<1x320x128xf32, #tpu.memory_space<vmem>>
      %dma_wait3A_246 = tpu.memref_squeeze %dma_wait3A_245 : memref<1x320x128xf32, #tpu.memory_space<vmem>> -> memref<320x128xf32, #tpu.memory_space<vmem>>
      %dma_wait3A_247 = arith.constant 128 : i32
      %dma_wait3A_248 = arith.constant 0 : i32
      %dma_wait3A_249 = tpu.memref_slice %dma_wait3A_246[%dma_wait3A_247, %dma_wait3A_248] : memref<320x128xf32, #tpu.memory_space<vmem>> -> memref<64x128xf32, #tpu.memory_space<vmem>>
      %dma_wait3A_250 = arith.constant 0 : i32
      %dma_wait3A_251 = tpu.memref_slice %arg8[%add3A_72, %dma_wait3A_250] : memref<90x64xi32, #tpu.memory_space<vmem>> -> memref<1x64xi32, #tpu.memory_space<vmem>>
      %dma_wait3A_252 = tpu.memref_squeeze %dma_wait3A_251 : memref<1x64xi32, #tpu.memory_space<vmem>> -> memref<64xi32, #tpu.memory_space<vmem>>
      %dma_wait3A_253 = arith.constant 0 : i32
      %dma_wait3A_254 = arith.constant 0 : i32
      %dma_wait3A_255 = tpu.memref_slice %arg2[%dma_wait3A_253, %dma_wait3A_254] : memref<100000x128xf32, #tpu.memory_space<hbm>> -> memref<100000x128xf32, #tpu.memory_space<hbm>>
      tpu.wait_indirect_dma semaphore(%arg10 : memref<!tpu.dma_semaphore, #tpu.memory_space<semaphore_mem>>) src(%dma_wait3A_255 : memref<100000x128xf32, #tpu.memory_space<hbm>>) dst(%dma_wait3A_249 : memref<64x128xf32, #tpu.memory_space<vmem>>)
      %dma_wait3A_256 = arith.constant 0 : i32
      %dma_wait3A_257 = arith.constant 0 : i32
      %dma_wait3A_258 = arith.constant 0 : i32
      %dma_wait3A_259 = tpu.memref_slice %arg9[%dma_wait3A_256, %dma_wait3A_257, %dma_wait3A_258] : memref<2x320x128xf32, #tpu.memory_space<vmem>> -> memref<1x320x128xf32, #tpu.memory_space<vmem>>
      %dma_wait3A_260 = tpu.memref_squeeze %dma_wait3A_259 : memref<1x320x128xf32, #tpu.memory_space<vmem>> -> memref<320x128xf32, #tpu.memory_space<vmem>>
      %dma_wait3A_261 = arith.constant 192 : i32
      %dma_wait3A_262 = arith.constant 0 : i32
      %dma_wait3A_263 = tpu.memref_slice %dma_wait3A_260[%dma_wait3A_261, %dma_wait3A_262] : memref<320x128xf32, #tpu.memory_space<vmem>> -> memref<64x128xf32, #tpu.memory_space<vmem>>
      %dma_wait3A_264 = arith.constant 0 : i32
      %dma_wait3A_265 = tpu.memref_slice %arg8[%add3A_90, %dma_wait3A_264] : memref<90x64xi32, #tpu.memory_space<vmem>> -> memref<1x64xi32, #tpu.memory_space<vmem>>
      %dma_wait3A_266 = tpu.memref_squeeze %dma_wait3A_265 : memref<1x64xi32, #tpu.memory_space<vmem>> -> memref<64xi32, #tpu.memory_space<vmem>>
      %dma_wait3A_267 = arith.constant 0 : i32
      %dma_wait3A_268 = arith.constant 0 : i32
      %dma_wait3A_269 = tpu.memref_slice %arg2[%dma_wait3A_267, %dma_wait3A_268] : memref<100000x128xf32, #tpu.memory_space<hbm>> -> memref<100000x128xf32, #tpu.memory_space<hbm>>
      tpu.wait_indirect_dma semaphore(%arg10 : memref<!tpu.dma_semaphore, #tpu.memory_space<semaphore_mem>>) src(%dma_wait3A_269 : memref<100000x128xf32, #tpu.memory_space<hbm>>) dst(%dma_wait3A_263 : memref<64x128xf32, #tpu.memory_space<vmem>>)
      %dma_wait3A_270 = arith.constant 0 : i32
      %dma_wait3A_271 = arith.constant 0 : i32
      %dma_wait3A_272 = arith.constant 0 : i32
      %dma_wait3A_273 = tpu.memref_slice %arg9[%dma_wait3A_270, %dma_wait3A_271, %dma_wait3A_272] : memref<2x320x128xf32, #tpu.memory_space<vmem>> -> memref<1x320x128xf32, #tpu.memory_space<vmem>>
      %dma_wait3A_274 = tpu.memref_squeeze %dma_wait3A_273 : memref<1x320x128xf32, #tpu.memory_space<vmem>> -> memref<320x128xf32, #tpu.memory_space<vmem>>
      %dma_wait3A_275 = arith.constant 256 : i32
      %dma_wait3A_276 = arith.constant 0 : i32
      %dma_wait3A_277 = tpu.memref_slice %dma_wait3A_274[%dma_wait3A_275, %dma_wait3A_276] : memref<320x128xf32, #tpu.memory_space<vmem>> -> memref<64x128xf32, #tpu.memory_space<vmem>>
      %dma_wait3A_278 = arith.constant 0 : i32
      %dma_wait3A_279 = tpu.memref_slice %arg8[%add3A_108, %dma_wait3A_278] : memref<90x64xi32, #tpu.memory_space<vmem>> -> memref<1x64xi32, #tpu.memory_space<vmem>>
      %dma_wait3A_280 = tpu.memref_squeeze %dma_wait3A_279 : memref<1x64xi32, #tpu.memory_space<vmem>> -> memref<64xi32, #tpu.memory_space<vmem>>
      %dma_wait3A_281 = arith.constant 0 : i32
      %dma_wait3A_282 = arith.constant 0 : i32
      %dma_wait3A_283 = tpu.memref_slice %arg2[%dma_wait3A_281, %dma_wait3A_282] : memref<100000x128xf32, #tpu.memory_space<hbm>> -> memref<100000x128xf32, #tpu.memory_space<hbm>>
      tpu.wait_indirect_dma semaphore(%arg10 : memref<!tpu.dma_semaphore, #tpu.memory_space<semaphore_mem>>) src(%dma_wait3A_283 : memref<100000x128xf32, #tpu.memory_space<hbm>>) dst(%dma_wait3A_277 : memref<64x128xf32, #tpu.memory_space<vmem>>)
      %mul3A_284 = arith.constant 320 : i32
      %mul3A_285 = arith.muli %mul3A_33, %mul3A_284 : i32
      %add3A_286 = arith.addi %mul3A_11, %mul3A_285 : i32
      %run_scoped3A = arith.constant 0 : i32
      "tpu.region"() ({
        %run_scoped3A_363 = tpu.sem_alloc : memref<!tpu.dma_semaphore, #tpu.memory_space<semaphore_mem>>
        %dma_start3A_364 = arith.constant 0 : i32
        %dma_start3A_365 = arith.constant 0 : i32
        %dma_start3A_366 = tpu.memref_slice %arg9[%run_scoped3A, %dma_start3A_364, %dma_start3A_365] : memref<2x320x128xf32, #tpu.memory_space<vmem>> -> memref<1x320x128xf32, #tpu.memory_space<vmem>>
        %dma_start3A_367 = tpu.memref_squeeze %dma_start3A_366 : memref<1x320x128xf32, #tpu.memory_space<vmem>> -> memref<320x128xf32, #tpu.memory_space<vmem>>
        %dma_start3A_368 = arith.constant 0 : i32
        %dma_start3A_369 = tpu.memref_slice %arg6[%add3A_286, %dma_start3A_368] : memref<102400x128xf32, #tpu.memory_space<hbm>> -> memref<320x128xf32, #tpu.memory_space<hbm>>
        %dma_start3A_370 = arith.constant 0 : i32
        %dma_start3A_371 = tpu.memref_slice %arg6[%add3A_286, %dma_start3A_370] : memref<102400x128xf32, #tpu.memory_space<hbm>> -> memref<320x128xf32, #tpu.memory_space<hbm>>
        %dma_start3A_372 = arith.constant 0 : i32
        %dma_start3A_373 = arith.constant 0 : i32
        %dma_start3A_374 = tpu.memref_slice %arg9[%run_scoped3A, %dma_start3A_372, %dma_start3A_373] : memref<2x320x128xf32, #tpu.memory_space<vmem>> -> memref<1x320x128xf32, #tpu.memory_space<vmem>>
        %dma_start3A_375 = tpu.memref_squeeze %dma_start3A_374 : memref<1x320x128xf32, #tpu.memory_space<vmem>> -> memref<320x128xf32, #tpu.memory_space<vmem>>
        tpu.enqueue_dma source(%dma_start3A_375 : memref<320x128xf32, #tpu.memory_space<vmem>>) target(%dma_start3A_371 : memref<320x128xf32, #tpu.memory_space<hbm>>) target_semaphore(%run_scoped3A_363 : memref<!tpu.dma_semaphore, #tpu.memory_space<semaphore_mem>>)
        %dma_wait3A_376 = arith.constant 0 : i32
        %dma_wait3A_377 = arith.constant 0 : i32
        %dma_wait3A_378 = tpu.memref_slice %arg9[%run_scoped3A, %dma_wait3A_376, %dma_wait3A_377] : memref<2x320x128xf32, #tpu.memory_space<vmem>> -> memref<1x320x128xf32, #tpu.memory_space<vmem>>
        %dma_wait3A_379 = tpu.memref_squeeze %dma_wait3A_378 : memref<1x320x128xf32, #tpu.memory_space<vmem>> -> memref<320x128xf32, #tpu.memory_space<vmem>>
        %dma_wait3A_380 = arith.constant 0 : i32
        %dma_wait3A_381 = tpu.memref_slice %arg6[%add3A_286, %dma_wait3A_380] : memref<102400x128xf32, #tpu.memory_space<hbm>> -> memref<320x128xf32, #tpu.memory_space<hbm>>
        %dma_wait3A_382 = arith.constant 0 : i32
        %dma_wait3A_383 = tpu.memref_slice %arg6[%add3A_286, %dma_wait3A_382] : memref<102400x128xf32, #tpu.memory_space<hbm>> -> memref<320x128xf32, #tpu.memory_space<hbm>>
        %dma_wait3A_384 = arith.constant 0 : i32
        %dma_wait3A_385 = arith.constant 0 : i32
        %dma_wait3A_386 = tpu.memref_slice %arg9[%run_scoped3A, %dma_wait3A_384, %dma_wait3A_385] : memref<2x320x128xf32, #tpu.memory_space<vmem>> -> memref<1x320x128xf32, #tpu.memory_space<vmem>>
        %dma_wait3A_387 = tpu.memref_squeeze %dma_wait3A_386 : memref<1x320x128xf32, #tpu.memory_space<vmem>> -> memref<320x128xf32, #tpu.memory_space<vmem>>
        tpu.wait_dma2 semaphore(%run_scoped3A_363 : memref<!tpu.dma_semaphore, #tpu.memory_space<semaphore_mem>>) src(%dma_wait3A_387 : memref<320x128xf32, #tpu.memory_space<vmem>>) dst(%dma_wait3A_383 : memref<320x128xf32, #tpu.memory_space<hbm>>)
        tpu.yield
      }) : () -> ()
      %dma_wait3A_287 = arith.constant 1 : i32
      %dma_wait3A_288 = arith.constant 0 : i32
      %dma_wait3A_289 = arith.constant 0 : i32
      %dma_wait3A_290 = tpu.memref_slice %arg9[%dma_wait3A_287, %dma_wait3A_288, %dma_wait3A_289] : memref<2x320x128xf32, #tpu.memory_space<vmem>> -> memref<1x320x128xf32, #tpu.memory_space<vmem>>
      %dma_wait3A_291 = tpu.memref_squeeze %dma_wait3A_290 : memref<1x320x128xf32, #tpu.memory_space<vmem>> -> memref<320x128xf32, #tpu.memory_space<vmem>>
      %dma_wait3A_292 = arith.constant 0 : i32
      %dma_wait3A_293 = arith.constant 0 : i32
      %dma_wait3A_294 = tpu.memref_slice %dma_wait3A_291[%dma_wait3A_292, %dma_wait3A_293] : memref<320x128xf32, #tpu.memory_space<vmem>> -> memref<64x128xf32, #tpu.memory_space<vmem>>
      %dma_wait3A_295 = arith.constant 0 : i32
      %dma_wait3A_296 = tpu.memref_slice %arg8[%add3A_128, %dma_wait3A_295] : memref<90x64xi32, #tpu.memory_space<vmem>> -> memref<1x64xi32, #tpu.memory_space<vmem>>
      %dma_wait3A_297 = tpu.memref_squeeze %dma_wait3A_296 : memref<1x64xi32, #tpu.memory_space<vmem>> -> memref<64xi32, #tpu.memory_space<vmem>>
      %dma_wait3A_298 = arith.constant 0 : i32
      %dma_wait3A_299 = arith.constant 0 : i32
      %dma_wait3A_300 = tpu.memref_slice %arg2[%dma_wait3A_298, %dma_wait3A_299] : memref<100000x128xf32, #tpu.memory_space<hbm>> -> memref<100000x128xf32, #tpu.memory_space<hbm>>
      tpu.wait_indirect_dma semaphore(%arg11 : memref<!tpu.dma_semaphore, #tpu.memory_space<semaphore_mem>>) src(%dma_wait3A_300 : memref<100000x128xf32, #tpu.memory_space<hbm>>) dst(%dma_wait3A_294 : memref<64x128xf32, #tpu.memory_space<vmem>>)
      %dma_wait3A_301 = arith.constant 1 : i32
      %dma_wait3A_302 = arith.constant 0 : i32
      %dma_wait3A_303 = arith.constant 0 : i32
      %dma_wait3A_304 = tpu.memref_slice %arg9[%dma_wait3A_301, %dma_wait3A_302, %dma_wait3A_303] : memref<2x320x128xf32, #tpu.memory_space<vmem>> -> memref<1x320x128xf32, #tpu.memory_space<vmem>>
      %dma_wait3A_305 = tpu.memref_squeeze %dma_wait3A_304 : memref<1x320x128xf32, #tpu.memory_space<vmem>> -> memref<320x128xf32, #tpu.memory_space<vmem>>
      %dma_wait3A_306 = arith.constant 64 : i32
      %dma_wait3A_307 = arith.constant 0 : i32
      %dma_wait3A_308 = tpu.memref_slice %dma_wait3A_305[%dma_wait3A_306, %dma_wait3A_307] : memref<320x128xf32, #tpu.memory_space<vmem>> -> memref<64x128xf32, #tpu.memory_space<vmem>>
      %dma_wait3A_309 = arith.constant 0 : i32
      %dma_wait3A_310 = tpu.memref_slice %arg8[%add3A_146, %dma_wait3A_309] : memref<90x64xi32, #tpu.memory_space<vmem>> -> memref<1x64xi32, #tpu.memory_space<vmem>>
      %dma_wait3A_311 = tpu.memref_squeeze %dma_wait3A_310 : memref<1x64xi32, #tpu.memory_space<vmem>> -> memref<64xi32, #tpu.memory_space<vmem>>
      %dma_wait3A_312 = arith.constant 0 : i32
      %dma_wait3A_313 = arith.constant 0 : i32
      %dma_wait3A_314 = tpu.memref_slice %arg2[%dma_wait3A_312, %dma_wait3A_313] : memref<100000x128xf32, #tpu.memory_space<hbm>> -> memref<100000x128xf32, #tpu.memory_space<hbm>>
      tpu.wait_indirect_dma semaphore(%arg11 : memref<!tpu.dma_semaphore, #tpu.memory_space<semaphore_mem>>) src(%dma_wait3A_314 : memref<100000x128xf32, #tpu.memory_space<hbm>>) dst(%dma_wait3A_308 : memref<64x128xf32, #tpu.memory_space<vmem>>)
      %dma_wait3A_315 = arith.constant 1 : i32
      %dma_wait3A_316 = arith.constant 0 : i32
      %dma_wait3A_317 = arith.constant 0 : i32
      %dma_wait3A_318 = tpu.memref_slice %arg9[%dma_wait3A_315, %dma_wait3A_316, %dma_wait3A_317] : memref<2x320x128xf32, #tpu.memory_space<vmem>> -> memref<1x320x128xf32, #tpu.memory_space<vmem>>
      %dma_wait3A_319 = tpu.memref_squeeze %dma_wait3A_318 : memref<1x320x128xf32, #tpu.memory_space<vmem>> -> memref<320x128xf32, #tpu.memory_space<vmem>>
      %dma_wait3A_320 = arith.constant 128 : i32
      %dma_wait3A_321 = arith.constant 0 : i32
      %dma_wait3A_322 = tpu.memref_slice %dma_wait3A_319[%dma_wait3A_320, %dma_wait3A_321] : memref<320x128xf32, #tpu.memory_space<vmem>> -> memref<64x128xf32, #tpu.memory_space<vmem>>
      %dma_wait3A_323 = arith.constant 0 : i32
      %dma_wait3A_324 = tpu.memref_slice %arg8[%add3A_164, %dma_wait3A_323] : memref<90x64xi32, #tpu.memory_space<vmem>> -> memref<1x64xi32, #tpu.memory_space<vmem>>
      %dma_wait3A_325 = tpu.memref_squeeze %dma_wait3A_324 : memref<1x64xi32, #tpu.memory_space<vmem>> -> memref<64xi32, #tpu.memory_space<vmem>>
      %dma_wait3A_326 = arith.constant 0 : i32
      %dma_wait3A_327 = arith.constant 0 : i32
      %dma_wait3A_328 = tpu.memref_slice %arg2[%dma_wait3A_326, %dma_wait3A_327] : memref<100000x128xf32, #tpu.memory_space<hbm>> -> memref<100000x128xf32, #tpu.memory_space<hbm>>
      tpu.wait_indirect_dma semaphore(%arg11 : memref<!tpu.dma_semaphore, #tpu.memory_space<semaphore_mem>>) src(%dma_wait3A_328 : memref<100000x128xf32, #tpu.memory_space<hbm>>) dst(%dma_wait3A_322 : memref<64x128xf32, #tpu.memory_space<vmem>>)
      %dma_wait3A_329 = arith.constant 1 : i32
      %dma_wait3A_330 = arith.constant 0 : i32
      %dma_wait3A_331 = arith.constant 0 : i32
      %dma_wait3A_332 = tpu.memref_slice %arg9[%dma_wait3A_329, %dma_wait3A_330, %dma_wait3A_331] : memref<2x320x128xf32, #tpu.memory_space<vmem>> -> memref<1x320x128xf32, #tpu.memory_space<vmem>>
      %dma_wait3A_333 = tpu.memref_squeeze %dma_wait3A_332 : memref<1x320x128xf32, #tpu.memory_space<vmem>> -> memref<320x128xf32, #tpu.memory_space<vmem>>
      %dma_wait3A_334 = arith.constant 192 : i32
      %dma_wait3A_335 = arith.constant 0 : i32
      %dma_wait3A_336 = tpu.memref_slice %dma_wait3A_333[%dma_wait3A_334, %dma_wait3A_335] : memref<320x128xf32, #tpu.memory_space<vmem>> -> memref<64x128xf32, #tpu.memory_space<vmem>>
      %dma_wait3A_337 = arith.constant 0 : i32
      %dma_wait3A_338 = tpu.memref_slice %arg8[%add3A_182, %dma_wait3A_337] : memref<90x64xi32, #tpu.memory_space<vmem>> -> memref<1x64xi32, #tpu.memory_space<vmem>>
      %dma_wait3A_339 = tpu.memref_squeeze %dma_wait3A_338 : memref<1x64xi32, #tpu.memory_space<vmem>> -> memref<64xi32, #tpu.memory_space<vmem>>
      %dma_wait3A_340 = arith.constant 0 : i32
      %dma_wait3A_341 = arith.constant 0 : i32
      %dma_wait3A_342 = tpu.memref_slice %arg2[%dma_wait3A_340, %dma_wait3A_341] : memref<100000x128xf32, #tpu.memory_space<hbm>> -> memref<100000x128xf32, #tpu.memory_space<hbm>>
      tpu.wait_indirect_dma semaphore(%arg11 : memref<!tpu.dma_semaphore, #tpu.memory_space<semaphore_mem>>) src(%dma_wait3A_342 : memref<100000x128xf32, #tpu.memory_space<hbm>>) dst(%dma_wait3A_336 : memref<64x128xf32, #tpu.memory_space<vmem>>)
      %dma_wait3A_343 = arith.constant 1 : i32
      %dma_wait3A_344 = arith.constant 0 : i32
      %dma_wait3A_345 = arith.constant 0 : i32
      %dma_wait3A_346 = tpu.memref_slice %arg9[%dma_wait3A_343, %dma_wait3A_344, %dma_wait3A_345] : memref<2x320x128xf32, #tpu.memory_space<vmem>> -> memref<1x320x128xf32, #tpu.memory_space<vmem>>
      %dma_wait3A_347 = tpu.memref_squeeze %dma_wait3A_346 : memref<1x320x128xf32, #tpu.memory_space<vmem>> -> memref<320x128xf32, #tpu.memory_space<vmem>>
      %dma_wait3A_348 = arith.constant 256 : i32
      %dma_wait3A_349 = arith.constant 0 : i32
      %dma_wait3A_350 = tpu.memref_slice %dma_wait3A_347[%dma_wait3A_348, %dma_wait3A_349] : memref<320x128xf32, #tpu.memory_space<vmem>> -> memref<64x128xf32, #tpu.memory_space<vmem>>
      %dma_wait3A_351 = arith.constant 0 : i32
      %dma_wait3A_352 = tpu.memref_slice %arg8[%add3A_200, %dma_wait3A_351] : memref<90x64xi32, #tpu.memory_space<vmem>> -> memref<1x64xi32, #tpu.memory_space<vmem>>
      %dma_wait3A_353 = tpu.memref_squeeze %dma_wait3A_352 : memref<1x64xi32, #tpu.memory_space<vmem>> -> memref<64xi32, #tpu.memory_space<vmem>>
      %dma_wait3A_354 = arith.constant 0 : i32
      %dma_wait3A_355 = arith.constant 0 : i32
      %dma_wait3A_356 = tpu.memref_slice %arg2[%dma_wait3A_354, %dma_wait3A_355] : memref<100000x128xf32, #tpu.memory_space<hbm>> -> memref<100000x128xf32, #tpu.memory_space<hbm>>
      tpu.wait_indirect_dma semaphore(%arg11 : memref<!tpu.dma_semaphore, #tpu.memory_space<semaphore_mem>>) src(%dma_wait3A_356 : memref<100000x128xf32, #tpu.memory_space<hbm>>) dst(%dma_wait3A_350 : memref<64x128xf32, #tpu.memory_space<vmem>>)
      %add3A_357 = arith.constant 1 : i32
      %add3A_358 = arith.addi %mul3A_33, %add3A_357 : i32
      %mul3A_359 = arith.constant 320 : i32
      %mul3A_360 = arith.muli %add3A_358, %mul3A_359 : i32
      %add3A_361 = arith.addi %mul3A_11, %mul3A_360 : i32
      %run_scoped3A_362 = arith.constant 1 : i32
      "tpu.region"() ({
        %run_scoped3A_363 = tpu.sem_alloc : memref<!tpu.dma_semaphore, #tpu.memory_space<semaphore_mem>>
        %dma_start3A_364 = arith.constant 0 : i32
        %dma_start3A_365 = arith.constant 0 : i32
        %dma_start3A_366 = tpu.memref_slice %arg9[%run_scoped3A_362, %dma_start3A_364, %dma_start3A_365] : memref<2x320x128xf32, #tpu.memory_space<vmem>> -> memref<1x320x128xf32, #tpu.memory_space<vmem>>
        %dma_start3A_367 = tpu.memref_squeeze %dma_start3A_366 : memref<1x320x128xf32, #tpu.memory_space<vmem>> -> memref<320x128xf32, #tpu.memory_space<vmem>>
        %dma_start3A_368 = arith.constant 0 : i32
        %dma_start3A_369 = tpu.memref_slice %arg6[%add3A_361, %dma_start3A_368] : memref<102400x128xf32, #tpu.memory_space<hbm>> -> memref<320x128xf32, #tpu.memory_space<hbm>>
        %dma_start3A_370 = arith.constant 0 : i32
        %dma_start3A_371 = tpu.memref_slice %arg6[%add3A_361, %dma_start3A_370] : memref<102400x128xf32, #tpu.memory_space<hbm>> -> memref<320x128xf32, #tpu.memory_space<hbm>>
        %dma_start3A_372 = arith.constant 0 : i32
        %dma_start3A_373 = arith.constant 0 : i32
        %dma_start3A_374 = tpu.memref_slice %arg9[%run_scoped3A_362, %dma_start3A_372, %dma_start3A_373] : memref<2x320x128xf32, #tpu.memory_space<vmem>> -> memref<1x320x128xf32, #tpu.memory_space<vmem>>
        %dma_start3A_375 = tpu.memref_squeeze %dma_start3A_374 : memref<1x320x128xf32, #tpu.memory_space<vmem>> -> memref<320x128xf32, #tpu.memory_space<vmem>>
        tpu.enqueue_dma source(%dma_start3A_375 : memref<320x128xf32, #tpu.memory_space<vmem>>) target(%dma_start3A_371 : memref<320x128xf32, #tpu.memory_space<hbm>>) target_semaphore(%run_scoped3A_363 : memref<!tpu.dma_semaphore, #tpu.memory_space<semaphore_mem>>)
        %dma_wait3A_376 = arith.constant 0 : i32
        %dma_wait3A_377 = arith.constant 0 : i32
        %dma_wait3A_378 = tpu.memref_slice %arg9[%run_scoped3A_362, %dma_wait3A_376, %dma_wait3A_377] : memref<2x320x128xf32, #tpu.memory_space<vmem>> -> memref<1x320x128xf32, #tpu.memory_space<vmem>>
        %dma_wait3A_379 = tpu.memref_squeeze %dma_wait3A_378 : memref<1x320x128xf32, #tpu.memory_space<vmem>> -> memref<320x128xf32, #tpu.memory_space<vmem>>
        %dma_wait3A_380 = arith.constant 0 : i32
        %dma_wait3A_381 = tpu.memref_slice %arg6[%add3A_361, %dma_wait3A_380] : memref<102400x128xf32, #tpu.memory_space<hbm>> -> memref<320x128xf32, #tpu.memory_space<hbm>>
        %dma_wait3A_382 = arith.constant 0 : i32
        %dma_wait3A_383 = tpu.memref_slice %arg6[%add3A_361, %dma_wait3A_382] : memref<102400x128xf32, #tpu.memory_space<hbm>> -> memref<320x128xf32, #tpu.memory_space<hbm>>
        %dma_wait3A_384 = arith.constant 0 : i32
        %dma_wait3A_385 = arith.constant 0 : i32
        %dma_wait3A_386 = tpu.memref_slice %arg9[%run_scoped3A_362, %dma_wait3A_384, %dma_wait3A_385] : memref<2x320x128xf32, #tpu.memory_space<vmem>> -> memref<1x320x128xf32, #tpu.memory_space<vmem>>
        %dma_wait3A_387 = tpu.memref_squeeze %dma_wait3A_386 : memref<1x320x128xf32, #tpu.memory_space<vmem>> -> memref<320x128xf32, #tpu.memory_space<vmem>>
        tpu.wait_dma2 semaphore(%run_scoped3A_363 : memref<!tpu.dma_semaphore, #tpu.memory_space<semaphore_mem>>) src(%dma_wait3A_387 : memref<320x128xf32, #tpu.memory_space<vmem>>) dst(%dma_wait3A_383 : memref<320x128xf32, #tpu.memory_space<hbm>>)
        tpu.yield
      }) : () -> ()
    }
    %while3A_30 = arith.constant 1 : i32
    scf.for %while3A_31 = %while3A_28 to %while3A_24 step %while3A_30  : i32 {
      %mul3A_32 = arith.constant 2 : i32
      %mul3A_33 = arith.muli %mul3A_32, %while3A_31 : i32
      %mul3A_34 = arith.constant 5 : i32
      %mul3A_35 = arith.muli %mul3A_33, %mul3A_34 : i32
      %add3A_36 = arith.constant 0 : i32
      %add3A_37 = arith.addi %mul3A_35, %add3A_36 : i32
      %dma_start3A = arith.constant 0 : i32
      %dma_start3A_38 = arith.constant 0 : i32
      %dma_start3A_39 = arith.constant 0 : i32
      %dma_start3A_40 = tpu.memref_slice %arg9[%dma_start3A, %dma_start3A_38, %dma_start3A_39] : memref<2x320x128xf32, #tpu.memory_space<vmem>> -> memref<1x320x128xf32, #tpu.memory_space<vmem>>
      %dma_start3A_41 = tpu.memref_squeeze %dma_start3A_40 : memref<1x320x128xf32, #tpu.memory_space<vmem>> -> memref<320x128xf32, #tpu.memory_space<vmem>>
      %dma_start3A_42 = arith.constant 0 : i32
      %dma_start3A_43 = arith.constant 0 : i32
      %dma_start3A_44 = tpu.memref_slice %dma_start3A_41[%dma_start3A_42, %dma_start3A_43] : memref<320x128xf32, #tpu.memory_space<vmem>> -> memref<64x128xf32, #tpu.memory_space<vmem>>
      %dma_start3A_45 = arith.constant 0 : i32
      %dma_start3A_46 = tpu.memref_slice %arg8[%add3A_37, %dma_start3A_45] : memref<90x64xi32, #tpu.memory_space<vmem>> -> memref<1x64xi32, #tpu.memory_space<vmem>>
      %dma_start3A_47 = tpu.memref_squeeze %dma_start3A_46 : memref<1x64xi32, #tpu.memory_space<vmem>> -> memref<64xi32, #tpu.memory_space<vmem>>
      %dma_start3A_48 = arith.constant 0 : i32
      %dma_start3A_49 = arith.constant 0 : i32
      %dma_start3A_50 = tpu.memref_slice %arg2[%dma_start3A_48, %dma_start3A_49] : memref<100000x128xf32, #tpu.memory_space<hbm>> -> memref<100000x128xf32, #tpu.memory_space<hbm>>
      tpu.enqueue_indirect_dma source(%dma_start3A_50 : memref<100000x128xf32, #tpu.memory_space<hbm>>) target(%dma_start3A_44 : memref<64x128xf32, #tpu.memory_space<vmem>>) offsets(%dma_start3A_47 : memref<64xi32, #tpu.memory_space<vmem>>) semaphore(%arg10 : memref<!tpu.dma_semaphore, #tpu.memory_space<semaphore_mem>>)
      %mul3A_51 = arith.constant 5 : i32
      %mul3A_52 = arith.muli %mul3A_33, %mul3A_51 : i32
      %add3A_53 = arith.constant 1 : i32
      %add3A_54 = arith.addi %mul3A_52, %add3A_53 : i32
      %dma_start3A_55 = arith.constant 0 : i32
      %dma_start3A_56 = arith.constant 0 : i32
      %dma_start3A_57 = arith.constant 0 : i32
      %dma_start3A_58 = tpu.memref_slice %arg9[%dma_start3A_55, %dma_start3A_56, %dma_start3A_57] : memref<2x320x128xf32, #tpu.memory_space<vmem>> -> memref<1x320x128xf32, #tpu.memory_space<vmem>>
      %dma_start3A_59 = tpu.memref_squeeze %dma_start3A_58 : memref<1x320x128xf32, #tpu.memory_space<vmem>> -> memref<320x128xf32, #tpu.memory_space<vmem>>
      %dma_start3A_60 = arith.constant 64 : i32
      %dma_start3A_61 = arith.constant 0 : i32
      %dma_start3A_62 = tpu.memref_slice %dma_start3A_59[%dma_start3A_60, %dma_start3A_61] : memref<320x128xf32, #tpu.memory_space<vmem>> -> memref<64x128xf32, #tpu.memory_space<vmem>>
      %dma_start3A_63 = arith.constant 0 : i32
      %dma_start3A_64 = tpu.memref_slice %arg8[%add3A_54, %dma_start3A_63] : memref<90x64xi32, #tpu.memory_space<vmem>> -> memref<1x64xi32, #tpu.memory_space<vmem>>
      %dma_start3A_65 = tpu.memref_squeeze %dma_start3A_64 : memref<1x64xi32, #tpu.memory_space<vmem>> -> memref<64xi32, #tpu.memory_space<vmem>>
      %dma_start3A_66 = arith.constant 0 : i32
      %dma_start3A_67 = arith.constant 0 : i32
      %dma_start3A_68 = tpu.memref_slice %arg2[%dma_start3A_66, %dma_start3A_67] : memref<100000x128xf32, #tpu.memory_space<hbm>> -> memref<100000x128xf32, #tpu.memory_space<hbm>>
      tpu.enqueue_indirect_dma source(%dma_start3A_68 : memref<100000x128xf32, #tpu.memory_space<hbm>>) target(%dma_start3A_62 : memref<64x128xf32, #tpu.memory_space<vmem>>) offsets(%dma_start3A_65 : memref<64xi32, #tpu.memory_space<vmem>>) semaphore(%arg10 : memref<!tpu.dma_semaphore, #tpu.memory_space<semaphore_mem>>)
      %mul3A_69 = arith.constant 5 : i32
      %mul3A_70 = arith.muli %mul3A_33, %mul3A_69 : i32
      %add3A_71 = arith.constant 2 : i32
      %add3A_72 = arith.addi %mul3A_70, %add3A_71 : i32
      %dma_start3A_73 = arith.constant 0 : i32
      %dma_start3A_74 = arith.constant 0 : i32
      %dma_start3A_75 = arith.constant 0 : i32
      %dma_start3A_76 = tpu.memref_slice %arg9[%dma_start3A_73, %dma_start3A_74, %dma_start3A_75] : memref<2x320x128xf32, #tpu.memory_space<vmem>> -> memref<1x320x128xf32, #tpu.memory_space<vmem>>
      %dma_start3A_77 = tpu.memref_squeeze %dma_start3A_76 : memref<1x320x128xf32, #tpu.memory_space<vmem>> -> memref<320x128xf32, #tpu.memory_space<vmem>>
      %dma_start3A_78 = arith.constant 128 : i32
      %dma_start3A_79 = arith.constant 0 : i32
      %dma_start3A_80 = tpu.memref_slice %dma_start3A_77[%dma_start3A_78, %dma_start3A_79] : memref<320x128xf32, #tpu.memory_space<vmem>> -> memref<64x128xf32, #tpu.memory_space<vmem>>
      %dma_start3A_81 = arith.constant 0 : i32
      %dma_start3A_82 = tpu.memref_slice %arg8[%add3A_72, %dma_start3A_81] : memref<90x64xi32, #tpu.memory_space<vmem>> -> memref<1x64xi32, #tpu.memory_space<vmem>>
      %dma_start3A_83 = tpu.memref_squeeze %dma_start3A_82 : memref<1x64xi32, #tpu.memory_space<vmem>> -> memref<64xi32, #tpu.memory_space<vmem>>
      %dma_start3A_84 = arith.constant 0 : i32
      %dma_start3A_85 = arith.constant 0 : i32
      %dma_start3A_86 = tpu.memref_slice %arg2[%dma_start3A_84, %dma_start3A_85] : memref<100000x128xf32, #tpu.memory_space<hbm>> -> memref<100000x128xf32, #tpu.memory_space<hbm>>
      tpu.enqueue_indirect_dma source(%dma_start3A_86 : memref<100000x128xf32, #tpu.memory_space<hbm>>) target(%dma_start3A_80 : memref<64x128xf32, #tpu.memory_space<vmem>>) offsets(%dma_start3A_83 : memref<64xi32, #tpu.memory_space<vmem>>) semaphore(%arg10 : memref<!tpu.dma_semaphore, #tpu.memory_space<semaphore_mem>>)
      %mul3A_87 = arith.constant 5 : i32
      %mul3A_88 = arith.muli %mul3A_33, %mul3A_87 : i32
      %add3A_89 = arith.constant 3 : i32
      %add3A_90 = arith.addi %mul3A_88, %add3A_89 : i32
      %dma_start3A_91 = arith.constant 0 : i32
      %dma_start3A_92 = arith.constant 0 : i32
      %dma_start3A_93 = arith.constant 0 : i32
      %dma_start3A_94 = tpu.memref_slice %arg9[%dma_start3A_91, %dma_start3A_92, %dma_start3A_93] : memref<2x320x128xf32, #tpu.memory_space<vmem>> -> memref<1x320x128xf32, #tpu.memory_space<vmem>>
      %dma_start3A_95 = tpu.memref_squeeze %dma_start3A_94 : memref<1x320x128xf32, #tpu.memory_space<vmem>> -> memref<320x128xf32, #tpu.memory_space<vmem>>
      %dma_start3A_96 = arith.constant 192 : i32
      %dma_start3A_97 = arith.constant 0 : i32
      %dma_start3A_98 = tpu.memref_slice %dma_start3A_95[%dma_start3A_96, %dma_start3A_97] : memref<320x128xf32, #tpu.memory_space<vmem>> -> memref<64x128xf32, #tpu.memory_space<vmem>>
      %dma_start3A_99 = arith.constant 0 : i32
      %dma_start3A_100 = tpu.memref_slice %arg8[%add3A_90, %dma_start3A_99] : memref<90x64xi32, #tpu.memory_space<vmem>> -> memref<1x64xi32, #tpu.memory_space<vmem>>
      %dma_start3A_101 = tpu.memref_squeeze %dma_start3A_100 : memref<1x64xi32, #tpu.memory_space<vmem>> -> memref<64xi32, #tpu.memory_space<vmem>>
      %dma_start3A_102 = arith.constant 0 : i32
      %dma_start3A_103 = arith.constant 0 : i32
      %dma_start3A_104 = tpu.memref_slice %arg2[%dma_start3A_102, %dma_start3A_103] : memref<100000x128xf32, #tpu.memory_space<hbm>> -> memref<100000x128xf32, #tpu.memory_space<hbm>>
      tpu.enqueue_indirect_dma source(%dma_start3A_104 : memref<100000x128xf32, #tpu.memory_space<hbm>>) target(%dma_start3A_98 : memref<64x128xf32, #tpu.memory_space<vmem>>) offsets(%dma_start3A_101 : memref<64xi32, #tpu.memory_space<vmem>>) semaphore(%arg10 : memref<!tpu.dma_semaphore, #tpu.memory_space<semaphore_mem>>)
      %mul3A_105 = arith.constant 5 : i32
      %mul3A_106 = arith.muli %mul3A_33, %mul3A_105 : i32
      %add3A_107 = arith.constant 4 : i32
      %add3A_108 = arith.addi %mul3A_106, %add3A_107 : i32
      %dma_start3A_109 = arith.constant 0 : i32
      %dma_start3A_110 = arith.constant 0 : i32
      %dma_start3A_111 = arith.constant 0 : i32
      %dma_start3A_112 = tpu.memref_slice %arg9[%dma_start3A_109, %dma_start3A_110, %dma_start3A_111] : memref<2x320x128xf32, #tpu.memory_space<vmem>> -> memref<1x320x128xf32, #tpu.memory_space<vmem>>
      %dma_start3A_113 = tpu.memref_squeeze %dma_start3A_112 : memref<1x320x128xf32, #tpu.memory_space<vmem>> -> memref<320x128xf32, #tpu.memory_space<vmem>>
      %dma_start3A_114 = arith.constant 256 : i32
      %dma_start3A_115 = arith.constant 0 : i32
      %dma_start3A_116 = tpu.memref_slice %dma_start3A_113[%dma_start3A_114, %dma_start3A_115] : memref<320x128xf32, #tpu.memory_space<vmem>> -> memref<64x128xf32, #tpu.memory_space<vmem>>
      %dma_start3A_117 = arith.constant 0 : i32
      %dma_start3A_118 = tpu.memref_slice %arg8[%add3A_108, %dma_start3A_117] : memref<90x64xi32, #tpu.memory_space<vmem>> -> memref<1x64xi32, #tpu.memory_space<vmem>>
      %dma_start3A_119 = tpu.memref_squeeze %dma_start3A_118 : memref<1x64xi32, #tpu.memory_space<vmem>> -> memref<64xi32, #tpu.memory_space<vmem>>
      %dma_start3A_120 = arith.constant 0 : i32
      %dma_start3A_121 = arith.constant 0 : i32
      %dma_start3A_122 = tpu.memref_slice %arg2[%dma_start3A_120, %dma_start3A_121] : memref<100000x128xf32, #tpu.memory_space<hbm>> -> memref<100000x128xf32, #tpu.memory_space<hbm>>
      tpu.enqueue_indirect_dma source(%dma_start3A_122 : memref<100000x128xf32, #tpu.memory_space<hbm>>) target(%dma_start3A_116 : memref<64x128xf32, #tpu.memory_space<vmem>>) offsets(%dma_start3A_119 : memref<64xi32, #tpu.memory_space<vmem>>) semaphore(%arg10 : memref<!tpu.dma_semaphore, #tpu.memory_space<semaphore_mem>>)
      %add3A_123 = arith.constant 1 : i32
      %add3A_124 = arith.addi %mul3A_33, %add3A_123 : i32
      %mul3A_125 = arith.constant 5 : i32
      %mul3A_126 = arith.muli %add3A_124, %mul3A_125 : i32
      %add3A_127 = arith.constant 0 : i32
      %add3A_128 = arith.addi %mul3A_126, %add3A_127 : i32
      %dma_start3A_129 = arith.constant 1 : i32
      %dma_start3A_130 = arith.constant 0 : i32
      %dma_start3A_131 = arith.constant 0 : i32
      %dma_start3A_132 = tpu.memref_slice %arg9[%dma_start3A_129, %dma_start3A_130, %dma_start3A_131] : memref<2x320x128xf32, #tpu.memory_space<vmem>> -> memref<1x320x128xf32, #tpu.memory_space<vmem>>
      %dma_start3A_133 = tpu.memref_squeeze %dma_start3A_132 : memref<1x320x128xf32, #tpu.memory_space<vmem>> -> memref<320x128xf32, #tpu.memory_space<vmem>>
      %dma_start3A_134 = arith.constant 0 : i32
      %dma_start3A_135 = arith.constant 0 : i32
      %dma_start3A_136 = tpu.memref_slice %dma_start3A_133[%dma_start3A_134, %dma_start3A_135] : memref<320x128xf32, #tpu.memory_space<vmem>> -> memref<64x128xf32, #tpu.memory_space<vmem>>
      %dma_start3A_137 = arith.constant 0 : i32
      %dma_start3A_138 = tpu.memref_slice %arg8[%add3A_128, %dma_start3A_137] : memref<90x64xi32, #tpu.memory_space<vmem>> -> memref<1x64xi32, #tpu.memory_space<vmem>>
      %dma_start3A_139 = tpu.memref_squeeze %dma_start3A_138 : memref<1x64xi32, #tpu.memory_space<vmem>> -> memref<64xi32, #tpu.memory_space<vmem>>
      %dma_start3A_140 = arith.constant 0 : i32
      %dma_start3A_141 = arith.constant 0 : i32
      %dma_start3A_142 = tpu.memref_slice %arg2[%dma_start3A_140, %dma_start3A_141] : memref<100000x128xf32, #tpu.memory_space<hbm>> -> memref<100000x128xf32, #tpu.memory_space<hbm>>
      tpu.enqueue_indirect_dma source(%dma_start3A_142 : memref<100000x128xf32, #tpu.memory_space<hbm>>) target(%dma_start3A_136 : memref<64x128xf32, #tpu.memory_space<vmem>>) offsets(%dma_start3A_139 : memref<64xi32, #tpu.memory_space<vmem>>) semaphore(%arg11 : memref<!tpu.dma_semaphore, #tpu.memory_space<semaphore_mem>>)
      %mul3A_143 = arith.constant 5 : i32
      %mul3A_144 = arith.muli %add3A_124, %mul3A_143 : i32
      %add3A_145 = arith.constant 1 : i32
      %add3A_146 = arith.addi %mul3A_144, %add3A_145 : i32
      %dma_start3A_147 = arith.constant 1 : i32
      %dma_start3A_148 = arith.constant 0 : i32
      %dma_start3A_149 = arith.constant 0 : i32
      %dma_start3A_150 = tpu.memref_slice %arg9[%dma_start3A_147, %dma_start3A_148, %dma_start3A_149] : memref<2x320x128xf32, #tpu.memory_space<vmem>> -> memref<1x320x128xf32, #tpu.memory_space<vmem>>
      %dma_start3A_151 = tpu.memref_squeeze %dma_start3A_150 : memref<1x320x128xf32, #tpu.memory_space<vmem>> -> memref<320x128xf32, #tpu.memory_space<vmem>>
      %dma_start3A_152 = arith.constant 64 : i32
      %dma_start3A_153 = arith.constant 0 : i32
      %dma_start3A_154 = tpu.memref_slice %dma_start3A_151[%dma_start3A_152, %dma_start3A_153] : memref<320x128xf32, #tpu.memory_space<vmem>> -> memref<64x128xf32, #tpu.memory_space<vmem>>
      %dma_start3A_155 = arith.constant 0 : i32
      %dma_start3A_156 = tpu.memref_slice %arg8[%add3A_146, %dma_start3A_155] : memref<90x64xi32, #tpu.memory_space<vmem>> -> memref<1x64xi32, #tpu.memory_space<vmem>>
      %dma_start3A_157 = tpu.memref_squeeze %dma_start3A_156 : memref<1x64xi32, #tpu.memory_space<vmem>> -> memref<64xi32, #tpu.memory_space<vmem>>
      %dma_start3A_158 = arith.constant 0 : i32
      %dma_start3A_159 = arith.constant 0 : i32
      %dma_start3A_160 = tpu.memref_slice %arg2[%dma_start3A_158, %dma_start3A_159] : memref<100000x128xf32, #tpu.memory_space<hbm>> -> memref<100000x128xf32, #tpu.memory_space<hbm>>
      tpu.enqueue_indirect_dma source(%dma_start3A_160 : memref<100000x128xf32, #tpu.memory_space<hbm>>) target(%dma_start3A_154 : memref<64x128xf32, #tpu.memory_space<vmem>>) offsets(%dma_start3A_157 : memref<64xi32, #tpu.memory_space<vmem>>) semaphore(%arg11 : memref<!tpu.dma_semaphore, #tpu.memory_space<semaphore_mem>>)
      %mul3A_161 = arith.constant 5 : i32
      %mul3A_162 = arith.muli %add3A_124, %mul3A_161 : i32
      %add3A_163 = arith.constant 2 : i32
      %add3A_164 = arith.addi %mul3A_162, %add3A_163 : i32
      %dma_start3A_165 = arith.constant 1 : i32
      %dma_start3A_166 = arith.constant 0 : i32
      %dma_start3A_167 = arith.constant 0 : i32
      %dma_start3A_168 = tpu.memref_slice %arg9[%dma_start3A_165, %dma_start3A_166, %dma_start3A_167] : memref<2x320x128xf32, #tpu.memory_space<vmem>> -> memref<1x320x128xf32, #tpu.memory_space<vmem>>
      %dma_start3A_169 = tpu.memref_squeeze %dma_start3A_168 : memref<1x320x128xf32, #tpu.memory_space<vmem>> -> memref<320x128xf32, #tpu.memory_space<vmem>>
      %dma_start3A_170 = arith.constant 128 : i32
      %dma_start3A_171 = arith.constant 0 : i32
      %dma_start3A_172 = tpu.memref_slice %dma_start3A_169[%dma_start3A_170, %dma_start3A_171] : memref<320x128xf32, #tpu.memory_space<vmem>> -> memref<64x128xf32, #tpu.memory_space<vmem>>
      %dma_start3A_173 = arith.constant 0 : i32
      %dma_start3A_174 = tpu.memref_slice %arg8[%add3A_164, %dma_start3A_173] : memref<90x64xi32, #tpu.memory_space<vmem>> -> memref<1x64xi32, #tpu.memory_space<vmem>>
      %dma_start3A_175 = tpu.memref_squeeze %dma_start3A_174 : memref<1x64xi32, #tpu.memory_space<vmem>> -> memref<64xi32, #tpu.memory_space<vmem>>
      %dma_start3A_176 = arith.constant 0 : i32
      %dma_start3A_177 = arith.constant 0 : i32
      %dma_start3A_178 = tpu.memref_slice %arg2[%dma_start3A_176, %dma_start3A_177] : memref<100000x128xf32, #tpu.memory_space<hbm>> -> memref<100000x128xf32, #tpu.memory_space<hbm>>
      tpu.enqueue_indirect_dma source(%dma_start3A_178 : memref<100000x128xf32, #tpu.memory_space<hbm>>) target(%dma_start3A_172 : memref<64x128xf32, #tpu.memory_space<vmem>>) offsets(%dma_start3A_175 : memref<64xi32, #tpu.memory_space<vmem>>) semaphore(%arg11 : memref<!tpu.dma_semaphore, #tpu.memory_space<semaphore_mem>>)
      %mul3A_179 = arith.constant 5 : i32
      %mul3A_180 = arith.muli %add3A_124, %mul3A_179 : i32
      %add3A_181 = arith.constant 3 : i32
      %add3A_182 = arith.addi %mul3A_180, %add3A_181 : i32
      %dma_start3A_183 = arith.constant 1 : i32
      %dma_start3A_184 = arith.constant 0 : i32
      %dma_start3A_185 = arith.constant 0 : i32
      %dma_start3A_186 = tpu.memref_slice %arg9[%dma_start3A_183, %dma_start3A_184, %dma_start3A_185] : memref<2x320x128xf32, #tpu.memory_space<vmem>> -> memref<1x320x128xf32, #tpu.memory_space<vmem>>
      %dma_start3A_187 = tpu.memref_squeeze %dma_start3A_186 : memref<1x320x128xf32, #tpu.memory_space<vmem>> -> memref<320x128xf32, #tpu.memory_space<vmem>>
      %dma_start3A_188 = arith.constant 192 : i32
      %dma_start3A_189 = arith.constant 0 : i32
      %dma_start3A_190 = tpu.memref_slice %dma_start3A_187[%dma_start3A_188, %dma_start3A_189] : memref<320x128xf32, #tpu.memory_space<vmem>> -> memref<64x128xf32, #tpu.memory_space<vmem>>
      %dma_start3A_191 = arith.constant 0 : i32
      %dma_start3A_192 = tpu.memref_slice %arg8[%add3A_182, %dma_start3A_191] : memref<90x64xi32, #tpu.memory_space<vmem>> -> memref<1x64xi32, #tpu.memory_space<vmem>>
      %dma_start3A_193 = tpu.memref_squeeze %dma_start3A_192 : memref<1x64xi32, #tpu.memory_space<vmem>> -> memref<64xi32, #tpu.memory_space<vmem>>
      %dma_start3A_194 = arith.constant 0 : i32
      %dma_start3A_195 = arith.constant 0 : i32
      %dma_start3A_196 = tpu.memref_slice %arg2[%dma_start3A_194, %dma_start3A_195] : memref<100000x128xf32, #tpu.memory_space<hbm>> -> memref<100000x128xf32, #tpu.memory_space<hbm>>
      tpu.enqueue_indirect_dma source(%dma_start3A_196 : memref<100000x128xf32, #tpu.memory_space<hbm>>) target(%dma_start3A_190 : memref<64x128xf32, #tpu.memory_space<vmem>>) offsets(%dma_start3A_193 : memref<64xi32, #tpu.memory_space<vmem>>) semaphore(%arg11 : memref<!tpu.dma_semaphore, #tpu.memory_space<semaphore_mem>>)
      %mul3A_197 = arith.constant 5 : i32
      %mul3A_198 = arith.muli %add3A_124, %mul3A_197 : i32
      %add3A_199 = arith.constant 4 : i32
      %add3A_200 = arith.addi %mul3A_198, %add3A_199 : i32
      %dma_start3A_201 = arith.constant 1 : i32
      %dma_start3A_202 = arith.constant 0 : i32
      %dma_start3A_203 = arith.constant 0 : i32
      %dma_start3A_204 = tpu.memref_slice %arg9[%dma_start3A_201, %dma_start3A_202, %dma_start3A_203] : memref<2x320x128xf32, #tpu.memory_space<vmem>> -> memref<1x320x128xf32, #tpu.memory_space<vmem>>
      %dma_start3A_205 = tpu.memref_squeeze %dma_start3A_204 : memref<1x320x128xf32, #tpu.memory_space<vmem>> -> memref<320x128xf32, #tpu.memory_space<vmem>>
      %dma_start3A_206 = arith.constant 256 : i32
      %dma_start3A_207 = arith.constant 0 : i32
      %dma_start3A_208 = tpu.memref_slice %dma_start3A_205[%dma_start3A_206, %dma_start3A_207] : memref<320x128xf32, #tpu.memory_space<vmem>> -> memref<64x128xf32, #tpu.memory_space<vmem>>
      %dma_start3A_209 = arith.constant 0 : i32
      %dma_start3A_210 = tpu.memref_slice %arg8[%add3A_200, %dma_start3A_209] : memref<90x64xi32, #tpu.memory_space<vmem>> -> memref<1x64xi32, #tpu.memory_space<vmem>>
      %dma_start3A_211 = tpu.memref_squeeze %dma_start3A_210 : memref<1x64xi32, #tpu.memory_space<vmem>> -> memref<64xi32, #tpu.memory_space<vmem>>
      %dma_start3A_212 = arith.constant 0 : i32
      %dma_start3A_213 = arith.constant 0 : i32
      %dma_start3A_214 = tpu.memref_slice %arg2[%dma_start3A_212, %dma_start3A_213] : memref<100000x128xf32, #tpu.memory_space<hbm>> -> memref<100000x128xf32, #tpu.memory_space<hbm>>
      tpu.enqueue_indirect_dma source(%dma_start3A_214 : memref<100000x128xf32, #tpu.memory_space<hbm>>) target(%dma_start3A_208 : memref<64x128xf32, #tpu.memory_space<vmem>>) offsets(%dma_start3A_211 : memref<64xi32, #tpu.memory_space<vmem>>) semaphore(%arg11 : memref<!tpu.dma_semaphore, #tpu.memory_space<semaphore_mem>>)
      %dma_wait3A = arith.constant 0 : i32
      %dma_wait3A_215 = arith.constant 0 : i32
      %dma_wait3A_216 = arith.constant 0 : i32
      %dma_wait3A_217 = tpu.memref_slice %arg9[%dma_wait3A, %dma_wait3A_215, %dma_wait3A_216] : memref<2x320x128xf32, #tpu.memory_space<vmem>> -> memref<1x320x128xf32, #tpu.memory_space<vmem>>
      %dma_wait3A_218 = tpu.memref_squeeze %dma_wait3A_217 : memref<1x320x128xf32, #tpu.memory_space<vmem>> -> memref<320x128xf32, #tpu.memory_space<vmem>>
      %dma_wait3A_219 = arith.constant 0 : i32
      %dma_wait3A_220 = arith.constant 0 : i32
      %dma_wait3A_221 = tpu.memref_slice %dma_wait3A_218[%dma_wait3A_219, %dma_wait3A_220] : memref<320x128xf32, #tpu.memory_space<vmem>> -> memref<64x128xf32, #tpu.memory_space<vmem>>
      %dma_wait3A_222 = arith.constant 0 : i32
      %dma_wait3A_223 = tpu.memref_slice %arg8[%add3A_37, %dma_wait3A_222] : memref<90x64xi32, #tpu.memory_space<vmem>> -> memref<1x64xi32, #tpu.memory_space<vmem>>
      %dma_wait3A_224 = tpu.memref_squeeze %dma_wait3A_223 : memref<1x64xi32, #tpu.memory_space<vmem>> -> memref<64xi32, #tpu.memory_space<vmem>>
      %dma_wait3A_225 = arith.constant 0 : i32
      %dma_wait3A_226 = arith.constant 0 : i32
      %dma_wait3A_227 = tpu.memref_slice %arg2[%dma_wait3A_225, %dma_wait3A_226] : memref<100000x128xf32, #tpu.memory_space<hbm>> -> memref<100000x128xf32, #tpu.memory_space<hbm>>
      tpu.wait_indirect_dma semaphore(%arg10 : memref<!tpu.dma_semaphore, #tpu.memory_space<semaphore_mem>>) src(%dma_wait3A_227 : memref<100000x128xf32, #tpu.memory_space<hbm>>) dst(%dma_wait3A_221 : memref<64x128xf32, #tpu.memory_space<vmem>>)
      %dma_wait3A_228 = arith.constant 0 : i32
      %dma_wait3A_229 = arith.constant 0 : i32
      %dma_wait3A_230 = arith.constant 0 : i32
      %dma_wait3A_231 = tpu.memref_slice %arg9[%dma_wait3A_228, %dma_wait3A_229, %dma_wait3A_230] : memref<2x320x128xf32, #tpu.memory_space<vmem>> -> memref<1x320x128xf32, #tpu.memory_space<vmem>>
      %dma_wait3A_232 = tpu.memref_squeeze %dma_wait3A_231 : memref<1x320x128xf32, #tpu.memory_space<vmem>> -> memref<320x128xf32, #tpu.memory_space<vmem>>
      %dma_wait3A_233 = arith.constant 64 : i32
      %dma_wait3A_234 = arith.constant 0 : i32
      %dma_wait3A_235 = tpu.memref_slice %dma_wait3A_232[%dma_wait3A_233, %dma_wait3A_234] : memref<320x128xf32, #tpu.memory_space<vmem>> -> memref<64x128xf32, #tpu.memory_space<vmem>>
      %dma_wait3A_236 = arith.constant 0 : i32
      %dma_wait3A_237 = tpu.memref_slice %arg8[%add3A_54, %dma_wait3A_236] : memref<90x64xi32, #tpu.memory_space<vmem>> -> memref<1x64xi32, #tpu.memory_space<vmem>>
      %dma_wait3A_238 = tpu.memref_squeeze %dma_wait3A_237 : memref<1x64xi32, #tpu.memory_space<vmem>> -> memref<64xi32, #tpu.memory_space<vmem>>
      %dma_wait3A_239 = arith.constant 0 : i32
      %dma_wait3A_240 = arith.constant 0 : i32
      %dma_wait3A_241 = tpu.memref_slice %arg2[%dma_wait3A_239, %dma_wait3A_240] : memref<100000x128xf32, #tpu.memory_space<hbm>> -> memref<100000x128xf32, #tpu.memory_space<hbm>>
      tpu.wait_indirect_dma semaphore(%arg10 : memref<!tpu.dma_semaphore, #tpu.memory_space<semaphore_mem>>) src(%dma_wait3A_241 : memref<100000x128xf32, #tpu.memory_space<hbm>>) dst(%dma_wait3A_235 : memref<64x128xf32, #tpu.memory_space<vmem>>)
      %dma_wait3A_242 = arith.constant 0 : i32
      %dma_wait3A_243 = arith.constant 0 : i32
      %dma_wait3A_244 = arith.constant 0 : i32
      %dma_wait3A_245 = tpu.memref_slice %arg9[%dma_wait3A_242, %dma_wait3A_243, %dma_wait3A_244] : memref<2x320x128xf32, #tpu.memory_space<vmem>> -> memref<1x320x128xf32, #tpu.memory_space<vmem>>
      %dma_wait3A_246 = tpu.memref_squeeze %dma_wait3A_245 : memref<1x320x128xf32, #tpu.memory_space<vmem>> -> memref<320x128xf32, #tpu.memory_space<vmem>>
      %dma_wait3A_247 = arith.constant 128 : i32
      %dma_wait3A_248 = arith.constant 0 : i32
      %dma_wait3A_249 = tpu.memref_slice %dma_wait3A_246[%dma_wait3A_247, %dma_wait3A_248] : memref<320x128xf32, #tpu.memory_space<vmem>> -> memref<64x128xf32, #tpu.memory_space<vmem>>
      %dma_wait3A_250 = arith.constant 0 : i32
      %dma_wait3A_251 = tpu.memref_slice %arg8[%add3A_72, %dma_wait3A_250] : memref<90x64xi32, #tpu.memory_space<vmem>> -> memref<1x64xi32, #tpu.memory_space<vmem>>
      %dma_wait3A_252 = tpu.memref_squeeze %dma_wait3A_251 : memref<1x64xi32, #tpu.memory_space<vmem>> -> memref<64xi32, #tpu.memory_space<vmem>>
      %dma_wait3A_253 = arith.constant 0 : i32
      %dma_wait3A_254 = arith.constant 0 : i32
      %dma_wait3A_255 = tpu.memref_slice %arg2[%dma_wait3A_253, %dma_wait3A_254] : memref<100000x128xf32, #tpu.memory_space<hbm>> -> memref<100000x128xf32, #tpu.memory_space<hbm>>
      tpu.wait_indirect_dma semaphore(%arg10 : memref<!tpu.dma_semaphore, #tpu.memory_space<semaphore_mem>>) src(%dma_wait3A_255 : memref<100000x128xf32, #tpu.memory_space<hbm>>) dst(%dma_wait3A_249 : memref<64x128xf32, #tpu.memory_space<vmem>>)
      %dma_wait3A_256 = arith.constant 0 : i32
      %dma_wait3A_257 = arith.constant 0 : i32
      %dma_wait3A_258 = arith.constant 0 : i32
      %dma_wait3A_259 = tpu.memref_slice %arg9[%dma_wait3A_256, %dma_wait3A_257, %dma_wait3A_258] : memref<2x320x128xf32, #tpu.memory_space<vmem>> -> memref<1x320x128xf32, #tpu.memory_space<vmem>>
      %dma_wait3A_260 = tpu.memref_squeeze %dma_wait3A_259 : memref<1x320x128xf32, #tpu.memory_space<vmem>> -> memref<320x128xf32, #tpu.memory_space<vmem>>
      %dma_wait3A_261 = arith.constant 192 : i32
      %dma_wait3A_262 = arith.constant 0 : i32
      %dma_wait3A_263 = tpu.memref_slice %dma_wait3A_260[%dma_wait3A_261, %dma_wait3A_262] : memref<320x128xf32, #tpu.memory_space<vmem>> -> memref<64x128xf32, #tpu.memory_space<vmem>>
      %dma_wait3A_264 = arith.constant 0 : i32
      %dma_wait3A_265 = tpu.memref_slice %arg8[%add3A_90, %dma_wait3A_264] : memref<90x64xi32, #tpu.memory_space<vmem>> -> memref<1x64xi32, #tpu.memory_space<vmem>>
      %dma_wait3A_266 = tpu.memref_squeeze %dma_wait3A_265 : memref<1x64xi32, #tpu.memory_space<vmem>> -> memref<64xi32, #tpu.memory_space<vmem>>
      %dma_wait3A_267 = arith.constant 0 : i32
      %dma_wait3A_268 = arith.constant 0 : i32
      %dma_wait3A_269 = tpu.memref_slice %arg2[%dma_wait3A_267, %dma_wait3A_268] : memref<100000x128xf32, #tpu.memory_space<hbm>> -> memref<100000x128xf32, #tpu.memory_space<hbm>>
      tpu.wait_indirect_dma semaphore(%arg10 : memref<!tpu.dma_semaphore, #tpu.memory_space<semaphore_mem>>) src(%dma_wait3A_269 : memref<100000x128xf32, #tpu.memory_space<hbm>>) dst(%dma_wait3A_263 : memref<64x128xf32, #tpu.memory_space<vmem>>)
      %dma_wait3A_270 = arith.constant 0 : i32
      %dma_wait3A_271 = arith.constant 0 : i32
      %dma_wait3A_272 = arith.constant 0 : i32
      %dma_wait3A_273 = tpu.memref_slice %arg9[%dma_wait3A_270, %dma_wait3A_271, %dma_wait3A_272] : memref<2x320x128xf32, #tpu.memory_space<vmem>> -> memref<1x320x128xf32, #tpu.memory_space<vmem>>
      %dma_wait3A_274 = tpu.memref_squeeze %dma_wait3A_273 : memref<1x320x128xf32, #tpu.memory_space<vmem>> -> memref<320x128xf32, #tpu.memory_space<vmem>>
      %dma_wait3A_275 = arith.constant 256 : i32
      %dma_wait3A_276 = arith.constant 0 : i32
      %dma_wait3A_277 = tpu.memref_slice %dma_wait3A_274[%dma_wait3A_275, %dma_wait3A_276] : memref<320x128xf32, #tpu.memory_space<vmem>> -> memref<64x128xf32, #tpu.memory_space<vmem>>
      %dma_wait3A_278 = arith.constant 0 : i32
      %dma_wait3A_279 = tpu.memref_slice %arg8[%add3A_108, %dma_wait3A_278] : memref<90x64xi32, #tpu.memory_space<vmem>> -> memref<1x64xi32, #tpu.memory_space<vmem>>
      %dma_wait3A_280 = tpu.memref_squeeze %dma_wait3A_279 : memref<1x64xi32, #tpu.memory_space<vmem>> -> memref<64xi32, #tpu.memory_space<vmem>>
      %dma_wait3A_281 = arith.constant 0 : i32
      %dma_wait3A_282 = arith.constant 0 : i32
      %dma_wait3A_283 = tpu.memref_slice %arg2[%dma_wait3A_281, %dma_wait3A_282] : memref<100000x128xf32, #tpu.memory_space<hbm>> -> memref<100000x128xf32, #tpu.memory_space<hbm>>
      tpu.wait_indirect_dma semaphore(%arg10 : memref<!tpu.dma_semaphore, #tpu.memory_space<semaphore_mem>>) src(%dma_wait3A_283 : memref<100000x128xf32, #tpu.memory_space<hbm>>) dst(%dma_wait3A_277 : memref<64x128xf32, #tpu.memory_space<vmem>>)
      %mul3A_284 = arith.constant 320 : i32
      %mul3A_285 = arith.muli %mul3A_33, %mul3A_284 : i32
      %add3A_286 = arith.addi %mul3A_11, %mul3A_285 : i32
      %run_scoped3A = arith.constant 0 : i32
      "tpu.region"() ({
        %run_scoped3A_363 = tpu.sem_alloc : memref<!tpu.dma_semaphore, #tpu.memory_space<semaphore_mem>>
        %dma_start3A_364 = arith.constant 0 : i32
        %dma_start3A_365 = arith.constant 0 : i32
        %dma_start3A_366 = tpu.memref_slice %arg9[%run_scoped3A, %dma_start3A_364, %dma_start3A_365] : memref<2x320x128xf32, #tpu.memory_space<vmem>> -> memref<1x320x128xf32, #tpu.memory_space<vmem>>
        %dma_start3A_367 = tpu.memref_squeeze %dma_start3A_366 : memref<1x320x128xf32, #tpu.memory_space<vmem>> -> memref<320x128xf32, #tpu.memory_space<vmem>>
        %dma_start3A_368 = arith.constant 0 : i32
        %dma_start3A_369 = tpu.memref_slice %arg6[%add3A_286, %dma_start3A_368] : memref<102400x128xf32, #tpu.memory_space<hbm>> -> memref<320x128xf32, #tpu.memory_space<hbm>>
        %dma_start3A_370 = arith.constant 0 : i32
        %dma_start3A_371 = tpu.memref_slice %arg6[%add3A_286, %dma_start3A_370] : memref<102400x128xf32, #tpu.memory_space<hbm>> -> memref<320x128xf32, #tpu.memory_space<hbm>>
        %dma_start3A_372 = arith.constant 0 : i32
        %dma_start3A_373 = arith.constant 0 : i32
        %dma_start3A_374 = tpu.memref_slice %arg9[%run_scoped3A, %dma_start3A_372, %dma_start3A_373] : memref<2x320x128xf32, #tpu.memory_space<vmem>> -> memref<1x320x128xf32, #tpu.memory_space<vmem>>
        %dma_start3A_375 = tpu.memref_squeeze %dma_start3A_374 : memref<1x320x128xf32, #tpu.memory_space<vmem>> -> memref<320x128xf32, #tpu.memory_space<vmem>>
        tpu.enqueue_dma source(%dma_start3A_375 : memref<320x128xf32, #tpu.memory_space<vmem>>) target(%dma_start3A_371 : memref<320x128xf32, #tpu.memory_space<hbm>>) target_semaphore(%run_scoped3A_363 : memref<!tpu.dma_semaphore, #tpu.memory_space<semaphore_mem>>)
        %dma_wait3A_376 = arith.constant 0 : i32
        %dma_wait3A_377 = arith.constant 0 : i32
        %dma_wait3A_378 = tpu.memref_slice %arg9[%run_scoped3A, %dma_wait3A_376, %dma_wait3A_377] : memref<2x320x128xf32, #tpu.memory_space<vmem>> -> memref<1x320x128xf32, #tpu.memory_space<vmem>>
        %dma_wait3A_379 = tpu.memref_squeeze %dma_wait3A_378 : memref<1x320x128xf32, #tpu.memory_space<vmem>> -> memref<320x128xf32, #tpu.memory_space<vmem>>
        %dma_wait3A_380 = arith.constant 0 : i32
        %dma_wait3A_381 = tpu.memref_slice %arg6[%add3A_286, %dma_wait3A_380] : memref<102400x128xf32, #tpu.memory_space<hbm>> -> memref<320x128xf32, #tpu.memory_space<hbm>>
        %dma_wait3A_382 = arith.constant 0 : i32
        %dma_wait3A_383 = tpu.memref_slice %arg6[%add3A_286, %dma_wait3A_382] : memref<102400x128xf32, #tpu.memory_space<hbm>> -> memref<320x128xf32, #tpu.memory_space<hbm>>
        %dma_wait3A_384 = arith.constant 0 : i32
        %dma_wait3A_385 = arith.constant 0 : i32
        %dma_wait3A_386 = tpu.memref_slice %arg9[%run_scoped3A, %dma_wait3A_384, %dma_wait3A_385] : memref<2x320x128xf32, #tpu.memory_space<vmem>> -> memref<1x320x128xf32, #tpu.memory_space<vmem>>
        %dma_wait3A_387 = tpu.memref_squeeze %dma_wait3A_386 : memref<1x320x128xf32, #tpu.memory_space<vmem>> -> memref<320x128xf32, #tpu.memory_space<vmem>>
        tpu.wait_dma2 semaphore(%run_scoped3A_363 : memref<!tpu.dma_semaphore, #tpu.memory_space<semaphore_mem>>) src(%dma_wait3A_387 : memref<320x128xf32, #tpu.memory_space<vmem>>) dst(%dma_wait3A_383 : memref<320x128xf32, #tpu.memory_space<hbm>>)
        tpu.yield
      }) : () -> ()
      %dma_wait3A_287 = arith.constant 1 : i32
      %dma_wait3A_288 = arith.constant 0 : i32
      %dma_wait3A_289 = arith.constant 0 : i32
      %dma_wait3A_290 = tpu.memref_slice %arg9[%dma_wait3A_287, %dma_wait3A_288, %dma_wait3A_289] : memref<2x320x128xf32, #tpu.memory_space<vmem>> -> memref<1x320x128xf32, #tpu.memory_space<vmem>>
      %dma_wait3A_291 = tpu.memref_squeeze %dma_wait3A_290 : memref<1x320x128xf32, #tpu.memory_space<vmem>> -> memref<320x128xf32, #tpu.memory_space<vmem>>
      %dma_wait3A_292 = arith.constant 0 : i32
      %dma_wait3A_293 = arith.constant 0 : i32
      %dma_wait3A_294 = tpu.memref_slice %dma_wait3A_291[%dma_wait3A_292, %dma_wait3A_293] : memref<320x128xf32, #tpu.memory_space<vmem>> -> memref<64x128xf32, #tpu.memory_space<vmem>>
      %dma_wait3A_295 = arith.constant 0 : i32
      %dma_wait3A_296 = tpu.memref_slice %arg8[%add3A_128, %dma_wait3A_295] : memref<90x64xi32, #tpu.memory_space<vmem>> -> memref<1x64xi32, #tpu.memory_space<vmem>>
      %dma_wait3A_297 = tpu.memref_squeeze %dma_wait3A_296 : memref<1x64xi32, #tpu.memory_space<vmem>> -> memref<64xi32, #tpu.memory_space<vmem>>
      %dma_wait3A_298 = arith.constant 0 : i32
      %dma_wait3A_299 = arith.constant 0 : i32
      %dma_wait3A_300 = tpu.memref_slice %arg2[%dma_wait3A_298, %dma_wait3A_299] : memref<100000x128xf32, #tpu.memory_space<hbm>> -> memref<100000x128xf32, #tpu.memory_space<hbm>>
      tpu.wait_indirect_dma semaphore(%arg11 : memref<!tpu.dma_semaphore, #tpu.memory_space<semaphore_mem>>) src(%dma_wait3A_300 : memref<100000x128xf32, #tpu.memory_space<hbm>>) dst(%dma_wait3A_294 : memref<64x128xf32, #tpu.memory_space<vmem>>)
      %dma_wait3A_301 = arith.constant 1 : i32
      %dma_wait3A_302 = arith.constant 0 : i32
      %dma_wait3A_303 = arith.constant 0 : i32
      %dma_wait3A_304 = tpu.memref_slice %arg9[%dma_wait3A_301, %dma_wait3A_302, %dma_wait3A_303] : memref<2x320x128xf32, #tpu.memory_space<vmem>> -> memref<1x320x128xf32, #tpu.memory_space<vmem>>
      %dma_wait3A_305 = tpu.memref_squeeze %dma_wait3A_304 : memref<1x320x128xf32, #tpu.memory_space<vmem>> -> memref<320x128xf32, #tpu.memory_space<vmem>>
      %dma_wait3A_306 = arith.constant 64 : i32
      %dma_wait3A_307 = arith.constant 0 : i32
      %dma_wait3A_308 = tpu.memref_slice %dma_wait3A_305[%dma_wait3A_306, %dma_wait3A_307] : memref<320x128xf32, #tpu.memory_space<vmem>> -> memref<64x128xf32, #tpu.memory_space<vmem>>
      %dma_wait3A_309 = arith.constant 0 : i32
      %dma_wait3A_310 = tpu.memref_slice %arg8[%add3A_146, %dma_wait3A_309] : memref<90x64xi32, #tpu.memory_space<vmem>> -> memref<1x64xi32, #tpu.memory_space<vmem>>
      %dma_wait3A_311 = tpu.memref_squeeze %dma_wait3A_310 : memref<1x64xi32, #tpu.memory_space<vmem>> -> memref<64xi32, #tpu.memory_space<vmem>>
      %dma_wait3A_312 = arith.constant 0 : i32
      %dma_wait3A_313 = arith.constant 0 : i32
      %dma_wait3A_314 = tpu.memref_slice %arg2[%dma_wait3A_312, %dma_wait3A_313] : memref<100000x128xf32, #tpu.memory_space<hbm>> -> memref<100000x128xf32, #tpu.memory_space<hbm>>
      tpu.wait_indirect_dma semaphore(%arg11 : memref<!tpu.dma_semaphore, #tpu.memory_space<semaphore_mem>>) src(%dma_wait3A_314 : memref<100000x128xf32, #tpu.memory_space<hbm>>) dst(%dma_wait3A_308 : memref<64x128xf32, #tpu.memory_space<vmem>>)
      %dma_wait3A_315 = arith.constant 1 : i32
      %dma_wait3A_316 = arith.constant 0 : i32
      %dma_wait3A_317 = arith.constant 0 : i32
      %dma_wait3A_318 = tpu.memref_slice %arg9[%dma_wait3A_315, %dma_wait3A_316, %dma_wait3A_317] : memref<2x320x128xf32, #tpu.memory_space<vmem>> -> memref<1x320x128xf32, #tpu.memory_space<vmem>>
      %dma_wait3A_319 = tpu.memref_squeeze %dma_wait3A_318 : memref<1x320x128xf32, #tpu.memory_space<vmem>> -> memref<320x128xf32, #tpu.memory_space<vmem>>
      %dma_wait3A_320 = arith.constant 128 : i32
      %dma_wait3A_321 = arith.constant 0 : i32
      %dma_wait3A_322 = tpu.memref_slice %dma_wait3A_319[%dma_wait3A_320, %dma_wait3A_321] : memref<320x128xf32, #tpu.memory_space<vmem>> -> memref<64x128xf32, #tpu.memory_space<vmem>>
      %dma_wait3A_323 = arith.constant 0 : i32
      %dma_wait3A_324 = tpu.memref_slice %arg8[%add3A_164, %dma_wait3A_323] : memref<90x64xi32, #tpu.memory_space<vmem>> -> memref<1x64xi32, #tpu.memory_space<vmem>>
      %dma_wait3A_325 = tpu.memref_squeeze %dma_wait3A_324 : memref<1x64xi32, #tpu.memory_space<vmem>> -> memref<64xi32, #tpu.memory_space<vmem>>
      %dma_wait3A_326 = arith.constant 0 : i32
      %dma_wait3A_327 = arith.constant 0 : i32
      %dma_wait3A_328 = tpu.memref_slice %arg2[%dma_wait3A_326, %dma_wait3A_327] : memref<100000x128xf32, #tpu.memory_space<hbm>> -> memref<100000x128xf32, #tpu.memory_space<hbm>>
      tpu.wait_indirect_dma semaphore(%arg11 : memref<!tpu.dma_semaphore, #tpu.memory_space<semaphore_mem>>) src(%dma_wait3A_328 : memref<100000x128xf32, #tpu.memory_space<hbm>>) dst(%dma_wait3A_322 : memref<64x128xf32, #tpu.memory_space<vmem>>)
      %dma_wait3A_329 = arith.constant 1 : i32
      %dma_wait3A_330 = arith.constant 0 : i32
      %dma_wait3A_331 = arith.constant 0 : i32
      %dma_wait3A_332 = tpu.memref_slice %arg9[%dma_wait3A_329, %dma_wait3A_330, %dma_wait3A_331] : memref<2x320x128xf32, #tpu.memory_space<vmem>> -> memref<1x320x128xf32, #tpu.memory_space<vmem>>
      %dma_wait3A_333 = tpu.memref_squeeze %dma_wait3A_332 : memref<1x320x128xf32, #tpu.memory_space<vmem>> -> memref<320x128xf32, #tpu.memory_space<vmem>>
      %dma_wait3A_334 = arith.constant 192 : i32
      %dma_wait3A_335 = arith.constant 0 : i32
      %dma_wait3A_336 = tpu.memref_slice %dma_wait3A_333[%dma_wait3A_334, %dma_wait3A_335] : memref<320x128xf32, #tpu.memory_space<vmem>> -> memref<64x128xf32, #tpu.memory_space<vmem>>
      %dma_wait3A_337 = arith.constant 0 : i32
      %dma_wait3A_338 = tpu.memref_slice %arg8[%add3A_182, %dma_wait3A_337] : memref<90x64xi32, #tpu.memory_space<vmem>> -> memref<1x64xi32, #tpu.memory_space<vmem>>
      %dma_wait3A_339 = tpu.memref_squeeze %dma_wait3A_338 : memref<1x64xi32, #tpu.memory_space<vmem>> -> memref<64xi32, #tpu.memory_space<vmem>>
      %dma_wait3A_340 = arith.constant 0 : i32
      %dma_wait3A_341 = arith.constant 0 : i32
      %dma_wait3A_342 = tpu.memref_slice %arg2[%dma_wait3A_340, %dma_wait3A_341] : memref<100000x128xf32, #tpu.memory_space<hbm>> -> memref<100000x128xf32, #tpu.memory_space<hbm>>
      tpu.wait_indirect_dma semaphore(%arg11 : memref<!tpu.dma_semaphore, #tpu.memory_space<semaphore_mem>>) src(%dma_wait3A_342 : memref<100000x128xf32, #tpu.memory_space<hbm>>) dst(%dma_wait3A_336 : memref<64x128xf32, #tpu.memory_space<vmem>>)
      %dma_wait3A_343 = arith.constant 1 : i32
      %dma_wait3A_344 = arith.constant 0 : i32
      %dma_wait3A_345 = arith.constant 0 : i32
      %dma_wait3A_346 = tpu.memref_slice %arg9[%dma_wait3A_343, %dma_wait3A_344, %dma_wait3A_345] : memref<2x320x128xf32, #tpu.memory_space<vmem>> -> memref<1x320x128xf32, #tpu.memory_space<vmem>>
      %dma_wait3A_347 = tpu.memref_squeeze %dma_wait3A_346 : memref<1x320x128xf32, #tpu.memory_space<vmem>> -> memref<320x128xf32, #tpu.memory_space<vmem>>
      %dma_wait3A_348 = arith.constant 256 : i32
      %dma_wait3A_349 = arith.constant 0 : i32
      %dma_wait3A_350 = tpu.memref_slice %dma_wait3A_347[%dma_wait3A_348, %dma_wait3A_349] : memref<320x128xf32, #tpu.memory_space<vmem>> -> memref<64x128xf32, #tpu.memory_space<vmem>>
      %dma_wait3A_351 = arith.constant 0 : i32
      %dma_wait3A_352 = tpu.memref_slice %arg8[%add3A_200, %dma_wait3A_351] : memref<90x64xi32, #tpu.memory_space<vmem>> -> memref<1x64xi32, #tpu.memory_space<vmem>>
      %dma_wait3A_353 = tpu.memref_squeeze %dma_wait3A_352 : memref<1x64xi32, #tpu.memory_space<vmem>> -> memref<64xi32, #tpu.memory_space<vmem>>
      %dma_wait3A_354 = arith.constant 0 : i32
      %dma_wait3A_355 = arith.constant 0 : i32
      %dma_wait3A_356 = tpu.memref_slice %arg2[%dma_wait3A_354, %dma_wait3A_355] : memref<100000x128xf32, #tpu.memory_space<hbm>> -> memref<100000x128xf32, #tpu.memory_space<hbm>>
      tpu.wait_indirect_dma semaphore(%arg11 : memref<!tpu.dma_semaphore, #tpu.memory_space<semaphore_mem>>) src(%dma_wait3A_356 : memref<100000x128xf32, #tpu.memory_space<hbm>>) dst(%dma_wait3A_350 : memref<64x128xf32, #tpu.memory_space<vmem>>)
      %add3A_357 = arith.constant 1 : i32
      %add3A_358 = arith.addi %mul3A_33, %add3A_357 : i32
      %mul3A_359 = arith.constant 320 : i32
      %mul3A_360 = arith.muli %add3A_358, %mul3A_359 : i32
      %add3A_361 = arith.addi %mul3A_11, %mul3A_360 : i32
      %run_scoped3A_362 = arith.constant 1 : i32
      "tpu.region"() ({
        %run_scoped3A_363 = tpu.sem_alloc : memref<!tpu.dma_semaphore, #tpu.memory_space<semaphore_mem>>
        %dma_start3A_364 = arith.constant 0 : i32
        %dma_start3A_365 = arith.constant 0 : i32
        %dma_start3A_366 = tpu.memref_slice %arg9[%run_scoped3A_362, %dma_start3A_364, %dma_start3A_365] : memref<2x320x128xf32, #tpu.memory_space<vmem>> -> memref<1x320x128xf32, #tpu.memory_space<vmem>>
        %dma_start3A_367 = tpu.memref_squeeze %dma_start3A_366 : memref<1x320x128xf32, #tpu.memory_space<vmem>> -> memref<320x128xf32, #tpu.memory_space<vmem>>
        %dma_start3A_368 = arith.constant 0 : i32
        %dma_start3A_369 = tpu.memref_slice %arg6[%add3A_361, %dma_start3A_368] : memref<102400x128xf32, #tpu.memory_space<hbm>> -> memref<320x128xf32, #tpu.memory_space<hbm>>
        %dma_start3A_370 = arith.constant 0 : i32
        %dma_start3A_371 = tpu.memref_slice %arg6[%add3A_361, %dma_start3A_370] : memref<102400x128xf32, #tpu.memory_space<hbm>> -> memref<320x128xf32, #tpu.memory_space<hbm>>
        %dma_start3A_372 = arith.constant 0 : i32
        %dma_start3A_373 = arith.constant 0 : i32
        %dma_start3A_374 = tpu.memref_slice %arg9[%run_scoped3A_362, %dma_start3A_372, %dma_start3A_373] : memref<2x320x128xf32, #tpu.memory_space<vmem>> -> memref<1x320x128xf32, #tpu.memory_space<vmem>>
        %dma_start3A_375 = tpu.memref_squeeze %dma_start3A_374 : memref<1x320x128xf32, #tpu.memory_space<vmem>> -> memref<320x128xf32, #tpu.memory_space<vmem>>
        tpu.enqueue_dma source(%dma_start3A_375 : memref<320x128xf32, #tpu.memory_space<vmem>>) target(%dma_start3A_371 : memref<320x128xf32, #tpu.memory_space<hbm>>) target_semaphore(%run_scoped3A_363 : memref<!tpu.dma_semaphore, #tpu.memory_space<semaphore_mem>>)
        %dma_wait3A_376 = arith.constant 0 : i32
        %dma_wait3A_377 = arith.constant 0 : i32
        %dma_wait3A_378 = tpu.memref_slice %arg9[%run_scoped3A_362, %dma_wait3A_376, %dma_wait3A_377] : memref<2x320x128xf32, #tpu.memory_space<vmem>> -> memref<1x320x128xf32, #tpu.memory_space<vmem>>
        %dma_wait3A_379 = tpu.memref_squeeze %dma_wait3A_378 : memref<1x320x128xf32, #tpu.memory_space<vmem>> -> memref<320x128xf32, #tpu.memory_space<vmem>>
        %dma_wait3A_380 = arith.constant 0 : i32
        %dma_wait3A_381 = tpu.memref_slice %arg6[%add3A_361, %dma_wait3A_380] : memref<102400x128xf32, #tpu.memory_space<hbm>> -> memref<320x128xf32, #tpu.memory_space<hbm>>
        %dma_wait3A_382 = arith.constant 0 : i32
        %dma_wait3A_383 = tpu.memref_slice %arg6[%add3A_361, %dma_wait3A_382] : memref<102400x128xf32, #tpu.memory_space<hbm>> -> memref<320x128xf32, #tpu.memory_space<hbm>>
        %dma_wait3A_384 = arith.constant 0 : i32
        %dma_wait3A_385 = arith.constant 0 : i32
        %dma_wait3A_386 = tpu.memref_slice %arg9[%run_scoped3A_362, %dma_wait3A_384, %dma_wait3A_385] : memref<2x320x128xf32, #tpu.memory_space<vmem>> -> memref<1x320x128xf32, #tpu.memory_space<vmem>>
        %dma_wait3A_387 = tpu.memref_squeeze %dma_wait3A_386 : memref<1x320x128xf32, #tpu.memory_space<vmem>> -> memref<320x128xf32, #tpu.memory_space<vmem>>
        tpu.wait_dma2 semaphore(%run_scoped3A_363 : memref<!tpu.dma_semaphore, #tpu.memory_space<semaphore_mem>>) src(%dma_wait3A_387 : memref<320x128xf32, #tpu.memory_space<vmem>>) dst(%dma_wait3A_383 : memref<320x128xf32, #tpu.memory_space<hbm>>)
        tpu.yield
      }) : () -> ()
    }
    return
  }
}

module attributes {stable_mosaic.version = 14 : i64} {
  func.func @_pack_body(%arg0: i32, %arg1: memref<2000x128xf32, #tpu.memory_space<vmem>>, %arg2: memref<2000x128xf32, #tpu.memory_space<vmem>>, %arg3: memref<2000x128xf32, #tpu.memory_space<vmem>>) attributes {dimension_semantics = [#tpu.dimension_semantics<arbitrary>], iteration_bounds = array<i64: 50>, scalar_prefetch = 0 : i64, scratch_operands = 0 : i64, tpu.core_type = #tpu.core_type<tc>, window_params = [{transform_indices = @transform_0, window_bounds = array<i64: 2000, 128>}, {transform_indices = @transform_1, window_bounds = array<i64: 2000, 128>}, {transform_indices = @transform_2, window_bounds = array<i64: 2000, 128>}]} {
    %get3A = arith.constant 0 : index
    %get3A_0 = arith.constant 0 : index
    %get3A_1 = vector.load %arg1[%get3A, %get3A_0] : memref<2000x128xf32, #tpu.memory_space<vmem>>, vector<2000x128xf32>
    %convert_element_type3A = arith.truncf %get3A_1 : vector<2000x128xf32> to vector<2000x128xbf16>
    %get3A_2 = arith.constant 0 : index
    %get3A_3 = arith.constant 0 : index
    %get3A_4 = vector.load %arg2[%get3A_2, %get3A_3] : memref<2000x128xf32, #tpu.memory_space<vmem>>, vector<2000x128xf32>
    %convert_element_type3A_5 = arith.truncf %get3A_4 : vector<2000x128xf32> to vector<2000x128xbf16>
    %bitcast_convert_type3A = tpu.bitcast %convert_element_type3A : vector<2000x128xbf16> -> vector<2000x128xi16>
    %convert_element_type3A_6 = arith.extui %bitcast_convert_type3A : vector<2000x128xi16> to vector<2000x128xi32>
    %bitcast_convert_type3A_7 = tpu.bitcast %convert_element_type3A_5 : vector<2000x128xbf16> -> vector<2000x128xi16>
    %convert_element_type3A_8 = arith.extui %bitcast_convert_type3A_7 : vector<2000x128xi16> to vector<2000x128xi32>
    %shift_left3A = arith.constant 16 : i32
    %shift_left3A_9 = vector.broadcast %shift_left3A : i32 to vector<2000x128xi32>
    %shift_left3A_10 = arith.shli %convert_element_type3A_8, %shift_left3A_9 : vector<2000x128xi32>
    %or3A = arith.ori %convert_element_type3A_6, %shift_left3A_10 : vector<2000x128xi32>
    %bitcast_convert_type3A_11 = tpu.bitcast %or3A : vector<2000x128xi32> -> vector<2000x128xf32>
    %swap3A = arith.constant 0 : index
    %swap3A_12 = arith.constant 0 : index
    %swap3A_13 = vector.load %arg3[%swap3A, %swap3A_12] : memref<2000x128xf32, #tpu.memory_space<vmem>>, vector<2000x128xf32>
    tpu.vector_store %arg3[%swap3A, %swap3A_12], %bitcast_convert_type3A_11 {strides = array<i32>} : memref<2000x128xf32, #tpu.memory_space<vmem>>, vector<2000x128xf32>,
    return
  }
  func.func @transform_0(%arg0: i32) -> (i32, i32) {
    %c0_i32 = arith.constant 0 : i32
    %c0_i32_0 = arith.constant 0 : i32
    return %arg0, %c0_i32 : i32, i32
  }
  func.func @transform_1(%arg0: i32) -> (i32, i32) {
    %c0_i32 = arith.constant 0 : i32
    %c0_i32_0 = arith.constant 0 : i32
    return %arg0, %c0_i32 : i32, i32
  }
  func.func @transform_2(%arg0: i32) -> (i32, i32) {
    %c0_i32 = arith.constant 0 : i32
    %c0_i32_0 = arith.constant 0 : i32
    return %arg0, %c0_i32 : i32, i32
  }
}

module attributes {stable_mosaic.version = 14 : i64} {
  func.func @_tc_body(%arg0: i32, %arg1: memref<1000x128xbf16, #tpu.memory_space<vmem>>, %arg2: memref<1000x128xf32, #tpu.memory_space<vmem>>, %arg3: memref<1000x128xf32, #tpu.memory_space<vmem>>, %arg4: memref<128x384xbf16, #tpu.memory_space<vmem>>, %arg5: memref<128x640xbf16, #tpu.memory_space<vmem>>, %arg6: memref<128x640xbf16, #tpu.memory_space<vmem>>, %arg7: memref<1x384xf32, #tpu.memory_space<vmem>>, %arg8: memref<1x256xf32, #tpu.memory_space<vmem>>, %arg9: memref<1000x128xf32, #tpu.memory_space<vmem>>, %arg10: memref<1000x128xf32, #tpu.memory_space<vmem>>) attributes {dimension_semantics = [#tpu.dimension_semantics<arbitrary>], iteration_bounds = array<i64: 100>, scalar_prefetch = 0 : i64, scratch_operands = 0 : i64, tpu.core_type = #tpu.core_type<tc>, window_params = [{transform_indices = @transform_0, window_bounds = array<i64: 1000, 128>}, {transform_indices = @transform_1, window_bounds = array<i64: 1000, 128>}, {transform_indices = @transform_2, window_bounds = array<i64: 1000, 128>}, {pipeline_mode = #tpu.pipeline_mode<synchronous>, transform_indices = @transform_3, window_bounds = array<i64: 128, 384>}, {pipeline_mode = #tpu.pipeline_mode<synchronous>, transform_indices = @transform_4, window_bounds = array<i64: 128, 640>}, {pipeline_mode = #tpu.pipeline_mode<synchronous>, transform_indices = @transform_5, window_bounds = array<i64: 128, 640>}, {pipeline_mode = #tpu.pipeline_mode<synchronous>, transform_indices = @transform_6, window_bounds = array<i64: 1, 384>}, {pipeline_mode = #tpu.pipeline_mode<synchronous>, transform_indices = @transform_7, window_bounds = array<i64: 1, 256>}, {transform_indices = @transform_8, window_bounds = array<i64: 1000, 128>}, {transform_indices = @transform_9, window_bounds = array<i64: 1000, 128>}]} {
    %get3A = arith.constant 0 : index
    %get3A_0 = arith.constant 0 : index
    %get3A_1 = vector.load %arg2[%get3A, %get3A_0] : memref<1000x128xf32, #tpu.memory_space<vmem>>, vector<1000x128xf32>
    %bitcast_convert_type3A = tpu.bitcast %get3A_1 : vector<1000x128xf32> -> vector<1000x128xi32>
    %get3A_2 = arith.constant 0 : index
    %get3A_3 = arith.constant 0 : index
    %get3A_4 = vector.load %arg3[%get3A_2, %get3A_3] : memref<1000x128xf32, #tpu.memory_space<vmem>>, vector<1000x128xf32>
    %bitcast_convert_type3A_5 = tpu.bitcast %get3A_4 : vector<1000x128xf32> -> vector<1000x128xi32>
    %shift_left3A = arith.constant 16 : i32
    %shift_left3A_6 = vector.broadcast %shift_left3A : i32 to vector<1000x128xi32>
    %shift_left3A_7 = arith.shli %bitcast_convert_type3A, %shift_left3A_6 : vector<1000x128xi32>
    %bitcast_convert_type3A_8 = tpu.bitcast %shift_left3A_7 : vector<1000x128xi32> -> vector<1000x128xf32>
    %convert_element_type3A = arith.truncf %bitcast_convert_type3A_8 : vector<1000x128xf32> to vector<1000x128xbf16>
    %and3A = arith.constant -65536 : i32
    %and3A_9 = vector.broadcast %and3A : i32 to vector<1000x128xi32>
    %and3A_10 = arith.andi %bitcast_convert_type3A, %and3A_9 : vector<1000x128xi32>
    %bitcast_convert_type3A_11 = tpu.bitcast %and3A_10 : vector<1000x128xi32> -> vector<1000x128xf32>
    %shift_left3A_12 = arith.constant 16 : i32
    %shift_left3A_13 = vector.broadcast %shift_left3A_12 : i32 to vector<1000x128xi32>
    %shift_left3A_14 = arith.shli %bitcast_convert_type3A_5, %shift_left3A_13 : vector<1000x128xi32>
    %bitcast_convert_type3A_15 = tpu.bitcast %shift_left3A_14 : vector<1000x128xi32> -> vector<1000x128xf32>
    %convert_element_type3A_16 = arith.truncf %bitcast_convert_type3A_15 : vector<1000x128xf32> to vector<1000x128xbf16>
    %and3A_17 = arith.constant -65536 : i32
    %and3A_18 = vector.broadcast %and3A_17 : i32 to vector<1000x128xi32>
    %and3A_19 = arith.andi %bitcast_convert_type3A_5, %and3A_18 : vector<1000x128xi32>
    %bitcast_convert_type3A_20 = tpu.bitcast %and3A_19 : vector<1000x128xi32> -> vector<1000x128xf32>
    %get3A_21 = arith.constant 0 : index
    %get3A_22 = arith.constant 0 : index
    %get3A_23 = vector.load %arg5[%get3A_21, %get3A_22] : memref<128x640xbf16, #tpu.memory_space<vmem>>, vector<128x640xbf16>
    %dot_general3A = arith.constant dense<0.000000e+00> : vector<1000x640xf32>
    %dot_general3A_24 = tpu.matmul %convert_element_type3A, %get3A_23, %dot_general3A {dimension_numbers = #tpu.dot_dimension_numbers<[1], [0], [0], [1], [0, 0, 1, 1], [], []>, transpose_lhs_hint = false} : vector<1000x128xbf16>, vector<128x640xbf16>, vector<1000x640xf32> -> vector<1000x640xf32>
    %get3A_25 = arith.constant 0 : index
    %get3A_26 = arith.constant 0 : index
    %get3A_27 = vector.load %arg6[%get3A_25, %get3A_26] : memref<128x640xbf16, #tpu.memory_space<vmem>>, vector<128x640xbf16>
    %dot_general3A_28 = arith.constant dense<0.000000e+00> : vector<1000x640xf32>
    %dot_general3A_29 = tpu.matmul %convert_element_type3A_16, %get3A_27, %dot_general3A_28 {dimension_numbers = #tpu.dot_dimension_numbers<[1], [0], [0], [1], [0, 0, 1, 1], [], []>, transpose_lhs_hint = false} : vector<1000x128xbf16>, vector<128x640xbf16>, vector<1000x640xf32> -> vector<1000x640xf32>
    %add3A = arith.addf %dot_general3A_24, %dot_general3A_29 : vector<1000x640xf32>
    %get3A_30 = arith.constant 0 : index
    %get3A_31 = arith.constant 0 : index
    %get3A_32 = vector.load %arg1[%get3A_30, %get3A_31] : memref<1000x128xbf16, #tpu.memory_space<vmem>>, vector<1000x128xbf16>
    %get3A_33 = arith.constant 0 : index
    %get3A_34 = arith.constant 0 : index
    %get3A_35 = vector.load %arg4[%get3A_33, %get3A_34] : memref<128x384xbf16, #tpu.memory_space<vmem>>, vector<128x384xbf16>
    %dot_general3A_36 = arith.constant dense<0.000000e+00> : vector<1000x384xf32>
    %dot_general3A_37 = tpu.matmul %get3A_32, %get3A_35, %dot_general3A_36 {dimension_numbers = #tpu.dot_dimension_numbers<[1], [0], [0], [1], [0, 0, 1, 1], [], []>, transpose_lhs_hint = false} : vector<1000x128xbf16>, vector<128x384xbf16>, vector<1000x384xf32> -> vector<1000x384xf32>
    %slice3A = vector.extract_strided_slice %add3A {offsets = [0, 0], sizes = [1000, 384], strides = [1, 1]} : vector<1000x640xf32> to vector<1000x384xf32>
    %add3A_38 = arith.addf %dot_general3A_37, %slice3A : vector<1000x384xf32>
    %get3A_39 = arith.constant 0 : index
    %get3A_40 = arith.constant 0 : index
    %get3A_41 = vector.load %arg7[%get3A_39, %get3A_40] : memref<1x384xf32, #tpu.memory_space<vmem>>, vector<1x384xf32>
    %add3A_42 = vector.broadcast %get3A_41 : vector<1x384xf32> to vector<1000x384xf32>
    %add3A_43 = arith.addf %add3A_38, %add3A_42 : vector<1000x384xf32>
    %slice3A_44 = vector.extract_strided_slice %add3A {offsets = [0, 384], sizes = [1000, 256], strides = [1, 1]} : vector<1000x640xf32> to vector<1000x256xf32>
    %get3A_45 = arith.constant 0 : index
    %get3A_46 = arith.constant 0 : index
    %get3A_47 = vector.load %arg8[%get3A_45, %get3A_46] : memref<1x256xf32, #tpu.memory_space<vmem>>, vector<1x256xf32>
    %add3A_48 = vector.broadcast %get3A_47 : vector<1x256xf32> to vector<1000x256xf32>
    %add3A_49 = arith.addf %slice3A_44, %add3A_48 : vector<1000x256xf32>
    %mul3A = arith.constant 5.000000e-01 : f32
    %mul3A_50 = vector.broadcast %mul3A : f32 to vector<1000x256xf32>
    %mul3A_51 = arith.mulf %mul3A_50, %add3A_49 : vector<1000x256xf32>
    %tanh3A = math.tanh %mul3A_51 : vector<1000x256xf32>
    %mul3A_52 = arith.constant 5.000000e-01 : f32
    %mul3A_53 = vector.broadcast %mul3A_52 : f32 to vector<1000x256xf32>
    %mul3A_54 = arith.mulf %mul3A_53, %tanh3A : vector<1000x256xf32>
    %add3A_55 = arith.constant 5.000000e-01 : f32
    %add3A_56 = vector.broadcast %add3A_55 : f32 to vector<1000x256xf32>
    %add3A_57 = arith.addf %add3A_56, %mul3A_54 : vector<1000x256xf32>
    %slice3A_58 = vector.extract_strided_slice %add3A_57 {offsets = [0, 0], sizes = [1000, 128], strides = [1, 1]} : vector<1000x256xf32> to vector<1000x128xf32>
    %mul3A_59 = arith.mulf %slice3A_58, %bitcast_convert_type3A_11 : vector<1000x128xf32>
    %slice3A_60 = vector.extract_strided_slice %add3A_57 {offsets = [0, 128], sizes = [1000, 128], strides = [1, 1]} : vector<1000x256xf32> to vector<1000x128xf32>
    %mul3A_61 = arith.mulf %slice3A_60, %bitcast_convert_type3A_20 : vector<1000x128xf32>
    %add3A_62 = arith.addf %mul3A_59, %mul3A_61 : vector<1000x128xf32>
    %slice3A_63 = vector.extract_strided_slice %add3A_43 {offsets = [0, 0], sizes = [1000, 128], strides = [1, 1]} : vector<1000x384xf32> to vector<1000x128xf32>
    %mul3A_64 = arith.constant 5.000000e-01 : f32
    %mul3A_65 = vector.broadcast %mul3A_64 : f32 to vector<1000x128xf32>
    %mul3A_66 = arith.mulf %mul3A_65, %slice3A_63 : vector<1000x128xf32>
    %tanh3A_67 = math.tanh %mul3A_66 : vector<1000x128xf32>
    %mul3A_68 = arith.constant 5.000000e-01 : f32
    %mul3A_69 = vector.broadcast %mul3A_68 : f32 to vector<1000x128xf32>
    %mul3A_70 = arith.mulf %mul3A_69, %tanh3A_67 : vector<1000x128xf32>
    %add3A_71 = arith.constant 5.000000e-01 : f32
    %add3A_72 = vector.broadcast %add3A_71 : f32 to vector<1000x128xf32>
    %add3A_73 = arith.addf %add3A_72, %mul3A_70 : vector<1000x128xf32>
    %slice3A_74 = vector.extract_strided_slice %add3A_43 {offsets = [0, 128], sizes = [1000, 128], strides = [1, 1]} : vector<1000x384xf32> to vector<1000x128xf32>
    %mul3A_75 = arith.constant 5.000000e-01 : f32
    %mul3A_76 = vector.broadcast %mul3A_75 : f32 to vector<1000x128xf32>
    %mul3A_77 = arith.mulf %mul3A_76, %slice3A_74 : vector<1000x128xf32>
    %tanh3A_78 = math.tanh %mul3A_77 : vector<1000x128xf32>
    %mul3A_79 = arith.constant 5.000000e-01 : f32
    %mul3A_80 = vector.broadcast %mul3A_79 : f32 to vector<1000x128xf32>
    %mul3A_81 = arith.mulf %mul3A_80, %tanh3A_78 : vector<1000x128xf32>
    %add3A_82 = arith.constant 5.000000e-01 : f32
    %add3A_83 = vector.broadcast %add3A_82 : f32 to vector<1000x128xf32>
    %add3A_84 = arith.addf %add3A_83, %mul3A_81 : vector<1000x128xf32>
    %slice3A_85 = vector.extract_strided_slice %add3A_43 {offsets = [0, 256], sizes = [1000, 128], strides = [1, 1]} : vector<1000x384xf32> to vector<1000x128xf32>
    %tanh3A_86 = math.tanh %slice3A_85 : vector<1000x128xf32>
    %mul3A_87 = arith.mulf %add3A_73, %tanh3A_86 : vector<1000x128xf32>
    %add3A_88 = arith.addf %mul3A_87, %add3A_62 : vector<1000x128xf32>
    %swap3A = arith.constant 0 : index
    %swap3A_89 = arith.constant 0 : index
    %swap3A_90 = vector.load %arg10[%swap3A, %swap3A_89] : memref<1000x128xf32, #tpu.memory_space<vmem>>, vector<1000x128xf32>
    tpu.vector_store %arg10[%swap3A, %swap3A_89], %add3A_88 {strides = array<i32>} : memref<1000x128xf32, #tpu.memory_space<vmem>>, vector<1000x128xf32>,
    %tanh3A_91 = math.tanh %add3A_88 : vector<1000x128xf32>
    %mul3A_92 = arith.mulf %add3A_84, %tanh3A_91 : vector<1000x128xf32>
    %swap3A_93 = arith.constant 0 : index
    %swap3A_94 = arith.constant 0 : index
    %swap3A_95 = vector.load %arg9[%swap3A_93, %swap3A_94] : memref<1000x128xf32, #tpu.memory_space<vmem>>, vector<1000x128xf32>
    tpu.vector_store %arg9[%swap3A_93, %swap3A_94], %mul3A_92 {strides = array<i32>} : memref<1000x128xf32, #tpu.memory_space<vmem>>, vector<1000x128xf32>,
    return
  }
  func.func @transform_0(%arg0: i32) -> (i32, i32) {
    %c0_i32 = arith.constant 0 : i32
    %c0_i32_0 = arith.constant 0 : i32
    return %arg0, %c0_i32 : i32, i32
  }
  func.func @transform_1(%arg0: i32) -> (i32, i32) {
    %c0_i32 = arith.constant 0 : i32
    %c0_i32_0 = arith.constant 0 : i32
    return %arg0, %c0_i32 : i32, i32
  }
  func.func @transform_2(%arg0: i32) -> (i32, i32) {
    %c0_i32 = arith.constant 0 : i32
    %c0_i32_0 = arith.constant 0 : i32
    return %arg0, %c0_i32 : i32, i32
  }
  func.func @transform_3(%arg0: i32) -> (i32, i32) {
    %c0_i32 = arith.constant 0 : i32
    %c0_i32_0 = arith.constant 0 : i32
    %c0_i32_1 = arith.constant 0 : i32
    return %c0_i32, %c0_i32_0 : i32, i32
  }
  func.func @transform_4(%arg0: i32) -> (i32, i32) {
    %c0_i32 = arith.constant 0 : i32
    %c0_i32_0 = arith.constant 0 : i32
    %c0_i32_1 = arith.constant 0 : i32
    return %c0_i32, %c0_i32_0 : i32, i32
  }
  func.func @transform_5(%arg0: i32) -> (i32, i32) {
    %c0_i32 = arith.constant 0 : i32
    %c0_i32_0 = arith.constant 0 : i32
    %c0_i32_1 = arith.constant 0 : i32
    return %c0_i32, %c0_i32_0 : i32, i32
  }
  func.func @transform_6(%arg0: i32) -> (i32, i32) {
    %c0_i32 = arith.constant 0 : i32
    %c0_i32_0 = arith.constant 0 : i32
    %c0_i32_1 = arith.constant 0 : i32
    return %c0_i32, %c0_i32_0 : i32, i32
  }
  func.func @transform_7(%arg0: i32) -> (i32, i32) {
    %c0_i32 = arith.constant 0 : i32
    %c0_i32_0 = arith.constant 0 : i32
    %c0_i32_1 = arith.constant 0 : i32
    return %c0_i32, %c0_i32_0 : i32, i32
  }
  func.func @transform_8(%arg0: i32) -> (i32, i32) {
    %c0_i32 = arith.constant 0 : i32
    %c0_i32_0 = arith.constant 0 : i32
    return %arg0, %c0_i32 : i32, i32
  }
  func.func @transform_9(%arg0: i32) -> (i32, i32) {
    %c0_i32 = arith.constant 0 : i32
    %c0_i32_0 = arith.constant 0 : i32
    return %arg0, %c0_i32 : i32, i32
  }
}

</mosaic_0001>

<sc_bundles>
// kernel: kernel.5.cloned.1.call-start
scs
__scs_entry_jumppad:
0x0: {  	(pc) =	sbr.rel $0x88, $3  }
0x1: {  	(tag) =	ssettag $0x0;
	lr =	simm.s32 $0x1  }
0x2: {  	[smem:$0x3F98] =	sst lr;
	_ =	strace $0xD0000000  }
0x3: {  	_ = 	snop  }
0x4: {  	_ = 	snop  }
0x5: {  	_ = 	snop  }
0x6: {  	_ = 	snop  }
0x7: {  	_ = 	snop  }
__scs_overlays_trampoline_lowered:
0x8: {  	[smem:$0x3FA7] =	sst s0  }
0x9: {  	[smem:$0x3FA8] =	sst s1  }
0xa: {  	[smem:$0x3FA9] =	sst s2  }
0xb: {  	[smem:$0x3FAA] =	sst s3  }
0xc: {  	[smem:$0x3FAB] =	sst s4  }
0xd: {  	[smem:$0x3FAC] =	sst s5  }
0xe: {  	[smem:$0x3FAD] =	sst s6  }
0xf: {  	[smem:$0x3FAE] =	sst s7  }
0x10: {  	[smem:$0x3FAF] =	sst s8  }
0x11: {  	[smem:$0x3FB0] =	sst s9;
	s0 =	simm.s32 @!p0 $0x0  }
0x12: {  	s1 =	sld [smem:$0x3F96];
	s0 =	simm.s32 @p0 $0x1  }
0x13: {  	[smem:$0x3FB1] =	sst s0;
	s0 =	simm.s32 @!p1 $0x0  }
0x14: {  	s2 =	sld [smem:$0x3F95];
	s0 =	simm.s32 @p1 $0x1  }
0x15: {  	[smem:$0x3FB2] =	sst s0;
	s0 =	simm.s32 @!p2 $0x0  }
0x16: {  	s3 =	sld [smem:$0x3FDB];
	s0 =	simm.s32 @p2 $0x1  }
0x17: {  	s4 =	simm.s32 $0x1BF5;
	[smem:$0x3FB4] =	sst s0  }
0x18: {  	s0 =	sld [smem:$0x3F97];
	_ =	swait.ge [sflag:s4], $0x0  }
0x19: {  	s7 =	sld [smem:$0x3F98]  }
0x1a: {  	s8 =	sadd.s32 $0xFFFFE003, lr  }
0x1b: {  	s9 =	sadd.s32 $0xFFFFFEF7, lr;
	s5 =	simm.s32 $0xFFFFFFFF;
	p2 =	slt.u32 s8, $0xFFFFF086  }
0x1c: {  	p1 =	slt.u32 s9, $0xF7A;
	s5 =	simm.s32 @!p2 $0x0  }
0x1d: {  	s5 =	simm.s32 @p1 $0x1;
	p0 =	seq.s32 s7, s2  }
0x1e: {  	s7 =	smul.u32 @!p0 $0xF7A, s2;
	p2 =	seq.s32 @!p0 s5, $0x0  }
0x1f: {  	s9 =	smul.u32 $0xF7A, s1;
	s8 =	simm.s32 @!p0 $0x1BF5;
	p2 =	por !p2, p0  }
0x20: {  	[sflag:s8] =	ssyncset.s32 @!p0 $0xFFFFF086;
	s6 =	sadd.s32 @!p0 s3, s7;
	s7 =	simm.s32 @!p0 $0x108  }
0x21: {  	s3 =	sadd.s32 s3, s9;
	s6 =	sadd.s32 @!p0 $0x88, s6;
	s7 =	simm.s32 @p2 $0x1082  }
0x22: {  	[simem:s7], [sflag:s8] =	dma.local @!p0 [hbm:s6], $0xF7A  }
0x23: {  	s9 =	sor.u32 $0xD0000000, s2;
	s6 =	simm.s32 $0x108;
	_ =	swait.ge @!p0 [sflag:s8], $0x0  }
0x24: {  	s3 =	sadd.s32 $0x88, s3;
	s6 =	simm.s32 @!p1 $0x1082;
	[sflag:s4] =	ssyncset.s32 $0xFFFFF086  }
0x25: {  	[simem:s6], [sflag:s4] =	dma.local [hbm:s3], $0xF7A  }
0x26: {  	[smem:$0x3F98] =	sst s1;
	(tag) =	ssettag s2;
	_ =	strace s9  }
0x27: {  	s1 =	sld [smem:$0x3FA8]  }
0x28: {  	s2 =	sld [smem:$0x3FA9]  }
0x29: {  	s4 =	sld [smem:$0x3FAB]  }
0x2a: {  	p0 =	seq.s32 s5, $0x0;
	s5 =	sld [smem:$0x3FAC]  }
0x2b: {  	s6 =	sld [smem:$0x3FAD]  }
0x2c: {  	s7 =	sld [smem:$0x3FAE]  }
0x2d: {  	s3 =	simm.s32 $0x108;
	s8 =	sld [smem:$0x3FAF]  }
0x2e: {  	s3 =	simm.s32 @!p0 $0x1082;
	s9 =	sld [smem:$0x3FB0]  }
0x2f: {  	lr =	sadd.s32 s0, s3;
	s0 =	sld [smem:$0x3FA7]  }
0x30: {  	s3 =	sld [smem:$0x3FAA]  }
0x31: {  	[smem:$0x3FB3] =	sst s10  }
0x32: {  	s10 =	sld [smem:$0x3FB1];
	_ =	sdelay $0x3  }
0x33: {  	p0 =	seq.s32 s10, $0x1;
	s10 =	sld [smem:$0x3FB3];
	_ =	sdelay $0x3  }
0x34: {  	[smem:$0x3FB3] =	sst s10  }
0x35: {  	s10 =	sld [smem:$0x3FB2];
	_ =	sdelay $0x3  }
0x36: {  	p1 =	seq.s32 s10, $0x1;
	s10 =	sld [smem:$0x3FB3];
	_ =	sdelay $0x3  }
0x37: {  	[smem:$0x3FB3] =	sst s10  }
0x38: {  	s10 =	sld [smem:$0x3FB4]  }
0x39: {  	_ = 	snop;
	(pc) =	sbr.ind lr, $3  }
0x3a: {  	_ = 	snop  }
0x3b: {  	_ = 	snop  }
0x3c: {  	p2 =	seq.s32 s10, $0x1;
	s10 =	sld [smem:$0x3FB3]  }
0x3d: {  	_ =	shalt  }
0x3e: {  	_ =	shalt  }
0x3f: {  	_ =	shalt  }
0x40: {  	_ =	shalt  }
0x41: {  	_ =	shalt  }
0x42: {  	_ =	shalt  }
0x43: {  	_ =	shalt  }
0x44: {  	_ =	shalt  }
0x45: {  	_ =	shalt  }
0x46: {  	_ =	shalt  }
0x47: {  	_ =	shalt  }
0x48: {  	_ =	shalt  }
0x49: {  	_ =	shalt  }
0x4a: {  	_ =	shalt  }
0x4b: {  	_ =	shalt  }
0x4c: {  	_ =	shalt  }
0x4d: {  	_ =	shalt  }
0x4e: {  	_ =	shalt  }
0x4f: {  	_ =	shalt  }
0x50: {  	_ =	shalt  }
0x51: {  	_ =	shalt  }
0x52: {  	_ =	shalt  }
0x53: {  	_ =	shalt  }
0x54: {  	_ =	shalt  }
0x55: {  	_ =	shalt  }
0x56: {  	_ =	shalt  }
0x57: {  	_ =	shalt  }
0x58: {  	_ =	shalt  }
0x59: {  	_ =	shalt  }
0x5a: {  	_ =	shalt  }
0x5b: {  	_ =	shalt  }
0x5c: {  	_ =	shalt  }
0x5d: {  	_ =	shalt  }
0x5e: {  	_ =	shalt  }
0x5f: {  	_ =	shalt  }
0x60: {  	_ =	shalt  }
0x61: {  	_ =	shalt  }
0x62: {  	_ =	shalt  }
0x63: {  	_ =	shalt  }
0x64: {  	_ =	shalt  }
0x65: {  	_ =	shalt  }
0x66: {  	_ =	shalt  }
0x67: {  	_ =	shalt  }
0x68: {  	_ =	shalt  }
0x69: {  	_ =	shalt  }
0x6a: {  	_ =	shalt  }
0x6b: {  	_ =	shalt  }
0x6c: {  	_ =	shalt  }
0x6d: {  	_ =	shalt  }
0x6e: {  	_ =	shalt  }
0x6f: {  	_ =	shalt  }
0x70: {  	_ =	shalt  }
0x71: {  	_ =	shalt  }
0x72: {  	_ =	shalt  }
0x73: {  	_ =	shalt  }
0x74: {  	_ =	shalt  }
0x75: {  	_ =	shalt  }
0x76: {  	_ =	shalt  }
0x77: {  	_ =	shalt  }
0x78: {  	_ =	shalt  }
0x79: {  	_ =	shalt  }
0x7a: {  	_ =	shalt  }
0x7b: {  	_ =	shalt  }
0x7c: {  	_ =	shalt  }
0x7d: {  	_ =	shalt  }
0x7e: {  	_ =	shalt  }
0x7f: {  	_ =	shalt  }
0x80: {  	_ =	shalt  }
0x81: {  	_ =	shalt  }
0x82: {  	_ =	shalt  }
0x83: {  	_ =	shalt  }
0x84: {  	_ =	shalt  }
0x85: {  	_ =	shalt  }
0x86: {  	_ =	shalt  }
0x87: {  	_ =	shalt  }
.Lfunc_end0:
.L_simem_size_0:
called_computation_lowered:
.L_overlay_start_0:
0x88: {  	s2 =	sld [smem:$0x3FD9]  }
0x89: {  	s3 =	sld [smem:$0x3FFE];
	_ =	sdelay $0x1  }
0x8a: {  	s1 =	srdreg.scid  }
0x8b: {  	s0 =	sand.u32 $0x1, s1  }
0x8c: {  	s14 =	sshll.u32 s0, $0xA;
	s2 =	sadd.s32 s3, s2  }
0x8d: {  	s2 =	sadd.s32 s2, s14  }
0x8e: {  	[smem:$0x3FBF] =	sst s2  }
0x8f: {  	_ = 	snop  }
0x90: {  	s2 =	sld [smem:$0x3FD0];
	_ =	sdelay $0x2  }
0x91: {  	s15 =	simm.s32 $0xA;
	s4 =	simm.s32 $0x10  }
0x92: {  	[smem:s4], [sflag:s15] =	dma.local [hbm:s2], $0x1  }
0x93: {  	_ =	swait.eq [sflag:s15], $0x1  }
0x94: {  	[sflag:s15] =	ssyncset.done $0x0  }
0x95: {  	s16 =	sld [smem:$0x10];
	[sflag:s15] =	ssyncadd.s32 $0xFFFFFFFF  }
0x96: {  	s17 =	sld [smem:$0x11];
	(tm) =	ssettm $0x1  }
0x97: {  	s18 =	sld [smem:$0x3FFB];
	_ =	sdelay $0x3  }
0x98: {  	_ =	strace s18  }
0x99: {  	s4 =	sld [smem:$0x3FFC];
	_ =	sdelay $0x3  }
0x9a: {  	_ =	strace s4  }
0x9b: {  	s4 =	sld [smem:$0x3FFD];
	_ =	sdelay $0x3  }
0x9c: {  	_ =	strace s4  }
0x9d: {  	_ =	strace $0x8FFFFFFF  }
0x9e: {  	s19 =	sld [smem:$0x3FDB];
	_ =	sdelay $0x1  }
0x9f: {  	s5 =	simm.s32 $_scs_section_size  }
0xa0: {  	s6 =	simm.s32 $_size__tile_overlayer_lowered;
	s7 =	simm.s32 $_tile_overlayer_lowered  }
0xa1: {  	s22 =	simm.s32 $0x1BFF;
	s21 =	sshll.u32 s7, $0x1;
	s4 =	sadd.s32 s5, s19  }
0xa2: {  	s8 =	simm.s32 $0x0;
	s20 =	sshll.u32 s6, $0x1;
	s6 =	sadd.s32 s21, s4  }
0xa3: {  	[timem:s8], [sflag:s22] =	dma.local [hbm:s6], s20  }
0xa4: {  	_ =	swait.ge [sflag:s22], s20  }
0xa5: {  	s5 =	ssub.s32 $0x0, s20;
	[sflag:s22] =	ssyncset.done $0x0  }
0xa6: {  	[sflag:s22] =	ssyncadd.s32 s5;
	_ =	sdelay $0x1  }
0xa7: {  	s23 =	simm.s32 $0x1B8B  }
0xa8: {  	_ =	swait.ge [sflag:s23], $0x1  }
0xa9: {  	[sflag:s23] =	ssyncset.done $0x0  }
0xaa: {  	s25 =	simm.s32 $0x1B8E;
	s24 =	sld [smem:$0x3FFE];
	[sflag:s23] =	ssyncadd.s32 $0xFFFFFFFF  }
0xab: {  	s26 =	simm.s32 $execute0_lowered;
	[smem:$0x3FD2] =	sst s25  }
0xac: {  	s6 =	sshll.u32 s26, $0x1;
	_ =	strace $0x80000046;
	[dreg:$0x1] =	wrdreg $0xFFFFFFFF  }
0xad: {  	s28 =	simm.s32 $_size_execute0_lowered;
	s4 =	sadd.s32 s4, s6;
	[dreg:$0x0] =	wrdreg $0x0  }
0xae: {  	s6 =	sshll.u32 s28, $0x1;
	[dreg:$0x2] =	wrdreg s4  }
0xaf: {  	[dreg:$0x3] =	wrdreg s6  }
0xb0: {  	[dreg:$0x4] =	wrdreg $0xC0  }
0xb1: {  	_ =	task [dreg:s8], $0x5FFFF  }
0xb2: {  	[dreg:$0x1] =	wrdreg $0xFFFFFFFF  }
0xb3: {  	[dreg:$0x0] =	wrdreg $0x60  }
0xb4: {  	[dreg:$0x2] =	wrdreg s17  }
0xb5: {  	[dreg:$0x3] =	wrdreg s24  }
0xb6: {  	[dreg:$0x4] =	wrdreg s16  }
0xb7: {  	[dreg:$0x5] =	wrdreg $0x9  }
0xb8: {  	_ =	task.clear_ibuf [dreg:s8], $0x6FFFF;
	_ =	strace $0x90000046  }
0xb9: {  	s29 =	simm.s32 $0x9;
	_ =	strace $0x80000048  }
0xba: {  	_ =	swait.ge [sflag:s29], $0x1  }
0xbb: {  	[sflag:s29] =	ssyncadd.s32 $0xFFFFFFFF  }
0xbc: {  	_ =	strace $0x90000048  }
0xbd: {  	_ =	sfence  }
0xbe: {  	s30 =	sld [smem:$0x0];
	_ =	sdelay $0x2  }
0xbf: {  	s31 =	sshll.u32 s1, $0xD;
	s1 =	sshrl.u32 s1, $0x2  }
0xc0: {  	s3 =	sand.u32 $0x4000, s31;
	s1 =	sadd.s32 s1, s30  }
0xc1: {  	s0 =	sor.u32 s3, s0;
	s1 =	sshll.u32 s1, $0x11  }
0xc2: {  	s0 =	sor.u32 s1, s0  }
0xc3: {  	s0 =	sadd.s32 $0x8F2B, s0  }
0xc4: {  	[sflag:s0] =	ssyncadd.remote.s32 $0x1  }
0xc5: {  	_ =	sfence.sel $0xFFFF  }
0xc6: {  	[dreg:$0x0] =	wrdreg $0xFFFFFFFF;
	(pc) =	sbr.abs _section_cstart, $3  }
0xc7: {  	[dreg:$0x1] =	wrdreg $0xFFFFFFFF  }
0xc8: {  	_ =	task.clear_ibuf [dreg:s8], $0x2FFFF;
	_ =	strace $0x9FFFFFFF  }
0xc9: {  	(tm) =	ssettm $0x7FFFFFFF  }
tec
execute0_lowered:
.L_overlay_start_1:
0x0: {  	(tag) =	ssettag $0x1  }
0x1: {  	s1 =	rddreg [dreg:$0x0]  }
0x2: {  	s5 =	rddreg [dreg:$0x1]  }
0x3: {  	s0 =	srdreg.scid;
	s6 =	rddreg [dreg:$0x2]  }
0x4: {  	s3 =	simm.s32 $0x0;
	s13 =	simm.s32 $0x6000;
	s14 =	simm.s32 $0x8000  }
0x5: {  	s15 =	simm.s32 $0xA000;
	s16 =	simm.s32 $0xC000;
	s17 =	simm.s32 $0xE000  }
0x6: {  	s18 =	simm.s32 $0x10000;
	s19 =	simm.s32 $0x12000;
	s20 =	simm.s32 $0x14000  }
0x7: {  	s21 =	simm.s32 $0x16000;
	s22 =	simm.s32 $0x18000;
	s23 =	simm.s32 $0x1  }
0x8: {  	s24 =	simm.s32 $0x2;
	s4 =	sand.u32 $0x1, s0;
	s0 =	stileid.u32  }
0x9: {  	s25 =	simm.s32 $0x0;
	[smem:$0x7FF] =	sst s3;
	s8 =	smul.u32 $0xA, s0  }
0xa: {  	s2 =	sshll.u32 s4, $0x4;
	s9 =	smul.u32 $0x5A, s0;
	_ =	strace $0x80000047  }
0xb: {  	p0 =	seq.s32 s4, $0x0;
	s30 =	ssub.s32 $0x2, s4;
	s2 =	sor.u32 s0, s2  }
0xc: {  	s4 =	simm.s32 $0xB400;
	s11 =	sshrl.u32 s30, $0x1;
	s7 =	smul.u32 $0x600, s2  }
0xd: {  	s4 =	simm.s32 @!p0 $0x1400;
	s8 =	sadd.s32 $0x5A0, s8;
	s31 =	ssub.s32 s30, s11  }
0xe: {  	s11 =	simm.s32 $0x3000;
	s8 =	smov.u32 @p0 s9;
	s10 =	sadd.s32 s7, s5  }
0xf: {  	s8 =	sshll.u32 s8, $0xA;
	s6 =	sadd.s32 s6, s7;
	s7 =	smax.u32 s31, $0x1  }
0x10: {  	s12 =	sadd.s32 s8, s5;
	s5 =	sadd.s32 $0x800, s10;
	s10 =	simm.s32 $0x3  }
0x11: {  	s8 =	sadd.s32 $0xC800, s12;
	s9 =	sadd.s32 $0x19C800, s12;
	s12 =	simm.s32 $0x40  }
.LBB2_1:
0x12: {  	[tilespmem:s3], [sflag:$0x3] =	stream.linear.gather [hbm4b:s5+s3], $0x2D00, $0x38;
	[tilespmem:$0x1A000] =	vst v63  }
0x13: {  	_ =	swait.ge [sflag:s10], $0x2D00  }
0x14: {  	p2 =	sne.s32 s4, $0x1400;
	[sflag:s10] =	ssyncset.done $0x0  }
.Ltmp0:
0x15: {  	[sflag:s10] =	ssyncadd.s32 $0xFFFFD300;
	(pc) =	sbr.rel @!p2 .LBB2_6-.Ltmp0, $4  }
0x16: {  	[tilespmem:s11], [sflag:$0x3] =	stream.linear.gather [hbm4b:s6+s3], $0x2D00, $0x38;
	[tilespmem:$0x1A000] =	vst v63  }
0x17: {  	s26 =	simm.s32 $0x1400;
	_ =	swait.ge [sflag:s10], $0x2D00  }
0x18: {  	p0 =	por $0x0, $0x0;
	s29 =	simm.s32 $0x0;
	[sflag:s10] =	ssyncset.done $0x0  }
0x19: {  	s28 =	smov.u32 s8;
	p1 =	por $0x0, $0x0;
	[sflag:s10] =	ssyncadd.s32 $0xFFFFD300  }
0x1a: {  	s28 =	simm.s32 $0x0  }
0x1b: {  	[tilespmem:s13], [sflag:$0x1] =	stream.indirect.gather [hbm4b:s1+s12], $0x80, s28, s12, $0xb8;
	[tilespmem:$0x1A000] =	vst v63  }
0x1c: {  	s28 =	simm.s32 $0x80  }
0x1d: {  	[tilespmem:s14], [sflag:$0x1] =	stream.indirect.gather [hbm4b:s1+s12], $0x80, s28, s12, $0xb8;
	[tilespmem:$0x1A000] =	vst v63  }
0x1e: {  	s28 =	simm.s32 $0x100  }
0x1f: {  	[tilespmem:s15], [sflag:$0x1] =	stream.indirect.gather [hbm4b:s1+s12], $0x80, s28, s12, $0xb8;
	[tilespmem:$0x1A000] =	vst v63  }
0x20: {  	s28 =	simm.s32 $0x180  }
0x21: {  	[tilespmem:s16], [sflag:$0x1] =	stream.indirect.gather [hbm4b:s1+s12], $0x80, s28, s12, $0xb8;
	[tilespmem:$0x1A000] =	vst v63  }
0x22: {  	s28 =	simm.s32 $0x200  }
0x23: {  	[tilespmem:s17], [sflag:$0x1] =	stream.indirect.gather [hbm4b:s1+s12], $0x80, s28, s12, $0xb8;
	[tilespmem:$0x1A000] =	vst v63  }
0x24: {  	s28 =	simm.s32 $0x280  }
0x25: {  	[tilespmem:s18], [sflag:$0x2] =	stream.indirect.gather [hbm4b:s1+s12], $0x80, s28, s12, $0xb8;
	[tilespmem:$0x1A000] =	vst v63  }
0x26: {  	s28 =	simm.s32 $0x300  }
0x27: {  	[tilespmem:s19], [sflag:$0x2] =	stream.indirect.gather [hbm4b:s1+s12], $0x80, s28, s12, $0xb8;
	[tilespmem:$0x1A000] =	vst v63  }
0x28: {  	s28 =	simm.s32 $0x380  }
0x29: {  	[tilespmem:s20], [sflag:$0x2] =	stream.indirect.gather [hbm4b:s1+s12], $0x80, s28, s12, $0xb8;
	[tilespmem:$0x1A000] =	vst v63  }
0x2a: {  	s28 =	simm.s32 $0x400  }
0x2b: {  	[tilespmem:s21], [sflag:$0x2] =	stream.indirect.gather [hbm4b:s1+s12], $0x80, s28, s12, $0xb8;
	[tilespmem:$0x1A000] =	vst v63  }
0x2c: {  	s28 =	simm.s32 $0x480  }
0x2d: {  	[tilespmem:s22], [sflag:$0x2] =	stream.indirect.gather [hbm4b:s1+s12], $0x80, s28, s12, $0xb8;
	[tilespmem:$0x1A000] =	vst v63  }
0x2e: {  	_ =	swait.ge [sflag:s23], $0x2000  }
0x2f: {  	[sflag:s23] =	ssyncset.done $0x0  }
0x30: {  	[sflag:s23] =	ssyncadd.s32 $0xFFFFE000  }
0x31: {  	_ =	swait.ge [sflag:s23], $0x2000  }
0x32: {  	[sflag:s23] =	ssyncset.done $0x0  }
0x33: {  	[sflag:s23] =	ssyncadd.s32 $0xFFFFE000  }
0x34: {  	_ =	swait.ge [sflag:s23], $0x2000  }
0x35: {  	[sflag:s23] =	ssyncset.done $0x0  }
0x36: {  	[sflag:s23] =	ssyncadd.s32 $0xFFFFE000  }
0x37: {  	_ =	swait.ge [sflag:s23], $0x2000  }
0x38: {  	[sflag:s23] =	ssyncset.done $0x0  }
0x39: {  	[sflag:s23] =	ssyncadd.s32 $0xFFFFE000  }
0x3a: {  	_ =	swait.ge [sflag:s23], $0x2000  }
0x3b: {  	[sflag:s23] =	ssyncset.done $0x0  }
0x3c: {  	s29 =	simm.s32 $0x0;
	[sflag:s23] =	ssyncadd.s32 $0xFFFFE000  }
0x3d: {  	[hbm4b:s8+s29] =	stream.linear.scatter [tilespmem:s13], [sflag:$0x3], $0xA000, $0x38;
	[tilespmem:$0x1A000] =	vst v63  }
0x3e: {  	_ =	swait.ge [sflag:s10], $0xA000  }
0x3f: {  	[sflag:s10] =	ssyncset.done $0x0  }
0x40: {  	[sflag:s10] =	ssyncadd.s32 $0xFFFF6000  }
0x41: {  	_ =	swait.ge [sflag:s24], $0x2000  }
0x42: {  	[sflag:s24] =	ssyncset.done $0x0  }
0x43: {  	[sflag:s24] =	ssyncadd.s32 $0xFFFFE000  }
0x44: {  	_ =	swait.ge [sflag:s24], $0x2000  }
0x45: {  	[sflag:s24] =	ssyncset.done $0x0  }
0x46: {  	[sflag:s24] =	ssyncadd.s32 $0xFFFFE000  }
0x47: {  	_ =	swait.ge [sflag:s24], $0x2000  }
0x48: {  	[sflag:s24] =	ssyncset.done $0x0  }
0x49: {  	[sflag:s24] =	ssyncadd.s32 $0xFFFFE000  }
0x4a: {  	_ =	swait.ge [sflag:s24], $0x2000  }
0x4b: {  	[sflag:s24] =	ssyncset.done $0x0  }
0x4c: {  	[sflag:s24] =	ssyncadd.s32 $0xFFFFE000  }
0x4d: {  	p2 =	sne.s32 s4, $0x2800;
	_ =	swait.ge [sflag:s24], $0x2000  }
.Ltmp1:
0x4e: {  	[sflag:s24] =	ssyncset.done $0x0;
	(pc) =	sbr.rel @!p2 .LBB2_3-.Ltmp1, $4  }
0x4f: {  	s28 =	sadd.s32 $0x1400, s8;
	[sflag:s24] =	ssyncadd.s32 $0xFFFFE000  }
0x50: {  	[hbm4b:s28+s29] =	stream.linear.scatter [tilespmem:s18], [sflag:$0x3], $0xA000, $0x38;
	[tilespmem:$0x1A000] =	vst v63  }
0x51: {  	s30 =	simm.s32 $0x2800;
	_ =	swait.ge [sflag:s10], $0xA000  }
0x52: {  	p1 =	por $0x1, $0x1;
	s28 =	sadd.s32 $0x2800, s8;
	[sflag:s10] =	ssyncset.done $0x0  }
.LBB2_4:
0x53: {  	s31 =	sshra.s32 s26, $0x2  }
0x54: {  	[sflag:s10] =	ssyncadd.s32 $0xFFFF6000;
	s26 =	smov.u32 s30;
	s30 =	sadd.s32 $0x1400, s30  }
0x55: {  	[tilespmem:s13], [sflag:$0x1] =	stream.indirect.gather [hbm4b:s1+s12], $0x80, s31, s12, $0xb8;
	[tilespmem:$0x1A000] =	vst v63  }
0x56: {  	p2 =	sne.s32 s4, s30;
	s2 =	sadd.s32 $0x80, s31  }
0x57: {  	[tilespmem:s14], [sflag:$0x1] =	stream.indirect.gather [hbm4b:s1+s12], $0x80, s2, s12, $0xb8;
	[tilespmem:$0x1A000] =	vst v63  }
0x58: {  	s2 =	sadd.s32 $0x100, s31  }
0x59: {  	[tilespmem:s15], [sflag:$0x1] =	stream.indirect.gather [hbm4b:s1+s12], $0x80, s2, s12, $0xb8;
	[tilespmem:$0x1A000] =	vst v63  }
0x5a: {  	s2 =	sadd.s32 $0x180, s31  }
0x5b: {  	[tilespmem:s16], [sflag:$0x1] =	stream.indirect.gather [hbm4b:s1+s12], $0x80, s2, s12, $0xb8;
	[tilespmem:$0x1A000] =	vst v63  }
0x5c: {  	s2 =	sadd.s32 $0x200, s31  }
0x5d: {  	[tilespmem:s17], [sflag:$0x1] =	stream.indirect.gather [hbm4b:s1+s12], $0x80, s2, s12, $0xb8;
	[tilespmem:$0x1A000] =	vst v63  }
0x5e: {  	s2 =	sadd.s32 $0x280, s31  }
0x5f: {  	[tilespmem:s18], [sflag:$0x2] =	stream.indirect.gather [hbm4b:s1+s12], $0x80, s2, s12, $0xb8;
	[tilespmem:$0x1A000] =	vst v63  }
0x60: {  	s2 =	sadd.s32 $0x300, s31  }
0x61: {  	[tilespmem:s19], [sflag:$0x2] =	stream.indirect.gather [hbm4b:s1+s12], $0x80, s2, s12, $0xb8;
	[tilespmem:$0x1A000] =	vst v63  }
0x62: {  	s2 =	sadd.s32 $0x380, s31  }
0x63: {  	[tilespmem:s20], [sflag:$0x2] =	stream.indirect.gather [hbm4b:s1+s12], $0x80, s2, s12, $0xb8;
	[tilespmem:$0x1A000] =	vst v63  }
0x64: {  	s2 =	sadd.s32 $0x400, s31  }
0x65: {  	[tilespmem:s21], [sflag:$0x2] =	stream.indirect.gather [hbm4b:s1+s12], $0x80, s2, s12, $0xb8;
	[tilespmem:$0x1A000] =	vst v63  }
0x66: {  	s2 =	sadd.s32 $0x480, s31  }
0x67: {  	[tilespmem:s22], [sflag:$0x2] =	stream.indirect.gather [hbm4b:s1+s12], $0x80, s2, s12, $0xb8;
	[tilespmem:$0x1A000] =	vst v63  }
0x68: {  	_ =	swait.ge [sflag:s23], $0x2000  }
0x69: {  	[sflag:s23] =	ssyncset.done $0x0  }
0x6a: {  	[sflag:s23] =	ssyncadd.s32 $0xFFFFE000  }
0x6b: {  	_ =	swait.ge [sflag:s23], $0x2000  }
0x6c: {  	[sflag:s23] =	ssyncset.done $0x0  }
0x6d: {  	[sflag:s23] =	ssyncadd.s32 $0xFFFFE000  }
0x6e: {  	_ =	swait.ge [sflag:s23], $0x2000  }
0x6f: {  	[sflag:s23] =	ssyncset.done $0x0  }
0x70: {  	[sflag:s23] =	ssyncadd.s32 $0xFFFFE000  }
0x71: {  	_ =	swait.ge [sflag:s23], $0x2000  }
0x72: {  	[sflag:s23] =	ssyncset.done $0x0  }
0x73: {  	[sflag:s23] =	ssyncadd.s32 $0xFFFFE000  }
0x74: {  	_ =	swait.ge [sflag:s23], $0x2000  }
0x75: {  	[sflag:s23] =	ssyncset.done $0x0  }
0x76: {  	[sflag:s23] =	ssyncadd.s32 $0xFFFFE000  }
0x77: {  	[hbm4b:s28+s29] =	stream.linear.scatter [tilespmem:s13], [sflag:$0x3], $0xA000, $0x38;
	[tilespmem:$0x1A000] =	vst v63  }
0x78: {  	_ =	swait.ge [sflag:s10], $0xA000  }
0x79: {  	[sflag:s10] =	ssyncset.done $0x0  }
0x7a: {  	[sflag:s10] =	ssyncadd.s32 $0xFFFF6000  }
0x7b: {  	_ =	swait.ge [sflag:s24], $0x2000  }
0x7c: {  	[sflag:s24] =	ssyncset.done $0x0  }
0x7d: {  	[sflag:s24] =	ssyncadd.s32 $0xFFFFE000  }
0x7e: {  	_ =	swait.ge [sflag:s24], $0x2000  }
0x7f: {  	[sflag:s24] =	ssyncset.done $0x0  }
0x80: {  	[sflag:s24] =	ssyncadd.s32 $0xFFFFE000  }
0x81: {  	_ =	swait.ge [sflag:s24], $0x2000  }
0x82: {  	[sflag:s24] =	ssyncset.done $0x0  }
0x83: {  	[sflag:s24] =	ssyncadd.s32 $0xFFFFE000  }
0x84: {  	_ =	swait.ge [sflag:s24], $0x2000  }
0x85: {  	[sflag:s24] =	ssyncset.done $0x0  }
0x86: {  	[sflag:s24] =	ssyncadd.s32 $0xFFFFE000  }
0x87: {  	_ =	swait.ge [sflag:s24], $0x2000  }
.Ltmp2:
0x88: {  	[sflag:s24] =	ssyncset.done $0x0;
	(pc) =	sbr.rel @p2 .LBB2_4-.Ltmp2, $4  }
0x89: {  	s2 =	sadd.s32 $0x1400, s28;
	[sflag:s24] =	ssyncadd.s32 $0xFFFFE000  }
0x8a: {  	[hbm4b:s2+s29] =	stream.linear.scatter [tilespmem:s18], [sflag:$0x3], $0xA000, $0x38;
	[tilespmem:$0x1A000] =	vst v63  }
0x8b: {  	_ =	swait.ge [sflag:s10], $0xA000  }
0x8c: {  	s28 =	sadd.s32 $0x2800, s28;
	[sflag:s10] =	ssyncset.done $0x0  }
0x8d: {  	s29 =	smov.u32 s26  }
.LBB2_6:
0x8e: {  	s2 =	sshra.s32 s29, $0x2;
	[sflag:s10] =	ssyncadd.s32 @p1 $0xFFFF6000  }
0x8f: {  	[tilespmem:s13], [sflag:$0x1] =	stream.indirect.gather [hbm4b:s1+s12], $0x80, s2, s12, $0xb8;
	[tilespmem:$0x1A000] =	vst v63  }
0x90: {  	s26 =	sadd.s32 $0x80, s2  }
0x91: {  	[tilespmem:s14], [sflag:$0x1] =	stream.indirect.gather [hbm4b:s1+s12], $0x80, s26, s12, $0xb8;
	[tilespmem:$0x1A000] =	vst v63  }
0x92: {  	s31 =	sadd.s32 $0x100, s2  }
0x93: {  	[tilespmem:s15], [sflag:$0x1] =	stream.indirect.gather [hbm4b:s1+s12], $0x80, s31, s12, $0xb8;
	[tilespmem:$0x1A000] =	vst v63  }
0x94: {  	s29 =	sadd.s32 $0x180, s2  }
0x95: {  	[tilespmem:s16], [sflag:$0x1] =	stream.indirect.gather [hbm4b:s1+s12], $0x80, s29, s12, $0xb8;
	[tilespmem:$0x1A000] =	vst v63  }
0x96: {  	s31 =	sadd.s32 $0x200, s2  }
0x97: {  	[tilespmem:s17], [sflag:$0x1] =	stream.indirect.gather [hbm4b:s1+s12], $0x80, s31, s12, $0xb8;
	[tilespmem:$0x1A000] =	vst v63  }
0x98: {  	s29 =	sadd.s32 $0x280, s2  }
0x99: {  	[tilespmem:s18], [sflag:$0x2] =	stream.indirect.gather [hbm4b:s1+s12], $0x80, s29, s12, $0xb8;
	[tilespmem:$0x1A000] =	vst v63  }
0x9a: {  	s31 =	sadd.s32 $0x300, s2  }
0x9b: {  	[tilespmem:s19], [sflag:$0x2] =	stream.indirect.gather [hbm4b:s1+s12], $0x80, s31, s12, $0xb8;
	[tilespmem:$0x1A000] =	vst v63  }
0x9c: {  	s29 =	sadd.s32 $0x380, s2  }
0x9d: {  	[tilespmem:s20], [sflag:$0x2] =	stream.indirect.gather [hbm4b:s1+s12], $0x80, s29, s12, $0xb8;
	[tilespmem:$0x1A000] =	vst v63  }
0x9e: {  	s31 =	sadd.s32 $0x400, s2  }
0x9f: {  	[tilespmem:s21], [sflag:$0x2] =	stream.indirect.gather [hbm4b:s1+s12], $0x80, s31, s12, $0xb8;
	[tilespmem:$0x1A000] =	vst v63  }
0xa0: {  	s2 =	sadd.s32 $0x480, s2  }
0xa1: {  	[tilespmem:s22], [sflag:$0x2] =	stream.indirect.gather [hbm4b:s1+s12], $0x80, s2, s12, $0xb8;
	[tilespmem:$0x1A000] =	vst v63  }
0xa2: {  	_ =	swait.ge [sflag:s23], $0x2000  }
0xa3: {  	[sflag:s23] =	ssyncset.done $0x0  }
0xa4: {  	[sflag:s23] =	ssyncadd.s32 $0xFFFFE000  }
0xa5: {  	_ =	swait.ge [sflag:s23], $0x2000  }
0xa6: {  	[sflag:s23] =	ssyncset.done $0x0  }
0xa7: {  	[sflag:s23] =	ssyncadd.s32 $0xFFFFE000  }
0xa8: {  	_ =	swait.ge [sflag:s23], $0x2000  }
0xa9: {  	[sflag:s23] =	ssyncset.done $0x0  }
0xaa: {  	[sflag:s23] =	ssyncadd.s32 $0xFFFFE000  }
0xab: {  	_ =	swait.ge [sflag:s23], $0x2000  }
0xac: {  	[sflag:s23] =	ssyncset.done $0x0  }
0xad: {  	[sflag:s23] =	ssyncadd.s32 $0xFFFFE000  }
0xae: {  	_ =	swait.ge [sflag:s23], $0x2000  }
0xaf: {  	[sflag:s23] =	ssyncset.done $0x0  }
0xb0: {  	s29 =	simm.s32 $0x0;
	[sflag:s23] =	ssyncadd.s32 $0xFFFFE000  }
0xb1: {  	[hbm4b:s28+s29] =	stream.linear.scatter [tilespmem:s13], [sflag:$0x3], $0xA000, $0x38;
	[tilespmem:$0x1A000] =	vst v63  }
0xb2: {  	_ =	swait.ge [sflag:s10], $0xA000  }
0xb3: {  	[sflag:s10] =	ssyncset.done $0x0  }
0xb4: {  	[sflag:s10] =	ssyncadd.s32 $0xFFFF6000  }
0xb5: {  	_ =	swait.ge [sflag:s24], $0x2000  }
0xb6: {  	[sflag:s24] =	ssyncset.done $0x0  }
0xb7: {  	[sflag:s24] =	ssyncadd.s32 $0xFFFFE000  }
0xb8: {  	_ =	swait.ge [sflag:s24], $0x2000  }
0xb9: {  	[sflag:s24] =	ssyncset.done $0x0  }
0xba: {  	[sflag:s24] =	ssyncadd.s32 $0xFFFFE000  }
0xbb: {  	_ =	swait.ge [sflag:s24], $0x2000  }
0xbc: {  	[sflag:s24] =	ssyncset.done $0x0  }
0xbd: {  	[sflag:s24] =	ssyncadd.s32 $0xFFFFE000  }
0xbe: {  	_ =	swait.ge [sflag:s24], $0x2000  }
0xbf: {  	[sflag:s24] =	ssyncset.done $0x0  }
0xc0: {  	[sflag:s24] =	ssyncadd.s32 $0xFFFFE000  }
0xc1: {  	_ =	swait.ge [sflag:s24], $0x2000  }
0xc2: {  	p1 =	sne.s32 s4, $0x1400;
	[sflag:s24] =	ssyncset.done $0x0  }
.Ltmp3:
0xc3: {  	s31 =	sadd.s32 $0x1400, s28;
	[sflag:s24] =	ssyncadd.s32 $0xFFFFE000;
	(pc) =	sbr.rel @!p1 .LBB2_9-.Ltmp3, $4  }
0xc4: {  	[hbm4b:s31+s29] =	stream.linear.scatter [tilespmem:s18], [sflag:$0x3], $0xA000, $0x38;
	[tilespmem:$0x1A000] =	vst v63  }
0xc5: {  	_ =	swait.ge [sflag:s10], $0xA000  }
0xc6: {  	[sflag:s10] =	ssyncset.done $0x0  }
0xc7: {  	s30 =	simm.s32 $0x0;
	s26 =	smov.u32 s9;
	[sflag:s10] =	ssyncadd.s32 $0xFFFF6000  }
0xc8: {  	s2 =	simm.s32 $0x3000  }
0xc9: {  	[tilespmem:s13], [sflag:$0x1] =	stream.indirect.gather [hbm4b:s1+s12], $0x80, s2, s12, $0xb8;
	[tilespmem:$0x1A000] =	vst v63  }
0xca: {  	s31 =	simm.s32 $0x3080  }
0xcb: {  	[tilespmem:s14], [sflag:$0x1] =	stream.indirect.gather [hbm4b:s1+s12], $0x80, s31, s12, $0xb8;
	[tilespmem:$0x1A000] =	vst v63  }
0xcc: {  	s26 =	simm.s32 $0x3100  }
0xcd: {  	[tilespmem:s15], [sflag:$0x1] =	stream.indirect.gather [hbm4b:s1+s12], $0x80, s26, s12, $0xb8;
	[tilespmem:$0x1A000] =	vst v63  }
0xce: {  	s29 =	simm.s32 $0x3180  }
0xcf: {  	[tilespmem:s16], [sflag:$0x1] =	stream.indirect.gather [hbm4b:s1+s12], $0x80, s29, s12, $0xb8;
	[tilespmem:$0x1A000] =	vst v63  }
0xd0: {  	s31 =	simm.s32 $0x3200  }
0xd1: {  	[tilespmem:s17], [sflag:$0x1] =	stream.indirect.gather [hbm4b:s1+s12], $0x80, s31, s12, $0xb8;
	[tilespmem:$0x1A000] =	vst v63  }
0xd2: {  	s26 =	simm.s32 $0x3280  }
0xd3: {  	[tilespmem:s18], [sflag:$0x2] =	stream.indirect.gather [hbm4b:s1+s12], $0x80, s26, s12, $0xb8;
	[tilespmem:$0x1A000] =	vst v63  }
0xd4: {  	s29 =	simm.s32 $0x3300  }
0xd5: {  	[tilespmem:s19], [sflag:$0x2] =	stream.indirect.gather [hbm4b:s1+s12], $0x80, s29, s12, $0xb8;
	[tilespmem:$0x1A000] =	vst v63  }
0xd6: {  	s31 =	simm.s32 $0x3380  }
0xd7: {  	[tilespmem:s20], [sflag:$0x2] =	stream.indirect.gather [hbm4b:s1+s12], $0x80, s31, s12, $0xb8;
	[tilespmem:$0x1A000] =	vst v63  }
0xd8: {  	s26 =	simm.s32 $0x3400  }
0xd9: {  	[tilespmem:s21], [sflag:$0x2] =	stream.indirect.gather [hbm4b:s1+s12], $0x80, s26, s12, $0xb8;
	[tilespmem:$0x1A000] =	vst v63  }
0xda: {  	s29 =	simm.s32 $0x3480  }
0xdb: {  	[tilespmem:s22], [sflag:$0x2] =	stream.indirect.gather [hbm4b:s1+s12], $0x80, s29, s12, $0xb8;
	[tilespmem:$0x1A000] =	vst v63  }
0xdc: {  	_ =	swait.ge [sflag:s23], $0x2000  }
0xdd: {  	[sflag:s23] =	ssyncset.done $0x0  }
0xde: {  	[sflag:s23] =	ssyncadd.s32 $0xFFFFE000  }
0xdf: {  	_ =	swait.ge [sflag:s23], $0x2000  }
0xe0: {  	[sflag:s23] =	ssyncset.done $0x0  }
0xe1: {  	[sflag:s23] =	ssyncadd.s32 $0xFFFFE000  }
0xe2: {  	_ =	swait.ge [sflag:s23], $0x2000  }
0xe3: {  	[sflag:s23] =	ssyncset.done $0x0  }
0xe4: {  	[sflag:s23] =	ssyncadd.s32 $0xFFFFE000  }
0xe5: {  	_ =	swait.ge [sflag:s23], $0x2000  }
0xe6: {  	[sflag:s23] =	ssyncset.done $0x0  }
0xe7: {  	[sflag:s23] =	ssyncadd.s32 $0xFFFFE000  }
0xe8: {  	_ =	swait.ge [sflag:s23], $0x2000  }
0xe9: {  	[sflag:s23] =	ssyncset.done $0x0  }
0xea: {  	[sflag:s23] =	ssyncadd.s32 $0xFFFFE000  }
0xeb: {  	[hbm4b:s9+s3] =	stream.linear.scatter [tilespmem:s13], [sflag:$0x3], $0xA000, $0x38;
	[tilespmem:$0x1A000] =	vst v63  }
0xec: {  	_ =	swait.ge [sflag:s10], $0xA000  }
0xed: {  	[sflag:s10] =	ssyncset.done $0x0  }
0xee: {  	[sflag:s10] =	ssyncadd.s32 $0xFFFF6000  }
0xef: {  	_ =	swait.ge [sflag:s24], $0x2000  }
0xf0: {  	[sflag:s24] =	ssyncset.done $0x0  }
0xf1: {  	[sflag:s24] =	ssyncadd.s32 $0xFFFFE000  }
0xf2: {  	_ =	swait.ge [sflag:s24], $0x2000  }
0xf3: {  	[sflag:s24] =	ssyncset.done $0x0  }
0xf4: {  	[sflag:s24] =	ssyncadd.s32 $0xFFFFE000  }
0xf5: {  	_ =	swait.ge [sflag:s24], $0x2000  }
0xf6: {  	[sflag:s24] =	ssyncset.done $0x0  }
0xf7: {  	[sflag:s24] =	ssyncadd.s32 $0xFFFFE000  }
0xf8: {  	_ =	swait.ge [sflag:s24], $0x2000  }
0xf9: {  	[sflag:s24] =	ssyncset.done $0x0  }
0xfa: {  	[sflag:s24] =	ssyncadd.s32 $0xFFFFE000  }
0xfb: {  	p1 =	sne.s32 s4, $0x2800;
	_ =	swait.ge [sflag:s24], $0x2000  }
.Ltmp4:
0xfc: {  	[sflag:s24] =	ssyncset.done $0x0;
	(pc) =	sbr.rel @!p1 .LBB2_9-.Ltmp4, $4  }
0xfd: {  	s31 =	sadd.s32 $0x1400, s9;
	[sflag:s24] =	ssyncadd.s32 $0xFFFFE000  }
0xfe: {  	[hbm4b:s31+s3] =	stream.linear.scatter [tilespmem:s18], [sflag:$0x3], $0xA000, $0x38;
	[tilespmem:$0x1A000] =	vst v63  }
0xff: {  	s28 =	simm.s32 $0x2800;
	s30 =	simm.s32 $0x500;
	_ =	swait.ge [sflag:s10], $0xA000  }
0x100: {  	p0 =	por $0x1, $0x1;
	s26 =	sadd.s32 $0x2800, s9;
	[sflag:s10] =	ssyncset.done $0x0  }
.LBB2_8:
0x101: {  	s2 =	sadd.s32 $0x3000, s30  }
0x102: {  	[sflag:s10] =	ssyncadd.s32 $0xFFFF6000;
	s29 =	smov.u32 s28;
	s28 =	sadd.s32 $0x1400, s28  }
0x103: {  	[tilespmem:s13], [sflag:$0x1] =	stream.indirect.gather [hbm4b:s1+s12], $0x80, s2, s12, $0xb8;
	[tilespmem:$0x1A000] =	vst v63  }
0x104: {  	p1 =	sne.s32 s4, s28;
	s2 =	sadd.s32 $0x3080, s30  }
0x105: {  	[tilespmem:s14], [sflag:$0x1] =	stream.indirect.gather [hbm4b:s1+s12], $0x80, s2, s12, $0xb8;
	[tilespmem:$0x1A000] =	vst v63  }
0x106: {  	s2 =	sadd.s32 $0x3100, s30  }
0x107: {  	[tilespmem:s15], [sflag:$0x1] =	stream.indirect.gather [hbm4b:s1+s12], $0x80, s2, s12, $0xb8;
	[tilespmem:$0x1A000] =	vst v63  }
0x108: {  	s2 =	sadd.s32 $0x3180, s30  }
0x109: {  	[tilespmem:s16], [sflag:$0x1] =	stream.indirect.gather [hbm4b:s1+s12], $0x80, s2, s12, $0xb8;
	[tilespmem:$0x1A000] =	vst v63  }
0x10a: {  	s2 =	sadd.s32 $0x3200, s30  }
0x10b: {  	[tilespmem:s17], [sflag:$0x1] =	stream.indirect.gather [hbm4b:s1+s12], $0x80, s2, s12, $0xb8;
	[tilespmem:$0x1A000] =	vst v63  }
0x10c: {  	s2 =	sadd.s32 $0x3280, s30  }
0x10d: {  	[tilespmem:s18], [sflag:$0x2] =	stream.indirect.gather [hbm4b:s1+s12], $0x80, s2, s12, $0xb8;
	[tilespmem:$0x1A000] =	vst v63  }
0x10e: {  	s2 =	sadd.s32 $0x3300, s30  }
0x10f: {  	[tilespmem:s19], [sflag:$0x2] =	stream.indirect.gather [hbm4b:s1+s12], $0x80, s2, s12, $0xb8;
	[tilespmem:$0x1A000] =	vst v63  }
0x110: {  	s2 =	sadd.s32 $0x3380, s30  }
0x111: {  	[tilespmem:s20], [sflag:$0x2] =	stream.indirect.gather [hbm4b:s1+s12], $0x80, s2, s12, $0xb8;
	[tilespmem:$0x1A000] =	vst v63  }
0x112: {  	s2 =	sadd.s32 $0x3400, s30  }
0x113: {  	[tilespmem:s21], [sflag:$0x2] =	stream.indirect.gather [hbm4b:s1+s12], $0x80, s2, s12, $0xb8;
	[tilespmem:$0x1A000] =	vst v63  }
0x114: {  	s2 =	sadd.s32 $0x3480, s30  }
0x115: {  	[tilespmem:s22], [sflag:$0x2] =	stream.indirect.gather [hbm4b:s1+s12], $0x80, s2, s12, $0xb8;
	[tilespmem:$0x1A000] =	vst v63  }
0x116: {  	_ =	swait.ge [sflag:s23], $0x2000  }
0x117: {  	[sflag:s23] =	ssyncset.done $0x0  }
0x118: {  	[sflag:s23] =	ssyncadd.s32 $0xFFFFE000  }
0x119: {  	_ =	swait.ge [sflag:s23], $0x2000  }
0x11a: {  	[sflag:s23] =	ssyncset.done $0x0  }
0x11b: {  	[sflag:s23] =	ssyncadd.s32 $0xFFFFE000  }
0x11c: {  	_ =	swait.ge [sflag:s23], $0x2000  }
0x11d: {  	[sflag:s23] =	ssyncset.done $0x0  }
0x11e: {  	[sflag:s23] =	ssyncadd.s32 $0xFFFFE000  }
0x11f: {  	_ =	swait.ge [sflag:s23], $0x2000  }
0x120: {  	[sflag:s23] =	ssyncset.done $0x0  }
0x121: {  	[sflag:s23] =	ssyncadd.s32 $0xFFFFE000  }
0x122: {  	_ =	swait.ge [sflag:s23], $0x2000  }
0x123: {  	[sflag:s23] =	ssyncset.done $0x0  }
0x124: {  	[sflag:s23] =	ssyncadd.s32 $0xFFFFE000  }
0x125: {  	[hbm4b:s26+s3] =	stream.linear.scatter [tilespmem:s13], [sflag:$0x3], $0xA000, $0x38;
	[tilespmem:$0x1A000] =	vst v63  }
0x126: {  	_ =	swait.ge [sflag:s10], $0xA000  }
0x127: {  	[sflag:s10] =	ssyncset.done $0x0  }
0x128: {  	[sflag:s10] =	ssyncadd.s32 $0xFFFF6000  }
0x129: {  	_ =	swait.ge [sflag:s24], $0x2000  }
0x12a: {  	[sflag:s24] =	ssyncset.done $0x0  }
0x12b: {  	[sflag:s24] =	ssyncadd.s32 $0xFFFFE000  }
0x12c: {  	_ =	swait.ge [sflag:s24], $0x2000  }
0x12d: {  	[sflag:s24] =	ssyncset.done $0x0  }
0x12e: {  	[sflag:s24] =	ssyncadd.s32 $0xFFFFE000  }
0x12f: {  	_ =	swait.ge [sflag:s24], $0x2000  }
0x130: {  	[sflag:s24] =	ssyncset.done $0x0  }
0x131: {  	[sflag:s24] =	ssyncadd.s32 $0xFFFFE000  }
0x132: {  	_ =	swait.ge [sflag:s24], $0x2000  }
0x133: {  	[sflag:s24] =	ssyncset.done $0x0  }
0x134: {  	[sflag:s24] =	ssyncadd.s32 $0xFFFFE000  }
0x135: {  	_ =	swait.ge [sflag:s24], $0x2000  }
.Ltmp5:
0x136: {  	[sflag:s24] =	ssyncset.done $0x0;
	(pc) =	sbr.rel @p1 .LBB2_8-.Ltmp5, $4  }
0x137: {  	s2 =	sadd.s32 $0x1400, s26;
	[sflag:s24] =	ssyncadd.s32 $0xFFFFE000  }
0x138: {  	[hbm4b:s2+s3] =	stream.linear.scatter [tilespmem:s18], [sflag:$0x3], $0xA000, $0x38;
	[tilespmem:$0x1A000] =	vst v63  }
0x139: {  	_ =	swait.ge [sflag:s10], $0xA000  }
0x13a: {  	s30 =	sshra.s32 s29, $0x2;
	s26 =	sadd.s32 $0x2800, s26;
	[sflag:s10] =	ssyncset.done $0x0  }
.LBB2_9:
0x13b: {  	s2 =	sadd.s32 $0x3000, s30;
	[sflag:s10] =	ssyncadd.s32 @p0 $0xFFFF6000  }
0x13c: {  	[tilespmem:s13], [sflag:$0x1] =	stream.indirect.gather [hbm4b:s1+s12], $0x80, s2, s12, $0xb8;
	[tilespmem:$0x1A000] =	vst v63  }
0x13d: {  	s28 =	sadd.s32 $0x3080, s30  }
0x13e: {  	[tilespmem:s14], [sflag:$0x1] =	stream.indirect.gather [hbm4b:s1+s12], $0x80, s28, s12, $0xb8;
	[tilespmem:$0x1A000] =	vst v63  }
0x13f: {  	s29 =	sadd.s32 $0x3100, s30  }
0x140: {  	[tilespmem:s15], [sflag:$0x1] =	stream.indirect.gather [hbm4b:s1+s12], $0x80, s29, s12, $0xb8;
	[tilespmem:$0x1A000] =	vst v63  }
0x141: {  	s31 =	sadd.s32 $0x3180, s30  }
0x142: {  	[tilespmem:s16], [sflag:$0x1] =	stream.indirect.gather [hbm4b:s1+s12], $0x80, s31, s12, $0xb8;
	[tilespmem:$0x1A000] =	vst v63  }
0x143: {  	s28 =	sadd.s32 $0x3200, s30  }
0x144: {  	[tilespmem:s17], [sflag:$0x1] =	stream.indirect.gather [hbm4b:s1+s12], $0x80, s28, s12, $0xb8;
	[tilespmem:$0x1A000] =	vst v63  }
0x145: {  	s29 =	sadd.s32 $0x3280, s30  }
0x146: {  	[tilespmem:s18], [sflag:$0x2] =	stream.indirect.gather [hbm4b:s1+s12], $0x80, s29, s12, $0xb8;
	[tilespmem:$0x1A000] =	vst v63  }
0x147: {  	s31 =	sadd.s32 $0x3300, s30  }
0x148: {  	[tilespmem:s19], [sflag:$0x2] =	stream.indirect.gather [hbm4b:s1+s12], $0x80, s31, s12, $0xb8;
	[tilespmem:$0x1A000] =	vst v63  }
0x149: {  	s28 =	sadd.s32 $0x3380, s30  }
0x14a: {  	[tilespmem:s20], [sflag:$0x2] =	stream.indirect.gather [hbm4b:s1+s12], $0x80, s28, s12, $0xb8;
	[tilespmem:$0x1A000] =	vst v63  }
0x14b: {  	s29 =	sadd.s32 $0x3400, s30  }
0x14c: {  	[tilespmem:s21], [sflag:$0x2] =	stream.indirect.gather [hbm4b:s1+s12], $0x80, s29, s12, $0xb8;
	[tilespmem:$0x1A000] =	vst v63  }
0x14d: {  	s30 =	sadd.s32 $0x3480, s30  }
0x14e: {  	[tilespmem:s22], [sflag:$0x2] =	stream.indirect.gather [hbm4b:s1+s12], $0x80, s30, s12, $0xb8;
	[tilespmem:$0x1A000] =	vst v63  }
0x14f: {  	_ =	swait.ge [sflag:s23], $0x2000  }
0x150: {  	[sflag:s23] =	ssyncset.done $0x0  }
0x151: {  	[sflag:s23] =	ssyncadd.s32 $0xFFFFE000  }
0x152: {  	_ =	swait.ge [sflag:s23], $0x2000  }
0x153: {  	[sflag:s23] =	ssyncset.done $0x0  }
0x154: {  	[sflag:s23] =	ssyncadd.s32 $0xFFFFE000  }
0x155: {  	_ =	swait.ge [sflag:s23], $0x2000  }
0x156: {  	[sflag:s23] =	ssyncset.done $0x0  }
0x157: {  	[sflag:s23] =	ssyncadd.s32 $0xFFFFE000  }
0x158: {  	_ =	swait.ge [sflag:s23], $0x2000  }
0x159: {  	[sflag:s23] =	ssyncset.done $0x0  }
0x15a: {  	[sflag:s23] =	ssyncadd.s32 $0xFFFFE000  }
0x15b: {  	_ =	swait.ge [sflag:s23], $0x2000  }
0x15c: {  	[sflag:s23] =	ssyncset.done $0x0  }
0x15d: {  	[sflag:s23] =	ssyncadd.s32 $0xFFFFE000  }
0x15e: {  	[hbm4b:s26+s3] =	stream.linear.scatter [tilespmem:s13], [sflag:$0x3], $0xA000, $0x38;
	[tilespmem:$0x1A000] =	vst v63  }
0x15f: {  	_ =	swait.ge [sflag:s10], $0xA000  }
0x160: {  	[sflag:s10] =	ssyncset.done $0x0  }
0x161: {  	[sflag:s10] =	ssyncadd.s32 $0xFFFF6000  }
0x162: {  	_ =	swait.ge [sflag:s24], $0x2000  }
0x163: {  	[sflag:s24] =	ssyncset.done $0x0  }
0x164: {  	[sflag:s24] =	ssyncadd.s32 $0xFFFFE000  }
0x165: {  	_ =	swait.ge [sflag:s24], $0x2000  }
0x166: {  	[sflag:s24] =	ssyncset.done $0x0  }
0x167: {  	[sflag:s24] =	ssyncadd.s32 $0xFFFFE000  }
0x168: {  	_ =	swait.ge [sflag:s24], $0x2000  }
0x169: {  	[sflag:s24] =	ssyncset.done $0x0  }
0x16a: {  	[sflag:s24] =	ssyncadd.s32 $0xFFFFE000  }
0x16b: {  	_ =	swait.ge [sflag:s24], $0x2000  }
0x16c: {  	[sflag:s24] =	ssyncset.done $0x0  }
0x16d: {  	[sflag:s24] =	ssyncadd.s32 $0xFFFFE000  }
0x16e: {  	_ =	swait.ge [sflag:s24], $0x2000  }
0x16f: {  	s25 =	sadd.s32 $0x1, s25;
	[sflag:s24] =	ssyncset.done $0x0  }
0x170: {  	p0 =	sne.s32 s25, s7;
	s31 =	sadd.s32 $0x1400, s26;
	[sflag:s24] =	ssyncadd.s32 $0xFFFFE000  }
0x171: {  	[hbm4b:s31+s3] =	stream.linear.scatter [tilespmem:s18], [sflag:$0x3], $0xA000, $0x38;
	[tilespmem:$0x1A000] =	vst v63  }
.Ltmp6:
0x172: {  	_ = 	snop;
	(pc) =	sbr.rel @p0 .LBB2_1-.Ltmp6, $4  }
.Ltmp7:
0x173: {  	_ = 	snop;
	(pc) =	sbr.rel @!p0 .LBB2_10-.Ltmp7, $4  }
0x174: {  	_ =	swait.ge [sflag:s10], $0xA000  }
0x175: {  	[sflag:s10] =	ssyncset.done $0x0  }
0x176: {  	[sflag:s10] =	ssyncadd.s32 $0xFFFF6000  }
0x177: {  	_ = 	snop  }
.LBB2_3:
.Ltmp8:
0x178: {  	(pc) =	sbr.rel .LBB2_6-.Ltmp8, $2  }
0x179: {  	_ =	sdelay $0x2  }
0x17a: {  	s29 =	simm.s32 $0x1400  }
.LBB2_10:
0x17b: {  	_ =	sfence.sel $0x180000  }
0x17c: {  	[bflag:$0x0] =	sbarrier.arrive $0xFFFF  }
0x17d: {  	_ =	strace $0x90000047  }
0x17e: {  	[bflag:$0x2] =	sbarrier.arrive $0xFFFF  }
0x17f: {  	p0 =	sne.s32 s0, $0x0;
	s0 =	rddreg [dreg:$0x3]  }
0x180: {  	s0 =	sadd.s32 @!p0 $0x100000, s0  }
0x181: {  	[sflag:s0] =	ssyncadd.tile.s32 @!p0 $0x1;
	_ =	shalt  }
.Lfunc_end2:
_tile_overlayer_lowered:
.L_overlay_start_2:
0x182: {  	(tag) =	ssettag $0x2  }
0x183: {  	s0 =	rddreg [dreg:$0x0];
	s2 =	stileid.u32  }
0x184: {  	s1 =	rddreg [dreg:$0x1];
	p0 =	sne.s32 s2, $0x0  }
0x185: {  	s3 =	rddreg [dreg:$0x2];
	[bflag:$0x3] =	sbarrier.arrive $0xFFFF;
	s2 =	simm.s32 @!p0 $0x1C03  }
0x186: {  	[timem:s3], [sflag:s2] =	dma.local @!p0 [hbm:s0], s1  }
0x187: {  	s0 =	simm.s32 @!p0 $0x3  }
0x188: {  	_ =	swait.ge @!p0 [sflag:s0], s1  }
0x189: {  	s1 =	ssub.s32 @!p0 $0x0, s1;
	[sflag:s0] =	ssyncset.done @!p0 $0x0  }
0x18a: {  	[sflag:s0] =	ssyncadd.s32 @!p0 s1  }
0x18b: {  	[bflag:$0x3] =	sbarrier.arrive $0xFFFF  }
0x18c: {  	_ =	shalt  }

</sc_bundles>
